<compile_context>
chip_gen: v7x
topology: tpu7x:2x2x1
jax: 0.10.2.dev20260603
libtpu: 0.0.44.dev20260713+nightly
codegen_flags: <defaults>
</compile_context>

<pallas_src>
import jax
import jax.numpy as jnp
from jax import lax
from jax.experimental import pallas as pl
from jax.experimental.pallas import tpu as pltpu
from jax.experimental.pallas import tpu_sc as plsc

RES = 1024
H, W = 1080, 1920
NPIX = H * W
NTEX = 6 * RES * RES
PLANE = RES * RES
NWIN = NTEX * 4 // 8
C = 1024
NCHUNK = NPIX // C
CA = 2048
NCHA = NTEX // CA
CHF = PLANE // CA
NLANE = 16
NVREG = C // NLANE
NC, NS = 2, 16
NW = NC * NS
TR, TCW = H // 8, W // 128

_f32 = jnp.float32
_i32 = jnp.int32


def _pix_coords(x, y, z):
    ax, ay, az = jnp.abs(x), jnp.abs(y), jnp.abs(z)
    is_x = (ax >= ay) & (ax >= az)
    is_y = jnp.logical_not(is_x) & (ay >= az)
    pos_x = x >= 0.0
    pos_y = y >= 0.0
    pos_z = z >= 0.0
    face = jnp.where(
        is_x, jnp.where(pos_x, 0, 1),
        jnp.where(is_y, jnp.where(pos_y, 2, 3),
                  jnp.where(pos_z, 4, 5))).astype(_i32)
    ma = jnp.where(is_x, ax, jnp.where(is_y, ay, az)) + 1e-30
    u = jnp.where(is_x, jnp.where(pos_x, -z, z),
                  jnp.where(is_y, x, jnp.where(pos_z, x, -x)))
    v = jnp.where(is_x, -y,
                  jnp.where(is_y, jnp.where(pos_y, z, -z), -y))
    inv = 1.0 / ma
    s = (u * inv) * (RES * 0.5) + (RES * 0.5 - 0.5)
    t = (v * inv) * (RES * 0.5) + (RES * 0.5 - 0.5)
    si = s.astype(_i32)
    ti = t.astype(_i32)
    s0 = si - jnp.where(s < si.astype(_f32), 1, 0).astype(_i32)
    t0 = ti - jnp.where(t < ti.astype(_f32), 1, 0).astype(_i32)
    ws = s - s0.astype(_f32)
    wt = t - t0.astype(_f32)
    s0c = jnp.clip(s0, 0, RES - 1)
    s1c = jnp.minimum(s0c + 1, RES - 1)
    t0c = jnp.clip(t0, 0, RES - 1)
    t1c = jnp.minimum(t0c + 1, RES - 1)
    return face, s0c, s1c, t0c, t1c, ws, wt


def _ibody(planes, out, r_v, g_v, b_v, o_v, sem):
    wid = lax.axis_index("s") * NC + lax.axis_index("c")
    cnt = (NCHA - wid + NW - 1) // NW
    lane = lax.iota(_i32, NLANE)

    def chunk_body(i, _):
        ch = wid + i * NW
        f = ch // CHF
        base = f * (3 * PLANE) + (ch % CHF) * CA
        cps = [pltpu.async_copy(planes.at[pl.ds(base, CA)], r_v, sem),
               pltpu.async_copy(planes.at[pl.ds(base + PLANE, CA)], g_v, sem),
               pltpu.async_copy(planes.at[pl.ds(base + 2 * PLANE, CA)], b_v,
                                sem)]
        for cp in cps:
            cp.wait()

        @plsc.parallel_loop(0, CA // NLANE, 1, unroll=4)
        def vl(j):
            d = pl.ds(j * NLANE, NLANE)
            idx4 = (lane + j * NLANE) * 4
            plsc.store_scatter(o_v, [idx4], r_v[d])
            plsc.store_scatter(o_v, [idx4 + 1], g_v[d])
            plsc.store_scatter(o_v, [idx4 + 2], b_v[d])

        pltpu.sync_copy(o_v, out.at[pl.ds(ch * (CA * 4), CA * 4)])
        return _

    lax.fori_loop(0, cnt, chunk_body, None)


def _body(table, rays, maski, out,
          x_v, y_v, z_v, mask_v, it0a, it0b, it1a, it1b, offa_v, offb_v,
          ws_v, wt_v, mf_v, gA0, gB0, gA1, gB1, o0, o1, o2, sem):
    wid = lax.axis_index("s") * NC + lax.axis_index("c")
    cnt = (NCHUNK - wid + NW - 1) // NW
    lane = lax.iota(_i32, NLANE)

    def chunk_body(i, _):
        ch = wid + i * NW
        pbase = ch * C
        cps = [pltpu.async_copy(rays.at[pl.ds(pbase, C)], x_v, sem),
               pltpu.async_copy(rays.at[pl.ds(NPIX + pbase, C)], y_v, sem),
               pltpu.async_copy(rays.at[pl.ds(2 * NPIX + pbase, C)], z_v, sem),
               pltpu.async_copy(maski.at[pl.ds(pbase, C)], mask_v, sem)]
        for cp in cps:
            cp.wait()

        @plsc.parallel_loop(0, NVREG, 1, unroll=4)
        def pass1(j):
            d = pl.ds(j * NLANE, NLANE)
            face, s0c, s1c, t0c, t1c, ws, wt = _pix_coords(
                x_v[d], y_v[d], z_v[d])
            m = mask_v[d]
            sp0 = ((s0c >> 7) << 10) + (s0c & 127)
            sp1 = ((s1c >> 7) << 10) + (s1c & 127)
            base0 = face * PLANE + ((t0c >> 3) << 13) + ((t0c & 7) << 7)
            base1 = face * PLANE + ((t1c >> 3) << 13) + ((t1c & 7) << 7)
            it0a[d] = (base0 + sp0) >> 1
            it0b[d] = (base0 + sp1) >> 1
            it1a[d] = (base1 + sp0) >> 1
            it1b[d] = (base1 + sp1) >> 1
            offa_v[d] = (s0c & 1) << 2
            offb_v[d] = (s1c & 1) << 2
            ws_v[d] = ws
            wt_v[d] = wt
            mf_v[d] = m.astype(_f32)


        copies = []
        for idx_v, g in ((it0a, gA0), (it0b, gB0), (it1a, gA1), (it1b, gB1)):
            copies.append(pltpu.async_copy(table.at[idx_v], g, sem))
        for cp in copies:
            cp.wait()

        @plsc.parallel_loop(0, NVREG, 1, unroll=4)
        def pass2(j):
            d = pl.ds(j * NLANE, NLANE)
            row = lane + j * NLANE
            ws = ws_v[d]
            wt = wt_v[d]
            mf = mf_v[d]
            offa = offa_v[d]
            offb = offb_v[d]
            for c, o_v in ((0, o0), (1, o1), (2, o2)):
                ca = offa + c
                cb = offb + c
                c00 = plsc.load_gather(gA0, [row, ca])
                c01 = plsc.load_gather(gB0, [row, cb])
                c10 = plsc.load_gather(gA1, [row, ca])
                c11 = plsc.load_gather(gB1, [row, cb])
                top = c00 + ws * (c01 - c00)
                bot = c10 + ws * (c11 - c10)
                val = top + wt * (bot - top)
                val = jnp.minimum(jnp.maximum(val, 0.0), 1.0) * mf
                o_v[d] = val


        ocps = [pltpu.async_copy(o0, out.at[pl.ds(pbase, C)], sem),
                pltpu.async_copy(o1, out.at[pl.ds(NPIX + pbase, C)], sem),
                pltpu.async_copy(o2, out.at[pl.ds(2 * NPIX + pbase, C)], sem)]
        for cp in ocps:
            cp.wait()
        return _

    lax.fori_loop(0, cnt, chunk_body, None)


_SC_PARAMS = pltpu.CompilerParams(
    needs_layout_passes=False, use_tc_tiling_on_sc=False)
_MESH = plsc.VectorSubcoreMesh(core_axis_name="c", subcore_axis_name="s")


@jax.jit
def _run(planes, rays, maski):
    interleave = pl.kernel(
        _ibody,
        out_type=jax.ShapeDtypeStruct((NTEX * 4,), _f32),
        mesh=_MESH,
        compiler_params=_SC_PARAMS,
        scratch_types=[
            pltpu.VMEM((CA,), _f32),
            pltpu.VMEM((CA,), _f32),
            pltpu.VMEM((CA,), _f32),
            pltpu.VMEM((CA * 4,), _f32),
            pltpu.SemaphoreType.DMA,
        ],
    )
    rgba = interleave(planes)
    table = rgba.reshape(NWIN, 8)
    lookup = pl.kernel(
        _body,
        out_type=jax.ShapeDtypeStruct((3 * NPIX,), _f32),
        mesh=_MESH,
        compiler_params=_SC_PARAMS,
        scratch_types=[
            pltpu.VMEM((C,), _f32),
            pltpu.VMEM((C,), _f32),
            pltpu.VMEM((C,), _f32),
            pltpu.VMEM((C,), _i32),
            pltpu.VMEM((C,), _i32),
            pltpu.VMEM((C,), _i32),
            pltpu.VMEM((C,), _i32),
            pltpu.VMEM((C,), _i32),
            pltpu.VMEM((C,), _i32),
            pltpu.VMEM((C,), _i32),
            pltpu.VMEM((C,), _f32),
            pltpu.VMEM((C,), _f32),
            pltpu.VMEM((C,), _f32),
            pltpu.VMEM((C, 8), _f32),
            pltpu.VMEM((C, 8), _f32),
            pltpu.VMEM((C, 8), _f32),
            pltpu.VMEM((C, 8), _f32),
            pltpu.VMEM((C,), _f32),
            pltpu.VMEM((C,), _f32),
            pltpu.VMEM((C,), _f32),
            pltpu.SemaphoreType.DMA,
        ],
    )
    return lookup(table, rays, maski)


def _to_tile_order(x):
    return (x.reshape(TR, 8, TCW, 128)
            .transpose(0, 2, 1, 3)
            .reshape(NPIX))


def _from_tile_order(x):
    return (x.reshape(TR, TCW, 8, 128)
            .transpose(0, 2, 1, 3)
            .reshape(H, W))


def kernel(sky_cube_map, rays_d, mask):
    planes = (jnp.transpose(sky_cube_map, (0, 3, 1, 2))
              .reshape(6, 3, RES // 8, 8, RES // 128, 128)
              .transpose(0, 1, 2, 4, 3, 5)
              .reshape(NTEX * 3))
    rays_pl = jnp.transpose(rays_d, (2, 0, 1))
    rays = jnp.stack([_to_tile_order(rays_pl[c]) for c in range(3)]
                     ).reshape(3 * NPIX)
    maski = _to_tile_order(mask.astype(_i32))
    out = _run(planes, rays, maski)
    planes_o = [_from_tile_order(out[c * NPIX:(c + 1) * NPIX])
                for c in range(3)]
    return jnp.stack(planes_o)

# --- scband reference (transcript-rebuilt; emitter-appended) ---
"""Pipeline reference for scband-sky-cube-map-54322746360435 (READ-ONLY COPY).

The authoritative reference and input builder live on the scoring server;
editing this copy changes nothing except your own understanding.
"""

import jax, jax.numpy as jnp
import numpy as np

RES = 1024
H, W = 1080, 1920


def _sample_cubemap(cm, dirs):
    # cm: [6, res, res, 3]; dirs: [..., 3] (normalized). Bilinear filter,
    # per-face edge clamp approximating nvdiffrast boundary_mode='cube'.
    res = cm.shape[1]
    x = dirs[..., 0]
    y = dirs[..., 1]
    z = dirs[..., 2]
    ax, ay, az = jnp.abs(x), jnp.abs(y), jnp.abs(z)
    is_x = (ax >= ay) & (ax >= az)
    is_y = (~is_x) & (ay >= az)
    pos_x = x >= 0
    pos_y = y >= 0
    pos_z = z >= 0
    face = jnp.where(is_x, jnp.where(pos_x, 0, 1),
           jnp.where(is_y, jnp.where(pos_y, 2, 3),
                     jnp.where(pos_z, 4, 5))).astype(jnp.int32)
    ma = jnp.where(is_x, ax, jnp.where(is_y, ay, az)) + 1e-12
    u = jnp.where(is_x, jnp.where(pos_x, -z, z),
        jnp.where(is_y, x, jnp.where(pos_z, x, -x)))
    v = jnp.where(is_x, -y,
        jnp.where(is_y, jnp.where(pos_y, z, -z), -y))
    u = u / ma
    v = v / ma
    s = (u * 0.5 + 0.5) * res - 0.5
    t = (v * 0.5 + 0.5) * res - 0.5
    s0 = jnp.floor(s)
    t0 = jnp.floor(t)
    ws = (s - s0)[..., None]
    wt = (t - t0)[..., None]
    s0i = jnp.clip(s0.astype(jnp.int32), 0, res - 1)
    s1i = jnp.clip(s0i + 1, 0, res - 1)
    t0i = jnp.clip(t0.astype(jnp.int32), 0, res - 1)
    t1i = jnp.clip(t0i + 1, 0, res - 1)
    flat = cm.reshape(-1, cm.shape[-1])
    base = face * (res * res)
    c00 = jnp.take(flat, base + t0i * res + s0i, axis=0)
    c01 = jnp.take(flat, base + t0i * res + s1i, axis=0)
    c10 = jnp.take(flat, base + t1i * res + s0i, axis=0)
    c11 = jnp.take(flat, base + t1i * res + s1i, axis=0)
    top = c00 * (1.0 - ws) + c01 * ws
    bot = c10 * (1.0 - ws) + c11 * ws
    return top * (1.0 - wt) + bot * wt


def setup_inputs(seed: int = 0) -> dict:
    key = jax.random.key(seed)
    k1, k2, k3 = jax.random.split(key, 3)
    sky_cube_map = jax.random.uniform(k1, (6, RES, RES, 3), dtype=jnp.float32)
    rays_d = jax.random.normal(k2, (H, W, 3), dtype=jnp.float32)
    mask = jax.random.randint(k3, (H, W), 0, 2).astype(jnp.bool_)
    return {"sky_cube_map": sky_cube_map, "rays_d": rays_d, "mask": mask}


def reference(sky_cube_map, rays_d, mask):
    # Normalize ray directions
    d = rays_d / (jnp.linalg.norm(rays_d, axis=-1, keepdims=True) + 1e-12)
    sampled = _sample_cubemap(sky_cube_map, d)  # [H, W, 3]
    # Masked branch: background is zeros (white_background=False),
    # masked pixels receive sampled sky color (sky_color[mask] = sampled[mask])
    background = jnp.zeros_like(sampled)
    sky_color = jnp.where(mask[..., None], sampled, background)
    sky_color = jnp.clip(sky_color, 0.0, 1.0)
    return jnp.transpose(sky_color, (2, 0, 1))  # [3, H, W]

if __name__ == "__main__":
    import jax
    _d = setup_inputs()
    print(jax.jit(kernel)(*tuple(_d.values())))

</pallas_src>

<mosaic_0001>
#map = affine_map<(d0, d1) -> (0, 0)>
#map1 = affine_map<(d0, d1) -> (0)>
module attributes {stable_mosaic.version = 14 : i64} {
  func.func @_body(%arg0: i32, %arg1: i32, %arg2: memref<3145728x8xf32, #tpu.memory_space<hbm>>, %arg3: memref<6220800xf32, #tpu.memory_space<hbm>>, %arg4: memref<2073600xi32, #tpu.memory_space<hbm>>, %arg5: memref<6220800xf32, #tpu.memory_space<hbm>>, %arg6: memref<1024xf32, #tpu.memory_space<vmem>>, %arg7: memref<1024xf32, #tpu.memory_space<vmem>>, %arg8: memref<1024xf32, #tpu.memory_space<vmem>>, %arg9: memref<1024xi32, #tpu.memory_space<vmem>>, %arg10: memref<1024xi32, #tpu.memory_space<vmem>>, %arg11: memref<1024xi32, #tpu.memory_space<vmem>>, %arg12: memref<1024xi32, #tpu.memory_space<vmem>>, %arg13: memref<1024xi32, #tpu.memory_space<vmem>>, %arg14: memref<1024xi32, #tpu.memory_space<vmem>>, %arg15: memref<1024xi32, #tpu.memory_space<vmem>>, %arg16: memref<1024xf32, #tpu.memory_space<vmem>>, %arg17: memref<1024xf32, #tpu.memory_space<vmem>>, %arg18: memref<1024xf32, #tpu.memory_space<vmem>>, %arg19: memref<1024x8xf32, #tpu.memory_space<vmem>>, %arg20: memref<1024x8xf32, #tpu.memory_space<vmem>>, %arg21: memref<1024x8xf32, #tpu.memory_space<vmem>>, %arg22: memref<1024x8xf32, #tpu.memory_space<vmem>>, %arg23: memref<1024xf32, #tpu.memory_space<vmem>>, %arg24: memref<1024xf32, #tpu.memory_space<vmem>>, %arg25: memref<1024xf32, #tpu.memory_space<vmem>>, %arg26: memref<!tpu.dma_semaphore, #tpu.memory_space<semaphore_mem>>) attributes {dimension_semantics = [#tpu.dimension_semantics<core_parallel>, #tpu.dimension_semantics<subcore_parallel>], iteration_bounds = array<i64: 2, 16>, scalar_prefetch = 0 : i64, scratch_operands = 21 : i64, tpu.core_type = #tpu.core_type<sc_vector_subcore>, window_params = [{transform_indices = #map}, {transform_indices = #map1}, {transform_indices = #map1}, {transform_indices = #map1}]} {
    %mul3A = arith.constant 2 : i32
    %mul3A_0 = arith.muli %arg1, %mul3A : i32
    %add3A = arith.addi %mul3A_0, %arg0 : i32
    %sub3A = arith.constant 2025 : i32
    %sub3A_1 = arith.subi %sub3A, %add3A : i32
    %add3A_2 = arith.constant 32 : i32
    %add3A_3 = arith.addi %sub3A_1, %add3A_2 : i32
    %sub3A_4 = arith.constant 1 : i32
    %sub3A_5 = arith.subi %add3A_3, %sub3A_4 : i32
    %jit3A = arith.constant 32 : i32
    %div3A = arith.divsi %sub3A_5, %jit3A : i32
    %sign3A = arith.constant 0 : i32
    %sign3A_6 = arith.cmpi sgt, %sub3A_5, %sign3A : i32
    %sign3A_7 = arith.extui %sign3A_6 : i1 to i32
    %sign3A_8 = arith.constant 0 : i32
    %sign3A_9 = arith.cmpi slt, %sub3A_5, %sign3A_8 : i32
    %sign3A_10 = arith.extui %sign3A_9 : i1 to i32
    %sign3A_11 = arith.subi %sign3A_7, %sign3A_10 : i32
    %sign3A_12 = arith.constant 0 : i32
    %sign3A_13 = arith.cmpi sgt, %jit3A, %sign3A_12 : i32
    %sign3A_14 = arith.extui %sign3A_13 : i1 to i32
    %sign3A_15 = arith.constant 0 : i32
    %sign3A_16 = arith.cmpi slt, %jit3A, %sign3A_15 : i32
    %sign3A_17 = arith.extui %sign3A_16 : i1 to i32
    %sign3A_18 = arith.subi %sign3A_14, %sign3A_17 : i32
    %ne3A = arith.cmpi ne, %sign3A_11, %sign3A_18 : i32
    %rem3A = arith.remsi %sub3A_5, %jit3A : i32
    %ne3A_19 = arith.constant 0 : i32
    %ne3A_20 = arith.cmpi ne, %rem3A, %ne3A_19 : i32
    %and3A = arith.andi %ne3A, %ne3A_20 : i1
    %sub3A_21 = arith.constant 1 : i32
    %sub3A_22 = arith.subi %div3A, %sub3A_21 : i32
    %select_n3A = arith.select %and3A, %sub3A_22, %div3A : i32
    %iota3A = tpu.iota {dimensions = array<i32: 0>} : vector<16xi32>
    %while3A = arith.constant 0 : i32
    %while3A_23 = arith.subi %select_n3A, %while3A : i32
    %while3A_24 = arith.addi %while3A, %while3A_23 : i32
    %while3A_25 = arith.constant 1 : i32
    %while3A_26 = arith.divsi %while3A_23, %while3A_25 : i32
    %while3A_27 = arith.muli %while3A_26, %while3A_25 : i32
    %while3A_28 = arith.addi %while3A, %while3A_27 : i32
    %while3A_29 = arith.constant 1 : i32
    scf.for %while3A_31 = %while3A to %while3A_28 step %while3A_29  : i32 {
      %mul3A_32 = arith.constant 32 : i32
      %mul3A_33 = arith.muli %while3A_31, %mul3A_32 : i32
      %add3A_34 = arith.addi %add3A, %mul3A_33 : i32
      %mul3A_35 = arith.constant 1024 : i32
      %mul3A_36 = arith.muli %add3A_34, %mul3A_35 : i32
      %dma_start3A = tpu.memref_slice %arg3[%mul3A_36] : memref<6220800xf32, #tpu.memory_space<hbm>> -> memref<1024xf32, #tpu.memory_space<hbm>>
      %dma_start3A_37 = tpu.memref_slice %arg3[%mul3A_36] : memref<6220800xf32, #tpu.memory_space<hbm>> -> memref<1024xf32, #tpu.memory_space<hbm>>
      tpu.enqueue_dma source(%dma_start3A_37 : memref<1024xf32, #tpu.memory_space<hbm>>) target(%arg6 : memref<1024xf32, #tpu.memory_space<vmem>>) target_semaphore(%arg26 : memref<!tpu.dma_semaphore, #tpu.memory_space<semaphore_mem>>)
      %add3A_38 = arith.constant 2073600 : i32
      %add3A_39 = arith.addi %add3A_38, %mul3A_36 : i32
      %dma_start3A_40 = tpu.memref_slice %arg3[%add3A_39] : memref<6220800xf32, #tpu.memory_space<hbm>> -> memref<1024xf32, #tpu.memory_space<hbm>>
      %dma_start3A_41 = tpu.memref_slice %arg3[%add3A_39] : memref<6220800xf32, #tpu.memory_space<hbm>> -> memref<1024xf32, #tpu.memory_space<hbm>>
      tpu.enqueue_dma source(%dma_start3A_41 : memref<1024xf32, #tpu.memory_space<hbm>>) target(%arg7 : memref<1024xf32, #tpu.memory_space<vmem>>) target_semaphore(%arg26 : memref<!tpu.dma_semaphore, #tpu.memory_space<semaphore_mem>>)
      %add3A_42 = arith.constant 4147200 : i32
      %add3A_43 = arith.addi %add3A_42, %mul3A_36 : i32
      %dma_start3A_44 = tpu.memref_slice %arg3[%add3A_43] : memref<6220800xf32, #tpu.memory_space<hbm>> -> memref<1024xf32, #tpu.memory_space<hbm>>
      %dma_start3A_45 = tpu.memref_slice %arg3[%add3A_43] : memref<6220800xf32, #tpu.memory_space<hbm>> -> memref<1024xf32, #tpu.memory_space<hbm>>
      tpu.enqueue_dma source(%dma_start3A_45 : memref<1024xf32, #tpu.memory_space<hbm>>) target(%arg8 : memref<1024xf32, #tpu.memory_space<vmem>>) target_semaphore(%arg26 : memref<!tpu.dma_semaphore, #tpu.memory_space<semaphore_mem>>)
      %dma_start3A_46 = tpu.memref_slice %arg4[%mul3A_36] : memref<2073600xi32, #tpu.memory_space<hbm>> -> memref<1024xi32, #tpu.memory_space<hbm>>
      %dma_start3A_47 = tpu.memref_slice %arg4[%mul3A_36] : memref<2073600xi32, #tpu.memory_space<hbm>> -> memref<1024xi32, #tpu.memory_space<hbm>>
      tpu.enqueue_dma source(%dma_start3A_47 : memref<1024xi32, #tpu.memory_space<hbm>>) target(%arg9 : memref<1024xi32, #tpu.memory_space<vmem>>) target_semaphore(%arg26 : memref<!tpu.dma_semaphore, #tpu.memory_space<semaphore_mem>>)
      %dma_wait3A = tpu.memref_slice %arg3[%mul3A_36] : memref<6220800xf32, #tpu.memory_space<hbm>> -> memref<1024xf32, #tpu.memory_space<hbm>>
      %dma_wait3A_48 = tpu.memref_slice %arg3[%mul3A_36] : memref<6220800xf32, #tpu.memory_space<hbm>> -> memref<1024xf32, #tpu.memory_space<hbm>>
      tpu.wait_dma2 semaphore(%arg26 : memref<!tpu.dma_semaphore, #tpu.memory_space<semaphore_mem>>) src(%dma_wait3A_48 : memref<1024xf32, #tpu.memory_space<hbm>>) dst(%arg6 : memref<1024xf32, #tpu.memory_space<vmem>>)
      %dma_wait3A_49 = tpu.memref_slice %arg3[%add3A_39] : memref<6220800xf32, #tpu.memory_space<hbm>> -> memref<1024xf32, #tpu.memory_space<hbm>>
      %dma_wait3A_50 = tpu.memref_slice %arg3[%add3A_39] : memref<6220800xf32, #tpu.memory_space<hbm>> -> memref<1024xf32, #tpu.memory_space<hbm>>
      tpu.wait_dma2 semaphore(%arg26 : memref<!tpu.dma_semaphore, #tpu.memory_space<semaphore_mem>>) src(%dma_wait3A_50 : memref<1024xf32, #tpu.memory_space<hbm>>) dst(%arg7 : memref<1024xf32, #tpu.memory_space<vmem>>)
      %dma_wait3A_51 = tpu.memref_slice %arg3[%add3A_43] : memref<6220800xf32, #tpu.memory_space<hbm>> -> memref<1024xf32, #tpu.memory_space<hbm>>
      %dma_wait3A_52 = tpu.memref_slice %arg3[%add3A_43] : memref<6220800xf32, #tpu.memory_space<hbm>> -> memref<1024xf32, #tpu.memory_space<hbm>>
      tpu.wait_dma2 semaphore(%arg26 : memref<!tpu.dma_semaphore, #tpu.memory_space<semaphore_mem>>) src(%dma_wait3A_52 : memref<1024xf32, #tpu.memory_space<hbm>>) dst(%arg8 : memref<1024xf32, #tpu.memory_space<vmem>>)
      %dma_wait3A_53 = tpu.memref_slice %arg4[%mul3A_36] : memref<2073600xi32, #tpu.memory_space<hbm>> -> memref<1024xi32, #tpu.memory_space<hbm>>
      %dma_wait3A_54 = tpu.memref_slice %arg4[%mul3A_36] : memref<2073600xi32, #tpu.memory_space<hbm>> -> memref<1024xi32, #tpu.memory_space<hbm>>
      tpu.wait_dma2 semaphore(%arg26 : memref<!tpu.dma_semaphore, #tpu.memory_space<semaphore_mem>>) src(%dma_wait3A_54 : memref<1024xi32, #tpu.memory_space<hbm>>) dst(%arg9 : memref<1024xi32, #tpu.memory_space<vmem>>)
      %parallel_loop3A = arith.constant 0 : i32
      %parallel_loop3A_55 = arith.constant 64 : i32
      %parallel_loop3A_56 = arith.constant 1 : i32
      scf.for %parallel_loop3A_100 = %parallel_loop3A to %parallel_loop3A_55 step %parallel_loop3A_56  : i32 {
        %parallel_loop3A_101 = arith.constant 16 : i32
        %parallel_loop3A_102 = arith.muli %parallel_loop3A_100, %parallel_loop3A_101 : i32
        %parallel_loop3A_103 = arith.index_cast %parallel_loop3A_102 : i32 to index
        %parallel_loop3A_104 = tpu.vector_load %arg6[%parallel_loop3A_103] {strides = array<i32>} : memref<1024xf32, #tpu.memory_space<vmem>>, vector<16xf32>,
        %parallel_loop3A_105 = arith.index_cast %parallel_loop3A_102 : i32 to index
        %parallel_loop3A_106 = tpu.vector_load %arg7[%parallel_loop3A_105] {strides = array<i32>} : memref<1024xf32, #tpu.memory_space<vmem>>, vector<16xf32>,
        %parallel_loop3A_107 = arith.index_cast %parallel_loop3A_102 : i32 to index
        %parallel_loop3A_108 = tpu.vector_load %arg8[%parallel_loop3A_107] {strides = array<i32>} : memref<1024xf32, #tpu.memory_space<vmem>>, vector<16xf32>,
        %parallel_loop3A_109 = math.absf %parallel_loop3A_104 : vector<16xf32>
        %parallel_loop3A_110 = math.absf %parallel_loop3A_106 : vector<16xf32>
        %parallel_loop3A_111 = math.absf %parallel_loop3A_108 : vector<16xf32>
        %parallel_loop3A_112 = arith.cmpf oge, %parallel_loop3A_109, %parallel_loop3A_110 : vector<16xf32>
        %parallel_loop3A_113 = arith.cmpf oge, %parallel_loop3A_109, %parallel_loop3A_111 : vector<16xf32>
        %parallel_loop3A_114 = arith.andi %parallel_loop3A_112, %parallel_loop3A_113 : vector<16xi1>
        %parallel_loop3A_115 = arith.constant dense<true> : vector<16xi1>
        %parallel_loop3A_116 = arith.xori %parallel_loop3A_114, %parallel_loop3A_115 : vector<16xi1>
        %parallel_loop3A_117 = arith.cmpf oge, %parallel_loop3A_110, %parallel_loop3A_111 : vector<16xf32>
        %parallel_loop3A_118 = arith.andi %parallel_loop3A_116, %parallel_loop3A_117 : vector<16xi1>
        %parallel_loop3A_119 = arith.constant 0.000000e+00 : f32
        %parallel_loop3A_120 = vector.broadcast %parallel_loop3A_119 : f32 to vector<16xf32>
        %parallel_loop3A_121 = arith.cmpf oge, %parallel_loop3A_104, %parallel_loop3A_120 : vector<16xf32>
        %parallel_loop3A_122 = arith.constant 0.000000e+00 : f32
        %parallel_loop3A_123 = vector.broadcast %parallel_loop3A_122 : f32 to vector<16xf32>
        %parallel_loop3A_124 = arith.cmpf oge, %parallel_loop3A_106, %parallel_loop3A_123 : vector<16xf32>
        %parallel_loop3A_125 = arith.constant 0.000000e+00 : f32
        %parallel_loop3A_126 = vector.broadcast %parallel_loop3A_125 : f32 to vector<16xf32>
        %parallel_loop3A_127 = arith.cmpf oge, %parallel_loop3A_108, %parallel_loop3A_126 : vector<16xf32>
        %parallel_loop3A_128 = arith.constant 0 : i32
        %parallel_loop3A_129 = arith.constant 1 : i32
        %parallel_loop3A_130 = vector.broadcast %parallel_loop3A_128 : i32 to vector<16xi32>
        %parallel_loop3A_131 = vector.broadcast %parallel_loop3A_129 : i32 to vector<16xi32>
        %parallel_loop3A_132 = arith.select %parallel_loop3A_121, %parallel_loop3A_130, %parallel_loop3A_131 : vector<16xi1>, vector<16xi32>
        %parallel_loop3A_133 = arith.constant 2 : i32
        %parallel_loop3A_134 = arith.constant 3 : i32
        %parallel_loop3A_135 = vector.broadcast %parallel_loop3A_133 : i32 to vector<16xi32>
        %parallel_loop3A_136 = vector.broadcast %parallel_loop3A_134 : i32 to vector<16xi32>
        %parallel_loop3A_137 = arith.select %parallel_loop3A_124, %parallel_loop3A_135, %parallel_loop3A_136 : vector<16xi1>, vector<16xi32>
        %parallel_loop3A_138 = arith.constant 4 : i32
        %parallel_loop3A_139 = arith.constant 5 : i32
        %parallel_loop3A_140 = vector.broadcast %parallel_loop3A_138 : i32 to vector<16xi32>
        %parallel_loop3A_141 = vector.broadcast %parallel_loop3A_139 : i32 to vector<16xi32>
        %parallel_loop3A_142 = arith.select %parallel_loop3A_127, %parallel_loop3A_140, %parallel_loop3A_141 : vector<16xi1>, vector<16xi32>
        %parallel_loop3A_143 = arith.select %parallel_loop3A_118, %parallel_loop3A_137, %parallel_loop3A_142 : vector<16xi1>, vector<16xi32>
        %parallel_loop3A_144 = arith.select %parallel_loop3A_114, %parallel_loop3A_132, %parallel_loop3A_143 : vector<16xi1>, vector<16xi32>
        %parallel_loop3A_145 = arith.select %parallel_loop3A_118, %parallel_loop3A_110, %parallel_loop3A_111 : vector<16xi1>, vector<16xf32>
        %parallel_loop3A_146 = arith.select %parallel_loop3A_114, %parallel_loop3A_109, %parallel_loop3A_145 : vector<16xi1>, vector<16xf32>
        %parallel_loop3A_147 = arith.constant 1.000000e-30 : f32
        %parallel_loop3A_148 = vector.broadcast %parallel_loop3A_147 : f32 to vector<16xf32>
        %parallel_loop3A_149 = arith.addf %parallel_loop3A_146, %parallel_loop3A_148 : vector<16xf32>
        %parallel_loop3A_150 = arith.constant 0.000000e+00 : f32
        %parallel_loop3A_151 = vector.broadcast %parallel_loop3A_150 : f32 to vector<16xf32>
        %parallel_loop3A_152 = arith.subf %parallel_loop3A_151, %parallel_loop3A_108 : vector<16xf32>
        %parallel_loop3A_153 = arith.select %parallel_loop3A_121, %parallel_loop3A_152, %parallel_loop3A_108 : vector<16xi1>, vector<16xf32>
        %parallel_loop3A_154 = arith.constant 0.000000e+00 : f32
        %parallel_loop3A_155 = vector.broadcast %parallel_loop3A_154 : f32 to vector<16xf32>
        %parallel_loop3A_156 = arith.subf %parallel_loop3A_155, %parallel_loop3A_104 : vector<16xf32>
        %parallel_loop3A_157 = arith.select %parallel_loop3A_127, %parallel_loop3A_104, %parallel_loop3A_156 : vector<16xi1>, vector<16xf32>
        %parallel_loop3A_158 = arith.select %parallel_loop3A_118, %parallel_loop3A_104, %parallel_loop3A_157 : vector<16xi1>, vector<16xf32>
        %parallel_loop3A_159 = arith.select %parallel_loop3A_114, %parallel_loop3A_153, %parallel_loop3A_158 : vector<16xi1>, vector<16xf32>
        %parallel_loop3A_160 = arith.constant 0.000000e+00 : f32
        %parallel_loop3A_161 = vector.broadcast %parallel_loop3A_160 : f32 to vector<16xf32>
        %parallel_loop3A_162 = arith.subf %parallel_loop3A_161, %parallel_loop3A_106 : vector<16xf32>
        %parallel_loop3A_163 = arith.constant 0.000000e+00 : f32
        %parallel_loop3A_164 = vector.broadcast %parallel_loop3A_163 : f32 to vector<16xf32>
        %parallel_loop3A_165 = arith.subf %parallel_loop3A_164, %parallel_loop3A_108 : vector<16xf32>
        %parallel_loop3A_166 = arith.select %parallel_loop3A_124, %parallel_loop3A_108, %parallel_loop3A_165 : vector<16xi1>, vector<16xf32>
        %parallel_loop3A_167 = arith.constant 0.000000e+00 : f32
        %parallel_loop3A_168 = vector.broadcast %parallel_loop3A_167 : f32 to vector<16xf32>
        %parallel_loop3A_169 = arith.subf %parallel_loop3A_168, %parallel_loop3A_106 : vector<16xf32>
        %parallel_loop3A_170 = arith.select %parallel_loop3A_118, %parallel_loop3A_166, %parallel_loop3A_169 : vector<16xi1>, vector<16xf32>
        %parallel_loop3A_171 = arith.select %parallel_loop3A_114, %parallel_loop3A_162, %parallel_loop3A_170 : vector<16xi1>, vector<16xf32>
        %parallel_loop3A_172 = arith.constant 1.000000e+00 : f32
        %parallel_loop3A_173 = vector.broadcast %parallel_loop3A_172 : f32 to vector<16xf32>
        %parallel_loop3A_174 = arith.divf %parallel_loop3A_173, %parallel_loop3A_149 : vector<16xf32>
        %parallel_loop3A_175 = arith.mulf %parallel_loop3A_159, %parallel_loop3A_174 : vector<16xf32>
        %parallel_loop3A_176 = arith.constant 5.120000e+02 : f32
        %parallel_loop3A_177 = vector.broadcast %parallel_loop3A_176 : f32 to vector<16xf32>
        %parallel_loop3A_178 = arith.mulf %parallel_loop3A_175, %parallel_loop3A_177 : vector<16xf32>
        %parallel_loop3A_179 = arith.constant 5.115000e+02 : f32
        %parallel_loop3A_180 = vector.broadcast %parallel_loop3A_179 : f32 to vector<16xf32>
        %parallel_loop3A_181 = arith.addf %parallel_loop3A_178, %parallel_loop3A_180 : vector<16xf32>
        %parallel_loop3A_182 = arith.mulf %parallel_loop3A_171, %parallel_loop3A_174 : vector<16xf32>
        %parallel_loop3A_183 = arith.constant 5.120000e+02 : f32
        %parallel_loop3A_184 = vector.broadcast %parallel_loop3A_183 : f32 to vector<16xf32>
        %parallel_loop3A_185 = arith.mulf %parallel_loop3A_182, %parallel_loop3A_184 : vector<16xf32>
        %parallel_loop3A_186 = arith.constant 5.115000e+02 : f32
        %parallel_loop3A_187 = vector.broadcast %parallel_loop3A_186 : f32 to vector<16xf32>
        %parallel_loop3A_188 = arith.addf %parallel_loop3A_185, %parallel_loop3A_187 : vector<16xf32>
        %parallel_loop3A_189 = arith.fptosi %parallel_loop3A_181 : vector<16xf32> to vector<16xi32>
        %parallel_loop3A_190 = arith.fptosi %parallel_loop3A_188 : vector<16xf32> to vector<16xi32>
        %parallel_loop3A_191 = arith.sitofp %parallel_loop3A_189 : vector<16xi32> to vector<16xf32>
        %parallel_loop3A_192 = arith.cmpf olt, %parallel_loop3A_181, %parallel_loop3A_191 : vector<16xf32>
        %parallel_loop3A_193 = arith.constant 1 : i32
        %parallel_loop3A_194 = arith.constant 0 : i32
        %parallel_loop3A_195 = vector.broadcast %parallel_loop3A_193 : i32 to vector<16xi32>
        %parallel_loop3A_196 = vector.broadcast %parallel_loop3A_194 : i32 to vector<16xi32>
        %parallel_loop3A_197 = arith.select %parallel_loop3A_192, %parallel_loop3A_195, %parallel_loop3A_196 : vector<16xi1>, vector<16xi32>
        %parallel_loop3A_198 = arith.subi %parallel_loop3A_189, %parallel_loop3A_197 : vector<16xi32>
        %parallel_loop3A_199 = arith.sitofp %parallel_loop3A_190 : vector<16xi32> to vector<16xf32>
        %parallel_loop3A_200 = arith.cmpf olt, %parallel_loop3A_188, %parallel_loop3A_199 : vector<16xf32>
        %parallel_loop3A_201 = arith.constant 1 : i32
        %parallel_loop3A_202 = arith.constant 0 : i32
        %parallel_loop3A_203 = vector.broadcast %parallel_loop3A_201 : i32 to vector<16xi32>
        %parallel_loop3A_204 = vector.broadcast %parallel_loop3A_202 : i32 to vector<16xi32>
        %parallel_loop3A_205 = arith.select %parallel_loop3A_200, %parallel_loop3A_203, %parallel_loop3A_204 : vector<16xi1>, vector<16xi32>
        %parallel_loop3A_206 = arith.subi %parallel_loop3A_190, %parallel_loop3A_205 : vector<16xi32>
        %parallel_loop3A_207 = arith.sitofp %parallel_loop3A_198 : vector<16xi32> to vector<16xf32>
        %parallel_loop3A_208 = arith.subf %parallel_loop3A_181, %parallel_loop3A_207 : vector<16xf32>
        %parallel_loop3A_209 = arith.sitofp %parallel_loop3A_206 : vector<16xi32> to vector<16xf32>
        %parallel_loop3A_210 = arith.subf %parallel_loop3A_188, %parallel_loop3A_209 : vector<16xf32>
        %parallel_loop3A_211 = arith.constant 0 : i32
        %parallel_loop3A_212 = arith.constant 1023 : i32
        %parallel_loop3A_213 = vector.broadcast %parallel_loop3A_211 : i32 to vector<16xi32>
        %parallel_loop3A_214 = arith.maxsi %parallel_loop3A_213, %parallel_loop3A_198 : vector<16xi32>
        %parallel_loop3A_215 = vector.broadcast %parallel_loop3A_212 : i32 to vector<16xi32>
        %parallel_loop3A_216 = arith.minsi %parallel_loop3A_215, %parallel_loop3A_214 : vector<16xi32>
        %parallel_loop3A_217 = arith.constant 1 : i32
        %parallel_loop3A_218 = vector.broadcast %parallel_loop3A_217 : i32 to vector<16xi32>
        %parallel_loop3A_219 = arith.addi %parallel_loop3A_216, %parallel_loop3A_218 : vector<16xi32>
        %parallel_loop3A_220 = arith.constant 1023 : i32
        %parallel_loop3A_221 = vector.broadcast %parallel_loop3A_220 : i32 to vector<16xi32>
        %parallel_loop3A_222 = arith.minsi %parallel_loop3A_219, %parallel_loop3A_221 : vector<16xi32>
        %parallel_loop3A_223 = arith.constant 0 : i32
        %parallel_loop3A_224 = arith.constant 1023 : i32
        %parallel_loop3A_225 = vector.broadcast %parallel_loop3A_223 : i32 to vector<16xi32>
        %parallel_loop3A_226 = arith.maxsi %parallel_loop3A_225, %parallel_loop3A_206 : vector<16xi32>
        %parallel_loop3A_227 = vector.broadcast %parallel_loop3A_224 : i32 to vector<16xi32>
        %parallel_loop3A_228 = arith.minsi %parallel_loop3A_227, %parallel_loop3A_226 : vector<16xi32>
        %parallel_loop3A_229 = arith.constant 1 : i32
        %parallel_loop3A_230 = vector.broadcast %parallel_loop3A_229 : i32 to vector<16xi32>
        %parallel_loop3A_231 = arith.addi %parallel_loop3A_228, %parallel_loop3A_230 : vector<16xi32>
        %parallel_loop3A_232 = arith.constant 1023 : i32
        %parallel_loop3A_233 = vector.broadcast %parallel_loop3A_232 : i32 to vector<16xi32>
        %parallel_loop3A_234 = arith.minsi %parallel_loop3A_231, %parallel_loop3A_233 : vector<16xi32>
        %parallel_loop3A_235 = arith.index_cast %parallel_loop3A_102 : i32 to index
        %parallel_loop3A_236 = tpu.vector_load %arg9[%parallel_loop3A_235] {strides = array<i32>} : memref<1024xi32, #tpu.memory_space<vmem>>, vector<16xi32>,
        %parallel_loop3A_237 = arith.constant 7 : i32
        %parallel_loop3A_238 = vector.broadcast %parallel_loop3A_237 : i32 to vector<16xi32>
        %parallel_loop3A_239 = arith.shrsi %parallel_loop3A_216, %parallel_loop3A_238 : vector<16xi32>
        %parallel_loop3A_240 = arith.constant 10 : i32
        %parallel_loop3A_241 = vector.broadcast %parallel_loop3A_240 : i32 to vector<16xi32>
        %parallel_loop3A_242 = arith.shli %parallel_loop3A_239, %parallel_loop3A_241 : vector<16xi32>
        %parallel_loop3A_243 = arith.constant 127 : i32
        %parallel_loop3A_244 = vector.broadcast %parallel_loop3A_243 : i32 to vector<16xi32>
        %parallel_loop3A_245 = arith.andi %parallel_loop3A_216, %parallel_loop3A_244 : vector<16xi32>
        %parallel_loop3A_246 = arith.addi %parallel_loop3A_242, %parallel_loop3A_245 : vector<16xi32>
        %parallel_loop3A_247 = arith.constant 7 : i32
        %parallel_loop3A_248 = vector.broadcast %parallel_loop3A_247 : i32 to vector<16xi32>
        %parallel_loop3A_249 = arith.shrsi %parallel_loop3A_222, %parallel_loop3A_248 : vector<16xi32>
        %parallel_loop3A_250 = arith.constant 10 : i32
        %parallel_loop3A_251 = vector.broadcast %parallel_loop3A_250 : i32 to vector<16xi32>
        %parallel_loop3A_252 = arith.shli %parallel_loop3A_249, %parallel_loop3A_251 : vector<16xi32>
        %parallel_loop3A_253 = arith.constant 127 : i32
        %parallel_loop3A_254 = vector.broadcast %parallel_loop3A_253 : i32 to vector<16xi32>
        %parallel_loop3A_255 = arith.andi %parallel_loop3A_222, %parallel_loop3A_254 : vector<16xi32>
        %parallel_loop3A_256 = arith.addi %parallel_loop3A_252, %parallel_loop3A_255 : vector<16xi32>
        %parallel_loop3A_257 = arith.constant 1048576 : i32
        %parallel_loop3A_258 = vector.broadcast %parallel_loop3A_257 : i32 to vector<16xi32>
        %parallel_loop3A_259 = arith.muli %parallel_loop3A_144, %parallel_loop3A_258 : vector<16xi32>
        %parallel_loop3A_260 = arith.constant 3 : i32
        %parallel_loop3A_261 = vector.broadcast %parallel_loop3A_260 : i32 to vector<16xi32>
        %parallel_loop3A_262 = arith.shrsi %parallel_loop3A_228, %parallel_loop3A_261 : vector<16xi32>
        %parallel_loop3A_263 = arith.constant 13 : i32
        %parallel_loop3A_264 = vector.broadcast %parallel_loop3A_263 : i32 to vector<16xi32>
        %parallel_loop3A_265 = arith.shli %parallel_loop3A_262, %parallel_loop3A_264 : vector<16xi32>
        %parallel_loop3A_266 = arith.addi %parallel_loop3A_259, %parallel_loop3A_265 : vector<16xi32>
        %parallel_loop3A_267 = arith.constant 7 : i32
        %parallel_loop3A_268 = vector.broadcast %parallel_loop3A_267 : i32 to vector<16xi32>
        %parallel_loop3A_269 = arith.andi %parallel_loop3A_228, %parallel_loop3A_268 : vector<16xi32>
        %parallel_loop3A_270 = arith.constant 7 : i32
        %parallel_loop3A_271 = vector.broadcast %parallel_loop3A_270 : i32 to vector<16xi32>
        %parallel_loop3A_272 = arith.shli %parallel_loop3A_269, %parallel_loop3A_271 : vector<16xi32>
        %parallel_loop3A_273 = arith.addi %parallel_loop3A_266, %parallel_loop3A_272 : vector<16xi32>
        %parallel_loop3A_274 = arith.constant 1048576 : i32
        %parallel_loop3A_275 = vector.broadcast %parallel_loop3A_274 : i32 to vector<16xi32>
        %parallel_loop3A_276 = arith.muli %parallel_loop3A_144, %parallel_loop3A_275 : vector<16xi32>
        %parallel_loop3A_277 = arith.constant 3 : i32
        %parallel_loop3A_278 = vector.broadcast %parallel_loop3A_277 : i32 to vector<16xi32>
        %parallel_loop3A_279 = arith.shrsi %parallel_loop3A_234, %parallel_loop3A_278 : vector<16xi32>
        %parallel_loop3A_280 = arith.constant 13 : i32
        %parallel_loop3A_281 = vector.broadcast %parallel_loop3A_280 : i32 to vector<16xi32>
        %parallel_loop3A_282 = arith.shli %parallel_loop3A_279, %parallel_loop3A_281 : vector<16xi32>
        %parallel_loop3A_283 = arith.addi %parallel_loop3A_276, %parallel_loop3A_282 : vector<16xi32>
        %parallel_loop3A_284 = arith.constant 7 : i32
        %parallel_loop3A_285 = vector.broadcast %parallel_loop3A_284 : i32 to vector<16xi32>
        %parallel_loop3A_286 = arith.andi %parallel_loop3A_234, %parallel_loop3A_285 : vector<16xi32>
        %parallel_loop3A_287 = arith.constant 7 : i32
        %parallel_loop3A_288 = vector.broadcast %parallel_loop3A_287 : i32 to vector<16xi32>
        %parallel_loop3A_289 = arith.shli %parallel_loop3A_286, %parallel_loop3A_288 : vector<16xi32>
        %parallel_loop3A_290 = arith.addi %parallel_loop3A_283, %parallel_loop3A_289 : vector<16xi32>
        %parallel_loop3A_291 = arith.addi %parallel_loop3A_273, %parallel_loop3A_246 : vector<16xi32>
        %parallel_loop3A_292 = arith.constant 1 : i32
        %parallel_loop3A_293 = vector.broadcast %parallel_loop3A_292 : i32 to vector<16xi32>
        %parallel_loop3A_294 = arith.shrsi %parallel_loop3A_291, %parallel_loop3A_293 : vector<16xi32>
        %parallel_loop3A_295 = arith.index_cast %parallel_loop3A_102 : i32 to index
        %parallel_loop3A_296 = tpu.vector_load %arg10[%parallel_loop3A_295] {strides = array<i32>} : memref<1024xi32, #tpu.memory_space<vmem>>, vector<16xi32>,
        tpu.vector_store %arg10[%parallel_loop3A_295], %parallel_loop3A_294 {strides = array<i32>} : memref<1024xi32, #tpu.memory_space<vmem>>, vector<16xi32>,
        %parallel_loop3A_297 = arith.addi %parallel_loop3A_273, %parallel_loop3A_256 : vector<16xi32>
        %parallel_loop3A_298 = arith.constant 1 : i32
        %parallel_loop3A_299 = vector.broadcast %parallel_loop3A_298 : i32 to vector<16xi32>
        %parallel_loop3A_300 = arith.shrsi %parallel_loop3A_297, %parallel_loop3A_299 : vector<16xi32>
        %parallel_loop3A_301 = arith.index_cast %parallel_loop3A_102 : i32 to index
        %parallel_loop3A_302 = tpu.vector_load %arg11[%parallel_loop3A_301] {strides = array<i32>} : memref<1024xi32, #tpu.memory_space<vmem>>, vector<16xi32>,
        tpu.vector_store %arg11[%parallel_loop3A_301], %parallel_loop3A_300 {strides = array<i32>} : memref<1024xi32, #tpu.memory_space<vmem>>, vector<16xi32>,
        %parallel_loop3A_303 = arith.addi %parallel_loop3A_290, %parallel_loop3A_246 : vector<16xi32>
        %parallel_loop3A_304 = arith.constant 1 : i32
        %parallel_loop3A_305 = vector.broadcast %parallel_loop3A_304 : i32 to vector<16xi32>
        %parallel_loop3A_306 = arith.shrsi %parallel_loop3A_303, %parallel_loop3A_305 : vector<16xi32>
        %parallel_loop3A_307 = arith.index_cast %parallel_loop3A_102 : i32 to index
        %parallel_loop3A_308 = tpu.vector_load %arg12[%parallel_loop3A_307] {strides = array<i32>} : memref<1024xi32, #tpu.memory_space<vmem>>, vector<16xi32>,
        tpu.vector_store %arg12[%parallel_loop3A_307], %parallel_loop3A_306 {strides = array<i32>} : memref<1024xi32, #tpu.memory_space<vmem>>, vector<16xi32>,
        %parallel_loop3A_309 = arith.addi %parallel_loop3A_290, %parallel_loop3A_256 : vector<16xi32>
        %parallel_loop3A_310 = arith.constant 1 : i32
        %parallel_loop3A_311 = vector.broadcast %parallel_loop3A_310 : i32 to vector<16xi32>
        %parallel_loop3A_312 = arith.shrsi %parallel_loop3A_309, %parallel_loop3A_311 : vector<16xi32>
        %parallel_loop3A_313 = arith.index_cast %parallel_loop3A_102 : i32 to index
        %parallel_loop3A_314 = tpu.vector_load %arg13[%parallel_loop3A_313] {strides = array<i32>} : memref<1024xi32, #tpu.memory_space<vmem>>, vector<16xi32>,
        tpu.vector_store %arg13[%parallel_loop3A_313], %parallel_loop3A_312 {strides = array<i32>} : memref<1024xi32, #tpu.memory_space<vmem>>, vector<16xi32>,
        %parallel_loop3A_315 = arith.constant 1 : i32
        %parallel_loop3A_316 = vector.broadcast %parallel_loop3A_315 : i32 to vector<16xi32>
        %parallel_loop3A_317 = arith.andi %parallel_loop3A_216, %parallel_loop3A_316 : vector<16xi32>
        %parallel_loop3A_318 = arith.constant 2 : i32
        %parallel_loop3A_319 = vector.broadcast %parallel_loop3A_318 : i32 to vector<16xi32>
        %parallel_loop3A_320 = arith.shli %parallel_loop3A_317, %parallel_loop3A_319 : vector<16xi32>
        %parallel_loop3A_321 = arith.index_cast %parallel_loop3A_102 : i32 to index
        %parallel_loop3A_322 = tpu.vector_load %arg14[%parallel_loop3A_321] {strides = array<i32>} : memref<1024xi32, #tpu.memory_space<vmem>>, vector<16xi32>,
        tpu.vector_store %arg14[%parallel_loop3A_321], %parallel_loop3A_320 {strides = array<i32>} : memref<1024xi32, #tpu.memory_space<vmem>>, vector<16xi32>,
        %parallel_loop3A_323 = arith.constant 1 : i32
        %parallel_loop3A_324 = vector.broadcast %parallel_loop3A_323 : i32 to vector<16xi32>
        %parallel_loop3A_325 = arith.andi %parallel_loop3A_222, %parallel_loop3A_324 : vector<16xi32>
        %parallel_loop3A_326 = arith.constant 2 : i32
        %parallel_loop3A_327 = vector.broadcast %parallel_loop3A_326 : i32 to vector<16xi32>
        %parallel_loop3A_328 = arith.shli %parallel_loop3A_325, %parallel_loop3A_327 : vector<16xi32>
        %parallel_loop3A_329 = arith.index_cast %parallel_loop3A_102 : i32 to index
        %parallel_loop3A_330 = tpu.vector_load %arg15[%parallel_loop3A_329] {strides = array<i32>} : memref<1024xi32, #tpu.memory_space<vmem>>, vector<16xi32>,
        tpu.vector_store %arg15[%parallel_loop3A_329], %parallel_loop3A_328 {strides = array<i32>} : memref<1024xi32, #tpu.memory_space<vmem>>, vector<16xi32>,
        %parallel_loop3A_331 = arith.index_cast %parallel_loop3A_102 : i32 to index
        %parallel_loop3A_332 = tpu.vector_load %arg16[%parallel_loop3A_331] {strides = array<i32>} : memref<1024xf32, #tpu.memory_space<vmem>>, vector<16xf32>,
        tpu.vector_store %arg16[%parallel_loop3A_331], %parallel_loop3A_208 {strides = array<i32>} : memref<1024xf32, #tpu.memory_space<vmem>>, vector<16xf32>,
        %parallel_loop3A_333 = arith.index_cast %parallel_loop3A_102 : i32 to index
        %parallel_loop3A_334 = tpu.vector_load %arg17[%parallel_loop3A_333] {strides = array<i32>} : memref<1024xf32, #tpu.memory_space<vmem>>, vector<16xf32>,
        tpu.vector_store %arg17[%parallel_loop3A_333], %parallel_loop3A_210 {strides = array<i32>} : memref<1024xf32, #tpu.memory_space<vmem>>, vector<16xf32>,
        %parallel_loop3A_335 = arith.sitofp %parallel_loop3A_236 : vector<16xi32> to vector<16xf32>
        %parallel_loop3A_336 = arith.index_cast %parallel_loop3A_102 : i32 to index
        %parallel_loop3A_337 = tpu.vector_load %arg18[%parallel_loop3A_336] {strides = array<i32>} : memref<1024xf32, #tpu.memory_space<vmem>>, vector<16xf32>,
        tpu.vector_store %arg18[%parallel_loop3A_336], %parallel_loop3A_335 {strides = array<i32>} : memref<1024xf32, #tpu.memory_space<vmem>>, vector<16xf32>,
      } {sc.loop_unroll_factor = 4 : i64, sc.parallel_access}
      %dma_start3A_57 = arith.constant 0 : i32
      %dma_start3A_58 = arith.constant 0 : i32
      %dma_start3A_59 = tpu.memref_slice %arg2[%dma_start3A_57, %dma_start3A_58] : memref<3145728x8xf32, #tpu.memory_space<hbm>> -> memref<3145728x8xf32, #tpu.memory_space<hbm>>
      tpu.enqueue_indirect_dma source(%dma_start3A_59 : memref<3145728x8xf32, #tpu.memory_space<hbm>>) target(%arg19 : memref<1024x8xf32, #tpu.memory_space<vmem>>) offsets(%arg10 : memref<1024xi32, #tpu.memory_space<vmem>>) semaphore(%arg26 : memref<!tpu.dma_semaphore, #tpu.memory_space<semaphore_mem>>)
      %dma_start3A_60 = arith.constant 0 : i32
      %dma_start3A_61 = arith.constant 0 : i32
      %dma_start3A_62 = tpu.memref_slice %arg2[%dma_start3A_60, %dma_start3A_61] : memref<3145728x8xf32, #tpu.memory_space<hbm>> -> memref<3145728x8xf32, #tpu.memory_space<hbm>>
      tpu.enqueue_indirect_dma source(%dma_start3A_62 : memref<3145728x8xf32, #tpu.memory_space<hbm>>) target(%arg20 : memref<1024x8xf32, #tpu.memory_space<vmem>>) offsets(%arg11 : memref<1024xi32, #tpu.memory_space<vmem>>) semaphore(%arg26 : memref<!tpu.dma_semaphore, #tpu.memory_space<semaphore_mem>>)
      %dma_start3A_63 = arith.constant 0 : i32
      %dma_start3A_64 = arith.constant 0 : i32
      %dma_start3A_65 = tpu.memref_slice %arg2[%dma_start3A_63, %dma_start3A_64] : memref<3145728x8xf32, #tpu.memory_space<hbm>> -> memref<3145728x8xf32, #tpu.memory_space<hbm>>
      tpu.enqueue_indirect_dma source(%dma_start3A_65 : memref<3145728x8xf32, #tpu.memory_space<hbm>>) target(%arg21 : memref<1024x8xf32, #tpu.memory_space<vmem>>) offsets(%arg12 : memref<1024xi32, #tpu.memory_space<vmem>>) semaphore(%arg26 : memref<!tpu.dma_semaphore, #tpu.memory_space<semaphore_mem>>)
      %dma_start3A_66 = arith.constant 0 : i32
      %dma_start3A_67 = arith.constant 0 : i32
      %dma_start3A_68 = tpu.memref_slice %arg2[%dma_start3A_66, %dma_start3A_67] : memref<3145728x8xf32, #tpu.memory_space<hbm>> -> memref<3145728x8xf32, #tpu.memory_space<hbm>>
      tpu.enqueue_indirect_dma source(%dma_start3A_68 : memref<3145728x8xf32, #tpu.memory_space<hbm>>) target(%arg22 : memref<1024x8xf32, #tpu.memory_space<vmem>>) offsets(%arg13 : memref<1024xi32, #tpu.memory_space<vmem>>) semaphore(%arg26 : memref<!tpu.dma_semaphore, #tpu.memory_space<semaphore_mem>>)
      %dma_wait3A_69 = arith.constant 0 : i32
      %dma_wait3A_70 = arith.constant 0 : i32
      %dma_wait3A_71 = tpu.memref_slice %arg2[%dma_wait3A_69, %dma_wait3A_70] : memref<3145728x8xf32, #tpu.memory_space<hbm>> -> memref<3145728x8xf32, #tpu.memory_space<hbm>>
      tpu.wait_indirect_dma semaphore(%arg26 : memref<!tpu.dma_semaphore, #tpu.memory_space<semaphore_mem>>) src(%dma_wait3A_71 : memref<3145728x8xf32, #tpu.memory_space<hbm>>) dst(%arg19 : memref<1024x8xf32, #tpu.memory_space<vmem>>)
      %dma_wait3A_72 = arith.constant 0 : i32
      %dma_wait3A_73 = arith.constant 0 : i32
      %dma_wait3A_74 = tpu.memref_slice %arg2[%dma_wait3A_72, %dma_wait3A_73] : memref<3145728x8xf32, #tpu.memory_space<hbm>> -> memref<3145728x8xf32, #tpu.memory_space<hbm>>
      tpu.wait_indirect_dma semaphore(%arg26 : memref<!tpu.dma_semaphore, #tpu.memory_space<semaphore_mem>>) src(%dma_wait3A_74 : memref<3145728x8xf32, #tpu.memory_space<hbm>>) dst(%arg20 : memref<1024x8xf32, #tpu.memory_space<vmem>>)
      %dma_wait3A_75 = arith.constant 0 : i32
      %dma_wait3A_76 = arith.constant 0 : i32
      %dma_wait3A_77 = tpu.memref_slice %arg2[%dma_wait3A_75, %dma_wait3A_76] : memref<3145728x8xf32, #tpu.memory_space<hbm>> -> memref<3145728x8xf32, #tpu.memory_space<hbm>>
      tpu.wait_indirect_dma semaphore(%arg26 : memref<!tpu.dma_semaphore, #tpu.memory_space<semaphore_mem>>) src(%dma_wait3A_77 : memref<3145728x8xf32, #tpu.memory_space<hbm>>) dst(%arg21 : memref<1024x8xf32, #tpu.memory_space<vmem>>)
      %dma_wait3A_78 = arith.constant 0 : i32
      %dma_wait3A_79 = arith.constant 0 : i32
      %dma_wait3A_80 = tpu.memref_slice %arg2[%dma_wait3A_78, %dma_wait3A_79] : memref<3145728x8xf32, #tpu.memory_space<hbm>> -> memref<3145728x8xf32, #tpu.memory_space<hbm>>
      tpu.wait_indirect_dma semaphore(%arg26 : memref<!tpu.dma_semaphore, #tpu.memory_space<semaphore_mem>>) src(%dma_wait3A_80 : memref<3145728x8xf32, #tpu.memory_space<hbm>>) dst(%arg22 : memref<1024x8xf32, #tpu.memory_space<vmem>>)
      %parallel_loop3A_81 = arith.constant 0 : i32
      %parallel_loop3A_82 = arith.constant 64 : i32
      %parallel_loop3A_83 = arith.constant 1 : i32
      scf.for %parallel_loop3A_100 = %parallel_loop3A_81 to %parallel_loop3A_82 step %parallel_loop3A_83  : i32 {
        %parallel_loop3A_101 = arith.constant 16 : i32
        %parallel_loop3A_102 = arith.muli %parallel_loop3A_100, %parallel_loop3A_101 : i32
        %parallel_loop3A_103 = arith.constant 16 : i32
        %parallel_loop3A_104 = arith.muli %parallel_loop3A_100, %parallel_loop3A_103 : i32
        %parallel_loop3A_105 = vector.broadcast %parallel_loop3A_104 : i32 to vector<16xi32>
        %parallel_loop3A_106 = arith.addi %iota3A, %parallel_loop3A_105 : vector<16xi32>
        %parallel_loop3A_107 = arith.index_cast %parallel_loop3A_102 : i32 to index
        %parallel_loop3A_108 = tpu.vector_load %arg16[%parallel_loop3A_107] {strides = array<i32>} : memref<1024xf32, #tpu.memory_space<vmem>>, vector<16xf32>,
        %parallel_loop3A_109 = arith.index_cast %parallel_loop3A_102 : i32 to index
        %parallel_loop3A_110 = tpu.vector_load %arg17[%parallel_loop3A_109] {strides = array<i32>} : memref<1024xf32, #tpu.memory_space<vmem>>, vector<16xf32>,
        %parallel_loop3A_111 = arith.index_cast %parallel_loop3A_102 : i32 to index
        %parallel_loop3A_112 = tpu.vector_load %arg18[%parallel_loop3A_111] {strides = array<i32>} : memref<1024xf32, #tpu.memory_space<vmem>>, vector<16xf32>,
        %parallel_loop3A_113 = arith.index_cast %parallel_loop3A_102 : i32 to index
        %parallel_loop3A_114 = tpu.vector_load %arg14[%parallel_loop3A_113] {strides = array<i32>} : memref<1024xi32, #tpu.memory_space<vmem>>, vector<16xi32>,
        %parallel_loop3A_115 = arith.index_cast %parallel_loop3A_102 : i32 to index
        %parallel_loop3A_116 = tpu.vector_load %arg15[%parallel_loop3A_115] {strides = array<i32>} : memref<1024xi32, #tpu.memory_space<vmem>>, vector<16xi32>,
        %parallel_loop3A_117 = arith.constant 0 : i32
        %parallel_loop3A_118 = vector.broadcast %parallel_loop3A_117 : i32 to vector<16xi32>
        %parallel_loop3A_119 = arith.addi %parallel_loop3A_114, %parallel_loop3A_118 : vector<16xi32>
        %parallel_loop3A_120 = arith.constant 0 : i32
        %parallel_loop3A_121 = vector.broadcast %parallel_loop3A_120 : i32 to vector<16xi32>
        %parallel_loop3A_122 = arith.addi %parallel_loop3A_116, %parallel_loop3A_121 : vector<16xi32>
        %parallel_loop3A_123 = tpu.vector_load_idx %arg19[%parallel_loop3A_106, %parallel_loop3A_119] : memref<1024x8xf32, #tpu.memory_space<vmem>>[vector<16xi32>, vector<16xi32>], vector<16xf32>,
        %parallel_loop3A_124 = tpu.vector_load_idx %arg20[%parallel_loop3A_106, %parallel_loop3A_122] : memref<1024x8xf32, #tpu.memory_space<vmem>>[vector<16xi32>, vector<16xi32>], vector<16xf32>,
        %parallel_loop3A_125 = tpu.vector_load_idx %arg21[%parallel_loop3A_106, %parallel_loop3A_119] : memref<1024x8xf32, #tpu.memory_space<vmem>>[vector<16xi32>, vector<16xi32>], vector<16xf32>,
        %parallel_loop3A_126 = tpu.vector_load_idx %arg22[%parallel_loop3A_106, %parallel_loop3A_122] : memref<1024x8xf32, #tpu.memory_space<vmem>>[vector<16xi32>, vector<16xi32>], vector<16xf32>,
        %parallel_loop3A_127 = arith.subf %parallel_loop3A_124, %parallel_loop3A_123 : vector<16xf32>
        %parallel_loop3A_128 = arith.mulf %parallel_loop3A_108, %parallel_loop3A_127 : vector<16xf32>
        %parallel_loop3A_129 = arith.addf %parallel_loop3A_123, %parallel_loop3A_128 : vector<16xf32>
        %parallel_loop3A_130 = arith.subf %parallel_loop3A_126, %parallel_loop3A_125 : vector<16xf32>
        %parallel_loop3A_131 = arith.mulf %parallel_loop3A_108, %parallel_loop3A_130 : vector<16xf32>
        %parallel_loop3A_132 = arith.addf %parallel_loop3A_125, %parallel_loop3A_131 : vector<16xf32>
        %parallel_loop3A_133 = arith.subf %parallel_loop3A_132, %parallel_loop3A_129 : vector<16xf32>
        %parallel_loop3A_134 = arith.mulf %parallel_loop3A_110, %parallel_loop3A_133 : vector<16xf32>
        %parallel_loop3A_135 = arith.addf %parallel_loop3A_129, %parallel_loop3A_134 : vector<16xf32>
        %parallel_loop3A_136 = arith.constant 0.000000e+00 : f32
        %parallel_loop3A_137 = vector.broadcast %parallel_loop3A_136 : f32 to vector<16xf32>
        %parallel_loop3A_138 = arith.maximumf %parallel_loop3A_135, %parallel_loop3A_137 : vector<16xf32>
        %parallel_loop3A_139 = arith.constant 1.000000e+00 : f32
        %parallel_loop3A_140 = vector.broadcast %parallel_loop3A_139 : f32 to vector<16xf32>
        %parallel_loop3A_141 = arith.minimumf %parallel_loop3A_138, %parallel_loop3A_140 : vector<16xf32>
        %parallel_loop3A_142 = arith.mulf %parallel_loop3A_141, %parallel_loop3A_112 : vector<16xf32>
        %parallel_loop3A_143 = arith.index_cast %parallel_loop3A_102 : i32 to index
        %parallel_loop3A_144 = tpu.vector_load %arg23[%parallel_loop3A_143] {strides = array<i32>} : memref<1024xf32, #tpu.memory_space<vmem>>, vector<16xf32>,
        tpu.vector_store %arg23[%parallel_loop3A_143], %parallel_loop3A_142 {strides = array<i32>} : memref<1024xf32, #tpu.memory_space<vmem>>, vector<16xf32>,
        %parallel_loop3A_145 = arith.constant 1 : i32
        %parallel_loop3A_146 = vector.broadcast %parallel_loop3A_145 : i32 to vector<16xi32>
        %parallel_loop3A_147 = arith.addi %parallel_loop3A_114, %parallel_loop3A_146 : vector<16xi32>
        %parallel_loop3A_148 = arith.constant 1 : i32
        %parallel_loop3A_149 = vector.broadcast %parallel_loop3A_148 : i32 to vector<16xi32>
        %parallel_loop3A_150 = arith.addi %parallel_loop3A_116, %parallel_loop3A_149 : vector<16xi32>
        %parallel_loop3A_151 = tpu.vector_load_idx %arg19[%parallel_loop3A_106, %parallel_loop3A_147] : memref<1024x8xf32, #tpu.memory_space<vmem>>[vector<16xi32>, vector<16xi32>], vector<16xf32>,
        %parallel_loop3A_152 = tpu.vector_load_idx %arg20[%parallel_loop3A_106, %parallel_loop3A_150] : memref<1024x8xf32, #tpu.memory_space<vmem>>[vector<16xi32>, vector<16xi32>], vector<16xf32>,
        %parallel_loop3A_153 = tpu.vector_load_idx %arg21[%parallel_loop3A_106, %parallel_loop3A_147] : memref<1024x8xf32, #tpu.memory_space<vmem>>[vector<16xi32>, vector<16xi32>], vector<16xf32>,
        %parallel_loop3A_154 = tpu.vector_load_idx %arg22[%parallel_loop3A_106, %parallel_loop3A_150] : memref<1024x8xf32, #tpu.memory_space<vmem>>[vector<16xi32>, vector<16xi32>], vector<16xf32>,
        %parallel_loop3A_155 = arith.subf %parallel_loop3A_152, %parallel_loop3A_151 : vector<16xf32>
        %parallel_loop3A_156 = arith.mulf %parallel_loop3A_108, %parallel_loop3A_155 : vector<16xf32>
        %parallel_loop3A_157 = arith.addf %parallel_loop3A_151, %parallel_loop3A_156 : vector<16xf32>
        %parallel_loop3A_158 = arith.subf %parallel_loop3A_154, %parallel_loop3A_153 : vector<16xf32>
        %parallel_loop3A_159 = arith.mulf %parallel_loop3A_108, %parallel_loop3A_158 : vector<16xf32>
        %parallel_loop3A_160 = arith.addf %parallel_loop3A_153, %parallel_loop3A_159 : vector<16xf32>
        %parallel_loop3A_161 = arith.subf %parallel_loop3A_160, %parallel_loop3A_157 : vector<16xf32>
        %parallel_loop3A_162 = arith.mulf %parallel_loop3A_110, %parallel_loop3A_161 : vector<16xf32>
        %parallel_loop3A_163 = arith.addf %parallel_loop3A_157, %parallel_loop3A_162 : vector<16xf32>
        %parallel_loop3A_164 = arith.constant 0.000000e+00 : f32
        %parallel_loop3A_165 = vector.broadcast %parallel_loop3A_164 : f32 to vector<16xf32>
        %parallel_loop3A_166 = arith.maximumf %parallel_loop3A_163, %parallel_loop3A_165 : vector<16xf32>
        %parallel_loop3A_167 = arith.constant 1.000000e+00 : f32
        %parallel_loop3A_168 = vector.broadcast %parallel_loop3A_167 : f32 to vector<16xf32>
        %parallel_loop3A_169 = arith.minimumf %parallel_loop3A_166, %parallel_loop3A_168 : vector<16xf32>
        %parallel_loop3A_170 = arith.mulf %parallel_loop3A_169, %parallel_loop3A_112 : vector<16xf32>
        %parallel_loop3A_171 = arith.index_cast %parallel_loop3A_102 : i32 to index
        %parallel_loop3A_172 = tpu.vector_load %arg24[%parallel_loop3A_171] {strides = array<i32>} : memref<1024xf32, #tpu.memory_space<vmem>>, vector<16xf32>,
        tpu.vector_store %arg24[%parallel_loop3A_171], %parallel_loop3A_170 {strides = array<i32>} : memref<1024xf32, #tpu.memory_space<vmem>>, vector<16xf32>,
        %parallel_loop3A_173 = arith.constant 2 : i32
        %parallel_loop3A_174 = vector.broadcast %parallel_loop3A_173 : i32 to vector<16xi32>
        %parallel_loop3A_175 = arith.addi %parallel_loop3A_114, %parallel_loop3A_174 : vector<16xi32>
        %parallel_loop3A_176 = arith.constant 2 : i32
        %parallel_loop3A_177 = vector.broadcast %parallel_loop3A_176 : i32 to vector<16xi32>
        %parallel_loop3A_178 = arith.addi %parallel_loop3A_116, %parallel_loop3A_177 : vector<16xi32>
        %parallel_loop3A_179 = tpu.vector_load_idx %arg19[%parallel_loop3A_106, %parallel_loop3A_175] : memref<1024x8xf32, #tpu.memory_space<vmem>>[vector<16xi32>, vector<16xi32>], vector<16xf32>,
        %parallel_loop3A_180 = tpu.vector_load_idx %arg20[%parallel_loop3A_106, %parallel_loop3A_178] : memref<1024x8xf32, #tpu.memory_space<vmem>>[vector<16xi32>, vector<16xi32>], vector<16xf32>,
        %parallel_loop3A_181 = tpu.vector_load_idx %arg21[%parallel_loop3A_106, %parallel_loop3A_175] : memref<1024x8xf32, #tpu.memory_space<vmem>>[vector<16xi32>, vector<16xi32>], vector<16xf32>,
        %parallel_loop3A_182 = tpu.vector_load_idx %arg22[%parallel_loop3A_106, %parallel_loop3A_178] : memref<1024x8xf32, #tpu.memory_space<vmem>>[vector<16xi32>, vector<16xi32>], vector<16xf32>,
        %parallel_loop3A_183 = arith.subf %parallel_loop3A_180, %parallel_loop3A_179 : vector<16xf32>
        %parallel_loop3A_184 = arith.mulf %parallel_loop3A_108, %parallel_loop3A_183 : vector<16xf32>
        %parallel_loop3A_185 = arith.addf %parallel_loop3A_179, %parallel_loop3A_184 : vector<16xf32>
        %parallel_loop3A_186 = arith.subf %parallel_loop3A_182, %parallel_loop3A_181 : vector<16xf32>
        %parallel_loop3A_187 = arith.mulf %parallel_loop3A_108, %parallel_loop3A_186 : vector<16xf32>
        %parallel_loop3A_188 = arith.addf %parallel_loop3A_181, %parallel_loop3A_187 : vector<16xf32>
        %parallel_loop3A_189 = arith.subf %parallel_loop3A_188, %parallel_loop3A_185 : vector<16xf32>
        %parallel_loop3A_190 = arith.mulf %parallel_loop3A_110, %parallel_loop3A_189 : vector<16xf32>
        %parallel_loop3A_191 = arith.addf %parallel_loop3A_185, %parallel_loop3A_190 : vector<16xf32>
        %parallel_loop3A_192 = arith.constant 0.000000e+00 : f32
        %parallel_loop3A_193 = vector.broadcast %parallel_loop3A_192 : f32 to vector<16xf32>
        %parallel_loop3A_194 = arith.maximumf %parallel_loop3A_191, %parallel_loop3A_193 : vector<16xf32>
        %parallel_loop3A_195 = arith.constant 1.000000e+00 : f32
        %parallel_loop3A_196 = vector.broadcast %parallel_loop3A_195 : f32 to vector<16xf32>
        %parallel_loop3A_197 = arith.minimumf %parallel_loop3A_194, %parallel_loop3A_196 : vector<16xf32>
        %parallel_loop3A_198 = arith.mulf %parallel_loop3A_197, %parallel_loop3A_112 : vector<16xf32>
        %parallel_loop3A_199 = arith.index_cast %parallel_loop3A_102 : i32 to index
        %parallel_loop3A_200 = tpu.vector_load %arg25[%parallel_loop3A_199] {strides = array<i32>} : memref<1024xf32, #tpu.memory_space<vmem>>, vector<16xf32>,
        tpu.vector_store %arg25[%parallel_loop3A_199], %parallel_loop3A_198 {strides = array<i32>} : memref<1024xf32, #tpu.memory_space<vmem>>, vector<16xf32>,
      } {sc.loop_unroll_factor = 4 : i64, sc.parallel_access}
      %dma_start3A_84 = tpu.memref_slice %arg5[%mul3A_36] : memref<6220800xf32, #tpu.memory_space<hbm>> -> memref<1024xf32, #tpu.memory_space<hbm>>
      %dma_start3A_85 = tpu.memref_slice %arg5[%mul3A_36] : memref<6220800xf32, #tpu.memory_space<hbm>> -> memref<1024xf32, #tpu.memory_space<hbm>>
      tpu.enqueue_dma source(%arg23 : memref<1024xf32, #tpu.memory_space<vmem>>) target(%dma_start3A_85 : memref<1024xf32, #tpu.memory_space<hbm>>) target_semaphore(%arg26 : memref<!tpu.dma_semaphore, #tpu.memory_space<semaphore_mem>>)
      %add3A_86 = arith.constant 2073600 : i32
      %add3A_87 = arith.addi %add3A_86, %mul3A_36 : i32
      %dma_start3A_88 = tpu.memref_slice %arg5[%add3A_87] : memref<6220800xf32, #tpu.memory_space<hbm>> -> memref<1024xf32, #tpu.memory_space<hbm>>
      %dma_start3A_89 = tpu.memref_slice %arg5[%add3A_87] : memref<6220800xf32, #tpu.memory_space<hbm>> -> memref<1024xf32, #tpu.memory_space<hbm>>
      tpu.enqueue_dma source(%arg24 : memref<1024xf32, #tpu.memory_space<vmem>>) target(%dma_start3A_89 : memref<1024xf32, #tpu.memory_space<hbm>>) target_semaphore(%arg26 : memref<!tpu.dma_semaphore, #tpu.memory_space<semaphore_mem>>)
      %add3A_90 = arith.constant 4147200 : i32
      %add3A_91 = arith.addi %add3A_90, %mul3A_36 : i32
      %dma_start3A_92 = tpu.memref_slice %arg5[%add3A_91] : memref<6220800xf32, #tpu.memory_space<hbm>> -> memref<1024xf32, #tpu.memory_space<hbm>>
      %dma_start3A_93 = tpu.memref_slice %arg5[%add3A_91] : memref<6220800xf32, #tpu.memory_space<hbm>> -> memref<1024xf32, #tpu.memory_space<hbm>>
      tpu.enqueue_dma source(%arg25 : memref<1024xf32, #tpu.memory_space<vmem>>) target(%dma_start3A_93 : memref<1024xf32, #tpu.memory_space<hbm>>) target_semaphore(%arg26 : memref<!tpu.dma_semaphore, #tpu.memory_space<semaphore_mem>>)
      %dma_wait3A_94 = tpu.memref_slice %arg5[%mul3A_36] : memref<6220800xf32, #tpu.memory_space<hbm>> -> memref<1024xf32, #tpu.memory_space<hbm>>
      %dma_wait3A_95 = tpu.memref_slice %arg5[%mul3A_36] : memref<6220800xf32, #tpu.memory_space<hbm>> -> memref<1024xf32, #tpu.memory_space<hbm>>
      tpu.wait_dma2 semaphore(%arg26 : memref<!tpu.dma_semaphore, #tpu.memory_space<semaphore_mem>>) src(%arg23 : memref<1024xf32, #tpu.memory_space<vmem>>) dst(%dma_wait3A_95 : memref<1024xf32, #tpu.memory_space<hbm>>)
      %dma_wait3A_96 = tpu.memref_slice %arg5[%add3A_87] : memref<6220800xf32, #tpu.memory_space<hbm>> -> memref<1024xf32, #tpu.memory_space<hbm>>
      %dma_wait3A_97 = tpu.memref_slice %arg5[%add3A_87] : memref<6220800xf32, #tpu.memory_space<hbm>> -> memref<1024xf32, #tpu.memory_space<hbm>>
      tpu.wait_dma2 semaphore(%arg26 : memref<!tpu.dma_semaphore, #tpu.memory_space<semaphore_mem>>) src(%arg24 : memref<1024xf32, #tpu.memory_space<vmem>>) dst(%dma_wait3A_97 : memref<1024xf32, #tpu.memory_space<hbm>>)
      %dma_wait3A_98 = tpu.memref_slice %arg5[%add3A_91] : memref<6220800xf32, #tpu.memory_space<hbm>> -> memref<1024xf32, #tpu.memory_space<hbm>>
      %dma_wait3A_99 = tpu.memref_slice %arg5[%add3A_91] : memref<6220800xf32, #tpu.memory_space<hbm>> -> memref<1024xf32, #tpu.memory_space<hbm>>
      tpu.wait_dma2 semaphore(%arg26 : memref<!tpu.dma_semaphore, #tpu.memory_space<semaphore_mem>>) src(%arg25 : memref<1024xf32, #tpu.memory_space<vmem>>) dst(%dma_wait3A_99 : memref<1024xf32, #tpu.memory_space<hbm>>)
    }
    %while3A_30 = arith.constant 1 : i32
    scf.for %while3A_31 = %while3A_28 to %while3A_24 step %while3A_30  : i32 {
      %mul3A_32 = arith.constant 32 : i32
      %mul3A_33 = arith.muli %while3A_31, %mul3A_32 : i32
      %add3A_34 = arith.addi %add3A, %mul3A_33 : i32
      %mul3A_35 = arith.constant 1024 : i32
      %mul3A_36 = arith.muli %add3A_34, %mul3A_35 : i32
      %dma_start3A = tpu.memref_slice %arg3[%mul3A_36] : memref<6220800xf32, #tpu.memory_space<hbm>> -> memref<1024xf32, #tpu.memory_space<hbm>>
      %dma_start3A_37 = tpu.memref_slice %arg3[%mul3A_36] : memref<6220800xf32, #tpu.memory_space<hbm>> -> memref<1024xf32, #tpu.memory_space<hbm>>
      tpu.enqueue_dma source(%dma_start3A_37 : memref<1024xf32, #tpu.memory_space<hbm>>) target(%arg6 : memref<1024xf32, #tpu.memory_space<vmem>>) target_semaphore(%arg26 : memref<!tpu.dma_semaphore, #tpu.memory_space<semaphore_mem>>)
      %add3A_38 = arith.constant 2073600 : i32
      %add3A_39 = arith.addi %add3A_38, %mul3A_36 : i32
      %dma_start3A_40 = tpu.memref_slice %arg3[%add3A_39] : memref<6220800xf32, #tpu.memory_space<hbm>> -> memref<1024xf32, #tpu.memory_space<hbm>>
      %dma_start3A_41 = tpu.memref_slice %arg3[%add3A_39] : memref<6220800xf32, #tpu.memory_space<hbm>> -> memref<1024xf32, #tpu.memory_space<hbm>>
      tpu.enqueue_dma source(%dma_start3A_41 : memref<1024xf32, #tpu.memory_space<hbm>>) target(%arg7 : memref<1024xf32, #tpu.memory_space<vmem>>) target_semaphore(%arg26 : memref<!tpu.dma_semaphore, #tpu.memory_space<semaphore_mem>>)
      %add3A_42 = arith.constant 4147200 : i32
      %add3A_43 = arith.addi %add3A_42, %mul3A_36 : i32
      %dma_start3A_44 = tpu.memref_slice %arg3[%add3A_43] : memref<6220800xf32, #tpu.memory_space<hbm>> -> memref<1024xf32, #tpu.memory_space<hbm>>
      %dma_start3A_45 = tpu.memref_slice %arg3[%add3A_43] : memref<6220800xf32, #tpu.memory_space<hbm>> -> memref<1024xf32, #tpu.memory_space<hbm>>
      tpu.enqueue_dma source(%dma_start3A_45 : memref<1024xf32, #tpu.memory_space<hbm>>) target(%arg8 : memref<1024xf32, #tpu.memory_space<vmem>>) target_semaphore(%arg26 : memref<!tpu.dma_semaphore, #tpu.memory_space<semaphore_mem>>)
      %dma_start3A_46 = tpu.memref_slice %arg4[%mul3A_36] : memref<2073600xi32, #tpu.memory_space<hbm>> -> memref<1024xi32, #tpu.memory_space<hbm>>
      %dma_start3A_47 = tpu.memref_slice %arg4[%mul3A_36] : memref<2073600xi32, #tpu.memory_space<hbm>> -> memref<1024xi32, #tpu.memory_space<hbm>>
      tpu.enqueue_dma source(%dma_start3A_47 : memref<1024xi32, #tpu.memory_space<hbm>>) target(%arg9 : memref<1024xi32, #tpu.memory_space<vmem>>) target_semaphore(%arg26 : memref<!tpu.dma_semaphore, #tpu.memory_space<semaphore_mem>>)
      %dma_wait3A = tpu.memref_slice %arg3[%mul3A_36] : memref<6220800xf32, #tpu.memory_space<hbm>> -> memref<1024xf32, #tpu.memory_space<hbm>>
      %dma_wait3A_48 = tpu.memref_slice %arg3[%mul3A_36] : memref<6220800xf32, #tpu.memory_space<hbm>> -> memref<1024xf32, #tpu.memory_space<hbm>>
      tpu.wait_dma2 semaphore(%arg26 : memref<!tpu.dma_semaphore, #tpu.memory_space<semaphore_mem>>) src(%dma_wait3A_48 : memref<1024xf32, #tpu.memory_space<hbm>>) dst(%arg6 : memref<1024xf32, #tpu.memory_space<vmem>>)
      %dma_wait3A_49 = tpu.memref_slice %arg3[%add3A_39] : memref<6220800xf32, #tpu.memory_space<hbm>> -> memref<1024xf32, #tpu.memory_space<hbm>>
      %dma_wait3A_50 = tpu.memref_slice %arg3[%add3A_39] : memref<6220800xf32, #tpu.memory_space<hbm>> -> memref<1024xf32, #tpu.memory_space<hbm>>
      tpu.wait_dma2 semaphore(%arg26 : memref<!tpu.dma_semaphore, #tpu.memory_space<semaphore_mem>>) src(%dma_wait3A_50 : memref<1024xf32, #tpu.memory_space<hbm>>) dst(%arg7 : memref<1024xf32, #tpu.memory_space<vmem>>)
      %dma_wait3A_51 = tpu.memref_slice %arg3[%add3A_43] : memref<6220800xf32, #tpu.memory_space<hbm>> -> memref<1024xf32, #tpu.memory_space<hbm>>
      %dma_wait3A_52 = tpu.memref_slice %arg3[%add3A_43] : memref<6220800xf32, #tpu.memory_space<hbm>> -> memref<1024xf32, #tpu.memory_space<hbm>>
      tpu.wait_dma2 semaphore(%arg26 : memref<!tpu.dma_semaphore, #tpu.memory_space<semaphore_mem>>) src(%dma_wait3A_52 : memref<1024xf32, #tpu.memory_space<hbm>>) dst(%arg8 : memref<1024xf32, #tpu.memory_space<vmem>>)
      %dma_wait3A_53 = tpu.memref_slice %arg4[%mul3A_36] : memref<2073600xi32, #tpu.memory_space<hbm>> -> memref<1024xi32, #tpu.memory_space<hbm>>
      %dma_wait3A_54 = tpu.memref_slice %arg4[%mul3A_36] : memref<2073600xi32, #tpu.memory_space<hbm>> -> memref<1024xi32, #tpu.memory_space<hbm>>
      tpu.wait_dma2 semaphore(%arg26 : memref<!tpu.dma_semaphore, #tpu.memory_space<semaphore_mem>>) src(%dma_wait3A_54 : memref<1024xi32, #tpu.memory_space<hbm>>) dst(%arg9 : memref<1024xi32, #tpu.memory_space<vmem>>)
      %parallel_loop3A = arith.constant 0 : i32
      %parallel_loop3A_55 = arith.constant 64 : i32
      %parallel_loop3A_56 = arith.constant 1 : i32
      scf.for %parallel_loop3A_100 = %parallel_loop3A to %parallel_loop3A_55 step %parallel_loop3A_56  : i32 {
        %parallel_loop3A_101 = arith.constant 16 : i32
        %parallel_loop3A_102 = arith.muli %parallel_loop3A_100, %parallel_loop3A_101 : i32
        %parallel_loop3A_103 = arith.index_cast %parallel_loop3A_102 : i32 to index
        %parallel_loop3A_104 = tpu.vector_load %arg6[%parallel_loop3A_103] {strides = array<i32>} : memref<1024xf32, #tpu.memory_space<vmem>>, vector<16xf32>,
        %parallel_loop3A_105 = arith.index_cast %parallel_loop3A_102 : i32 to index
        %parallel_loop3A_106 = tpu.vector_load %arg7[%parallel_loop3A_105] {strides = array<i32>} : memref<1024xf32, #tpu.memory_space<vmem>>, vector<16xf32>,
        %parallel_loop3A_107 = arith.index_cast %parallel_loop3A_102 : i32 to index
        %parallel_loop3A_108 = tpu.vector_load %arg8[%parallel_loop3A_107] {strides = array<i32>} : memref<1024xf32, #tpu.memory_space<vmem>>, vector<16xf32>,
        %parallel_loop3A_109 = math.absf %parallel_loop3A_104 : vector<16xf32>
        %parallel_loop3A_110 = math.absf %parallel_loop3A_106 : vector<16xf32>
        %parallel_loop3A_111 = math.absf %parallel_loop3A_108 : vector<16xf32>
        %parallel_loop3A_112 = arith.cmpf oge, %parallel_loop3A_109, %parallel_loop3A_110 : vector<16xf32>
        %parallel_loop3A_113 = arith.cmpf oge, %parallel_loop3A_109, %parallel_loop3A_111 : vector<16xf32>
        %parallel_loop3A_114 = arith.andi %parallel_loop3A_112, %parallel_loop3A_113 : vector<16xi1>
        %parallel_loop3A_115 = arith.constant dense<true> : vector<16xi1>
        %parallel_loop3A_116 = arith.xori %parallel_loop3A_114, %parallel_loop3A_115 : vector<16xi1>
        %parallel_loop3A_117 = arith.cmpf oge, %parallel_loop3A_110, %parallel_loop3A_111 : vector<16xf32>
        %parallel_loop3A_118 = arith.andi %parallel_loop3A_116, %parallel_loop3A_117 : vector<16xi1>
        %parallel_loop3A_119 = arith.constant 0.000000e+00 : f32
        %parallel_loop3A_120 = vector.broadcast %parallel_loop3A_119 : f32 to vector<16xf32>
        %parallel_loop3A_121 = arith.cmpf oge, %parallel_loop3A_104, %parallel_loop3A_120 : vector<16xf32>
        %parallel_loop3A_122 = arith.constant 0.000000e+00 : f32
        %parallel_loop3A_123 = vector.broadcast %parallel_loop3A_122 : f32 to vector<16xf32>
        %parallel_loop3A_124 = arith.cmpf oge, %parallel_loop3A_106, %parallel_loop3A_123 : vector<16xf32>
        %parallel_loop3A_125 = arith.constant 0.000000e+00 : f32
        %parallel_loop3A_126 = vector.broadcast %parallel_loop3A_125 : f32 to vector<16xf32>
        %parallel_loop3A_127 = arith.cmpf oge, %parallel_loop3A_108, %parallel_loop3A_126 : vector<16xf32>
        %parallel_loop3A_128 = arith.constant 0 : i32
        %parallel_loop3A_129 = arith.constant 1 : i32
        %parallel_loop3A_130 = vector.broadcast %parallel_loop3A_128 : i32 to vector<16xi32>
        %parallel_loop3A_131 = vector.broadcast %parallel_loop3A_129 : i32 to vector<16xi32>
        %parallel_loop3A_132 = arith.select %parallel_loop3A_121, %parallel_loop3A_130, %parallel_loop3A_131 : vector<16xi1>, vector<16xi32>
        %parallel_loop3A_133 = arith.constant 2 : i32
        %parallel_loop3A_134 = arith.constant 3 : i32
        %parallel_loop3A_135 = vector.broadcast %parallel_loop3A_133 : i32 to vector<16xi32>
        %parallel_loop3A_136 = vector.broadcast %parallel_loop3A_134 : i32 to vector<16xi32>
        %parallel_loop3A_137 = arith.select %parallel_loop3A_124, %parallel_loop3A_135, %parallel_loop3A_136 : vector<16xi1>, vector<16xi32>
        %parallel_loop3A_138 = arith.constant 4 : i32
        %parallel_loop3A_139 = arith.constant 5 : i32
        %parallel_loop3A_140 = vector.broadcast %parallel_loop3A_138 : i32 to vector<16xi32>
        %parallel_loop3A_141 = vector.broadcast %parallel_loop3A_139 : i32 to vector<16xi32>
        %parallel_loop3A_142 = arith.select %parallel_loop3A_127, %parallel_loop3A_140, %parallel_loop3A_141 : vector<16xi1>, vector<16xi32>
        %parallel_loop3A_143 = arith.select %parallel_loop3A_118, %parallel_loop3A_137, %parallel_loop3A_142 : vector<16xi1>, vector<16xi32>
        %parallel_loop3A_144 = arith.select %parallel_loop3A_114, %parallel_loop3A_132, %parallel_loop3A_143 : vector<16xi1>, vector<16xi32>
        %parallel_loop3A_145 = arith.select %parallel_loop3A_118, %parallel_loop3A_110, %parallel_loop3A_111 : vector<16xi1>, vector<16xf32>
        %parallel_loop3A_146 = arith.select %parallel_loop3A_114, %parallel_loop3A_109, %parallel_loop3A_145 : vector<16xi1>, vector<16xf32>
        %parallel_loop3A_147 = arith.constant 1.000000e-30 : f32
        %parallel_loop3A_148 = vector.broadcast %parallel_loop3A_147 : f32 to vector<16xf32>
        %parallel_loop3A_149 = arith.addf %parallel_loop3A_146, %parallel_loop3A_148 : vector<16xf32>
        %parallel_loop3A_150 = arith.constant 0.000000e+00 : f32
        %parallel_loop3A_151 = vector.broadcast %parallel_loop3A_150 : f32 to vector<16xf32>
        %parallel_loop3A_152 = arith.subf %parallel_loop3A_151, %parallel_loop3A_108 : vector<16xf32>
        %parallel_loop3A_153 = arith.select %parallel_loop3A_121, %parallel_loop3A_152, %parallel_loop3A_108 : vector<16xi1>, vector<16xf32>
        %parallel_loop3A_154 = arith.constant 0.000000e+00 : f32
        %parallel_loop3A_155 = vector.broadcast %parallel_loop3A_154 : f32 to vector<16xf32>
        %parallel_loop3A_156 = arith.subf %parallel_loop3A_155, %parallel_loop3A_104 : vector<16xf32>
        %parallel_loop3A_157 = arith.select %parallel_loop3A_127, %parallel_loop3A_104, %parallel_loop3A_156 : vector<16xi1>, vector<16xf32>
        %parallel_loop3A_158 = arith.select %parallel_loop3A_118, %parallel_loop3A_104, %parallel_loop3A_157 : vector<16xi1>, vector<16xf32>
        %parallel_loop3A_159 = arith.select %parallel_loop3A_114, %parallel_loop3A_153, %parallel_loop3A_158 : vector<16xi1>, vector<16xf32>
        %parallel_loop3A_160 = arith.constant 0.000000e+00 : f32
        %parallel_loop3A_161 = vector.broadcast %parallel_loop3A_160 : f32 to vector<16xf32>
        %parallel_loop3A_162 = arith.subf %parallel_loop3A_161, %parallel_loop3A_106 : vector<16xf32>
        %parallel_loop3A_163 = arith.constant 0.000000e+00 : f32
        %parallel_loop3A_164 = vector.broadcast %parallel_loop3A_163 : f32 to vector<16xf32>
        %parallel_loop3A_165 = arith.subf %parallel_loop3A_164, %parallel_loop3A_108 : vector<16xf32>
        %parallel_loop3A_166 = arith.select %parallel_loop3A_124, %parallel_loop3A_108, %parallel_loop3A_165 : vector<16xi1>, vector<16xf32>
        %parallel_loop3A_167 = arith.constant 0.000000e+00 : f32
        %parallel_loop3A_168 = vector.broadcast %parallel_loop3A_167 : f32 to vector<16xf32>
        %parallel_loop3A_169 = arith.subf %parallel_loop3A_168, %parallel_loop3A_106 : vector<16xf32>
        %parallel_loop3A_170 = arith.select %parallel_loop3A_118, %parallel_loop3A_166, %parallel_loop3A_169 : vector<16xi1>, vector<16xf32>
        %parallel_loop3A_171 = arith.select %parallel_loop3A_114, %parallel_loop3A_162, %parallel_loop3A_170 : vector<16xi1>, vector<16xf32>
        %parallel_loop3A_172 = arith.constant 1.000000e+00 : f32
        %parallel_loop3A_173 = vector.broadcast %parallel_loop3A_172 : f32 to vector<16xf32>
        %parallel_loop3A_174 = arith.divf %parallel_loop3A_173, %parallel_loop3A_149 : vector<16xf32>
        %parallel_loop3A_175 = arith.mulf %parallel_loop3A_159, %parallel_loop3A_174 : vector<16xf32>
        %parallel_loop3A_176 = arith.constant 5.120000e+02 : f32
        %parallel_loop3A_177 = vector.broadcast %parallel_loop3A_176 : f32 to vector<16xf32>
        %parallel_loop3A_178 = arith.mulf %parallel_loop3A_175, %parallel_loop3A_177 : vector<16xf32>
        %parallel_loop3A_179 = arith.constant 5.115000e+02 : f32
        %parallel_loop3A_180 = vector.broadcast %parallel_loop3A_179 : f32 to vector<16xf32>
        %parallel_loop3A_181 = arith.addf %parallel_loop3A_178, %parallel_loop3A_180 : vector<16xf32>
        %parallel_loop3A_182 = arith.mulf %parallel_loop3A_171, %parallel_loop3A_174 : vector<16xf32>
        %parallel_loop3A_183 = arith.constant 5.120000e+02 : f32
        %parallel_loop3A_184 = vector.broadcast %parallel_loop3A_183 : f32 to vector<16xf32>
        %parallel_loop3A_185 = arith.mulf %parallel_loop3A_182, %parallel_loop3A_184 : vector<16xf32>
        %parallel_loop3A_186 = arith.constant 5.115000e+02 : f32
        %parallel_loop3A_187 = vector.broadcast %parallel_loop3A_186 : f32 to vector<16xf32>
        %parallel_loop3A_188 = arith.addf %parallel_loop3A_185, %parallel_loop3A_187 : vector<16xf32>
        %parallel_loop3A_189 = arith.fptosi %parallel_loop3A_181 : vector<16xf32> to vector<16xi32>
        %parallel_loop3A_190 = arith.fptosi %parallel_loop3A_188 : vector<16xf32> to vector<16xi32>
        %parallel_loop3A_191 = arith.sitofp %parallel_loop3A_189 : vector<16xi32> to vector<16xf32>
        %parallel_loop3A_192 = arith.cmpf olt, %parallel_loop3A_181, %parallel_loop3A_191 : vector<16xf32>
        %parallel_loop3A_193 = arith.constant 1 : i32
        %parallel_loop3A_194 = arith.constant 0 : i32
        %parallel_loop3A_195 = vector.broadcast %parallel_loop3A_193 : i32 to vector<16xi32>
        %parallel_loop3A_196 = vector.broadcast %parallel_loop3A_194 : i32 to vector<16xi32>
        %parallel_loop3A_197 = arith.select %parallel_loop3A_192, %parallel_loop3A_195, %parallel_loop3A_196 : vector<16xi1>, vector<16xi32>
        %parallel_loop3A_198 = arith.subi %parallel_loop3A_189, %parallel_loop3A_197 : vector<16xi32>
        %parallel_loop3A_199 = arith.sitofp %parallel_loop3A_190 : vector<16xi32> to vector<16xf32>
        %parallel_loop3A_200 = arith.cmpf olt, %parallel_loop3A_188, %parallel_loop3A_199 : vector<16xf32>
        %parallel_loop3A_201 = arith.constant 1 : i32
        %parallel_loop3A_202 = arith.constant 0 : i32
        %parallel_loop3A_203 = vector.broadcast %parallel_loop3A_201 : i32 to vector<16xi32>
        %parallel_loop3A_204 = vector.broadcast %parallel_loop3A_202 : i32 to vector<16xi32>
        %parallel_loop3A_205 = arith.select %parallel_loop3A_200, %parallel_loop3A_203, %parallel_loop3A_204 : vector<16xi1>, vector<16xi32>
        %parallel_loop3A_206 = arith.subi %parallel_loop3A_190, %parallel_loop3A_205 : vector<16xi32>
        %parallel_loop3A_207 = arith.sitofp %parallel_loop3A_198 : vector<16xi32> to vector<16xf32>
        %parallel_loop3A_208 = arith.subf %parallel_loop3A_181, %parallel_loop3A_207 : vector<16xf32>
        %parallel_loop3A_209 = arith.sitofp %parallel_loop3A_206 : vector<16xi32> to vector<16xf32>
        %parallel_loop3A_210 = arith.subf %parallel_loop3A_188, %parallel_loop3A_209 : vector<16xf32>
        %parallel_loop3A_211 = arith.constant 0 : i32
        %parallel_loop3A_212 = arith.constant 1023 : i32
        %parallel_loop3A_213 = vector.broadcast %parallel_loop3A_211 : i32 to vector<16xi32>
        %parallel_loop3A_214 = arith.maxsi %parallel_loop3A_213, %parallel_loop3A_198 : vector<16xi32>
        %parallel_loop3A_215 = vector.broadcast %parallel_loop3A_212 : i32 to vector<16xi32>
        %parallel_loop3A_216 = arith.minsi %parallel_loop3A_215, %parallel_loop3A_214 : vector<16xi32>
        %parallel_loop3A_217 = arith.constant 1 : i32
        %parallel_loop3A_218 = vector.broadcast %parallel_loop3A_217 : i32 to vector<16xi32>
        %parallel_loop3A_219 = arith.addi %parallel_loop3A_216, %parallel_loop3A_218 : vector<16xi32>
        %parallel_loop3A_220 = arith.constant 1023 : i32
        %parallel_loop3A_221 = vector.broadcast %parallel_loop3A_220 : i32 to vector<16xi32>
        %parallel_loop3A_222 = arith.minsi %parallel_loop3A_219, %parallel_loop3A_221 : vector<16xi32>
        %parallel_loop3A_223 = arith.constant 0 : i32
        %parallel_loop3A_224 = arith.constant 1023 : i32
        %parallel_loop3A_225 = vector.broadcast %parallel_loop3A_223 : i32 to vector<16xi32>
        %parallel_loop3A_226 = arith.maxsi %parallel_loop3A_225, %parallel_loop3A_206 : vector<16xi32>
        %parallel_loop3A_227 = vector.broadcast %parallel_loop3A_224 : i32 to vector<16xi32>
        %parallel_loop3A_228 = arith.minsi %parallel_loop3A_227, %parallel_loop3A_226 : vector<16xi32>
        %parallel_loop3A_229 = arith.constant 1 : i32
        %parallel_loop3A_230 = vector.broadcast %parallel_loop3A_229 : i32 to vector<16xi32>
        %parallel_loop3A_231 = arith.addi %parallel_loop3A_228, %parallel_loop3A_230 : vector<16xi32>
        %parallel_loop3A_232 = arith.constant 1023 : i32
        %parallel_loop3A_233 = vector.broadcast %parallel_loop3A_232 : i32 to vector<16xi32>
        %parallel_loop3A_234 = arith.minsi %parallel_loop3A_231, %parallel_loop3A_233 : vector<16xi32>
        %parallel_loop3A_235 = arith.index_cast %parallel_loop3A_102 : i32 to index
        %parallel_loop3A_236 = tpu.vector_load %arg9[%parallel_loop3A_235] {strides = array<i32>} : memref<1024xi32, #tpu.memory_space<vmem>>, vector<16xi32>,
        %parallel_loop3A_237 = arith.constant 7 : i32
        %parallel_loop3A_238 = vector.broadcast %parallel_loop3A_237 : i32 to vector<16xi32>
        %parallel_loop3A_239 = arith.shrsi %parallel_loop3A_216, %parallel_loop3A_238 : vector<16xi32>
        %parallel_loop3A_240 = arith.constant 10 : i32
        %parallel_loop3A_241 = vector.broadcast %parallel_loop3A_240 : i32 to vector<16xi32>
        %parallel_loop3A_242 = arith.shli %parallel_loop3A_239, %parallel_loop3A_241 : vector<16xi32>
        %parallel_loop3A_243 = arith.constant 127 : i32
        %parallel_loop3A_244 = vector.broadcast %parallel_loop3A_243 : i32 to vector<16xi32>
        %parallel_loop3A_245 = arith.andi %parallel_loop3A_216, %parallel_loop3A_244 : vector<16xi32>
        %parallel_loop3A_246 = arith.addi %parallel_loop3A_242, %parallel_loop3A_245 : vector<16xi32>
        %parallel_loop3A_247 = arith.constant 7 : i32
        %parallel_loop3A_248 = vector.broadcast %parallel_loop3A_247 : i32 to vector<16xi32>
        %parallel_loop3A_249 = arith.shrsi %parallel_loop3A_222, %parallel_loop3A_248 : vector<16xi32>
        %parallel_loop3A_250 = arith.constant 10 : i32
        %parallel_loop3A_251 = vector.broadcast %parallel_loop3A_250 : i32 to vector<16xi32>
        %parallel_loop3A_252 = arith.shli %parallel_loop3A_249, %parallel_loop3A_251 : vector<16xi32>
        %parallel_loop3A_253 = arith.constant 127 : i32
        %parallel_loop3A_254 = vector.broadcast %parallel_loop3A_253 : i32 to vector<16xi32>
        %parallel_loop3A_255 = arith.andi %parallel_loop3A_222, %parallel_loop3A_254 : vector<16xi32>
        %parallel_loop3A_256 = arith.addi %parallel_loop3A_252, %parallel_loop3A_255 : vector<16xi32>
        %parallel_loop3A_257 = arith.constant 1048576 : i32
        %parallel_loop3A_258 = vector.broadcast %parallel_loop3A_257 : i32 to vector<16xi32>
        %parallel_loop3A_259 = arith.muli %parallel_loop3A_144, %parallel_loop3A_258 : vector<16xi32>
        %parallel_loop3A_260 = arith.constant 3 : i32
        %parallel_loop3A_261 = vector.broadcast %parallel_loop3A_260 : i32 to vector<16xi32>
        %parallel_loop3A_262 = arith.shrsi %parallel_loop3A_228, %parallel_loop3A_261 : vector<16xi32>
        %parallel_loop3A_263 = arith.constant 13 : i32
        %parallel_loop3A_264 = vector.broadcast %parallel_loop3A_263 : i32 to vector<16xi32>
        %parallel_loop3A_265 = arith.shli %parallel_loop3A_262, %parallel_loop3A_264 : vector<16xi32>
        %parallel_loop3A_266 = arith.addi %parallel_loop3A_259, %parallel_loop3A_265 : vector<16xi32>
        %parallel_loop3A_267 = arith.constant 7 : i32
        %parallel_loop3A_268 = vector.broadcast %parallel_loop3A_267 : i32 to vector<16xi32>
        %parallel_loop3A_269 = arith.andi %parallel_loop3A_228, %parallel_loop3A_268 : vector<16xi32>
        %parallel_loop3A_270 = arith.constant 7 : i32
        %parallel_loop3A_271 = vector.broadcast %parallel_loop3A_270 : i32 to vector<16xi32>
        %parallel_loop3A_272 = arith.shli %parallel_loop3A_269, %parallel_loop3A_271 : vector<16xi32>
        %parallel_loop3A_273 = arith.addi %parallel_loop3A_266, %parallel_loop3A_272 : vector<16xi32>
        %parallel_loop3A_274 = arith.constant 1048576 : i32
        %parallel_loop3A_275 = vector.broadcast %parallel_loop3A_274 : i32 to vector<16xi32>
        %parallel_loop3A_276 = arith.muli %parallel_loop3A_144, %parallel_loop3A_275 : vector<16xi32>
        %parallel_loop3A_277 = arith.constant 3 : i32
        %parallel_loop3A_278 = vector.broadcast %parallel_loop3A_277 : i32 to vector<16xi32>
        %parallel_loop3A_279 = arith.shrsi %parallel_loop3A_234, %parallel_loop3A_278 : vector<16xi32>
        %parallel_loop3A_280 = arith.constant 13 : i32
        %parallel_loop3A_281 = vector.broadcast %parallel_loop3A_280 : i32 to vector<16xi32>
        %parallel_loop3A_282 = arith.shli %parallel_loop3A_279, %parallel_loop3A_281 : vector<16xi32>
        %parallel_loop3A_283 = arith.addi %parallel_loop3A_276, %parallel_loop3A_282 : vector<16xi32>
        %parallel_loop3A_284 = arith.constant 7 : i32
        %parallel_loop3A_285 = vector.broadcast %parallel_loop3A_284 : i32 to vector<16xi32>
        %parallel_loop3A_286 = arith.andi %parallel_loop3A_234, %parallel_loop3A_285 : vector<16xi32>
        %parallel_loop3A_287 = arith.constant 7 : i32
        %parallel_loop3A_288 = vector.broadcast %parallel_loop3A_287 : i32 to vector<16xi32>
        %parallel_loop3A_289 = arith.shli %parallel_loop3A_286, %parallel_loop3A_288 : vector<16xi32>
        %parallel_loop3A_290 = arith.addi %parallel_loop3A_283, %parallel_loop3A_289 : vector<16xi32>
        %parallel_loop3A_291 = arith.addi %parallel_loop3A_273, %parallel_loop3A_246 : vector<16xi32>
        %parallel_loop3A_292 = arith.constant 1 : i32
        %parallel_loop3A_293 = vector.broadcast %parallel_loop3A_292 : i32 to vector<16xi32>
        %parallel_loop3A_294 = arith.shrsi %parallel_loop3A_291, %parallel_loop3A_293 : vector<16xi32>
        %parallel_loop3A_295 = arith.index_cast %parallel_loop3A_102 : i32 to index
        %parallel_loop3A_296 = tpu.vector_load %arg10[%parallel_loop3A_295] {strides = array<i32>} : memref<1024xi32, #tpu.memory_space<vmem>>, vector<16xi32>,
        tpu.vector_store %arg10[%parallel_loop3A_295], %parallel_loop3A_294 {strides = array<i32>} : memref<1024xi32, #tpu.memory_space<vmem>>, vector<16xi32>,
        %parallel_loop3A_297 = arith.addi %parallel_loop3A_273, %parallel_loop3A_256 : vector<16xi32>
        %parallel_loop3A_298 = arith.constant 1 : i32
        %parallel_loop3A_299 = vector.broadcast %parallel_loop3A_298 : i32 to vector<16xi32>
        %parallel_loop3A_300 = arith.shrsi %parallel_loop3A_297, %parallel_loop3A_299 : vector<16xi32>
        %parallel_loop3A_301 = arith.index_cast %parallel_loop3A_102 : i32 to index
        %parallel_loop3A_302 = tpu.vector_load %arg11[%parallel_loop3A_301] {strides = array<i32>} : memref<1024xi32, #tpu.memory_space<vmem>>, vector<16xi32>,
        tpu.vector_store %arg11[%parallel_loop3A_301], %parallel_loop3A_300 {strides = array<i32>} : memref<1024xi32, #tpu.memory_space<vmem>>, vector<16xi32>,
        %parallel_loop3A_303 = arith.addi %parallel_loop3A_290, %parallel_loop3A_246 : vector<16xi32>
        %parallel_loop3A_304 = arith.constant 1 : i32
        %parallel_loop3A_305 = vector.broadcast %parallel_loop3A_304 : i32 to vector<16xi32>
        %parallel_loop3A_306 = arith.shrsi %parallel_loop3A_303, %parallel_loop3A_305 : vector<16xi32>
        %parallel_loop3A_307 = arith.index_cast %parallel_loop3A_102 : i32 to index
        %parallel_loop3A_308 = tpu.vector_load %arg12[%parallel_loop3A_307] {strides = array<i32>} : memref<1024xi32, #tpu.memory_space<vmem>>, vector<16xi32>,
        tpu.vector_store %arg12[%parallel_loop3A_307], %parallel_loop3A_306 {strides = array<i32>} : memref<1024xi32, #tpu.memory_space<vmem>>, vector<16xi32>,
        %parallel_loop3A_309 = arith.addi %parallel_loop3A_290, %parallel_loop3A_256 : vector<16xi32>
        %parallel_loop3A_310 = arith.constant 1 : i32
        %parallel_loop3A_311 = vector.broadcast %parallel_loop3A_310 : i32 to vector<16xi32>
        %parallel_loop3A_312 = arith.shrsi %parallel_loop3A_309, %parallel_loop3A_311 : vector<16xi32>
        %parallel_loop3A_313 = arith.index_cast %parallel_loop3A_102 : i32 to index
        %parallel_loop3A_314 = tpu.vector_load %arg13[%parallel_loop3A_313] {strides = array<i32>} : memref<1024xi32, #tpu.memory_space<vmem>>, vector<16xi32>,
        tpu.vector_store %arg13[%parallel_loop3A_313], %parallel_loop3A_312 {strides = array<i32>} : memref<1024xi32, #tpu.memory_space<vmem>>, vector<16xi32>,
        %parallel_loop3A_315 = arith.constant 1 : i32
        %parallel_loop3A_316 = vector.broadcast %parallel_loop3A_315 : i32 to vector<16xi32>
        %parallel_loop3A_317 = arith.andi %parallel_loop3A_216, %parallel_loop3A_316 : vector<16xi32>
        %parallel_loop3A_318 = arith.constant 2 : i32
        %parallel_loop3A_319 = vector.broadcast %parallel_loop3A_318 : i32 to vector<16xi32>
        %parallel_loop3A_320 = arith.shli %parallel_loop3A_317, %parallel_loop3A_319 : vector<16xi32>
        %parallel_loop3A_321 = arith.index_cast %parallel_loop3A_102 : i32 to index
        %parallel_loop3A_322 = tpu.vector_load %arg14[%parallel_loop3A_321] {strides = array<i32>} : memref<1024xi32, #tpu.memory_space<vmem>>, vector<16xi32>,
        tpu.vector_store %arg14[%parallel_loop3A_321], %parallel_loop3A_320 {strides = array<i32>} : memref<1024xi32, #tpu.memory_space<vmem>>, vector<16xi32>,
        %parallel_loop3A_323 = arith.constant 1 : i32
        %parallel_loop3A_324 = vector.broadcast %parallel_loop3A_323 : i32 to vector<16xi32>
        %parallel_loop3A_325 = arith.andi %parallel_loop3A_222, %parallel_loop3A_324 : vector<16xi32>
        %parallel_loop3A_326 = arith.constant 2 : i32
        %parallel_loop3A_327 = vector.broadcast %parallel_loop3A_326 : i32 to vector<16xi32>
        %parallel_loop3A_328 = arith.shli %parallel_loop3A_325, %parallel_loop3A_327 : vector<16xi32>
        %parallel_loop3A_329 = arith.index_cast %parallel_loop3A_102 : i32 to index
        %parallel_loop3A_330 = tpu.vector_load %arg15[%parallel_loop3A_329] {strides = array<i32>} : memref<1024xi32, #tpu.memory_space<vmem>>, vector<16xi32>,
        tpu.vector_store %arg15[%parallel_loop3A_329], %parallel_loop3A_328 {strides = array<i32>} : memref<1024xi32, #tpu.memory_space<vmem>>, vector<16xi32>,
        %parallel_loop3A_331 = arith.index_cast %parallel_loop3A_102 : i32 to index
        %parallel_loop3A_332 = tpu.vector_load %arg16[%parallel_loop3A_331] {strides = array<i32>} : memref<1024xf32, #tpu.memory_space<vmem>>, vector<16xf32>,
        tpu.vector_store %arg16[%parallel_loop3A_331], %parallel_loop3A_208 {strides = array<i32>} : memref<1024xf32, #tpu.memory_space<vmem>>, vector<16xf32>,
        %parallel_loop3A_333 = arith.index_cast %parallel_loop3A_102 : i32 to index
        %parallel_loop3A_334 = tpu.vector_load %arg17[%parallel_loop3A_333] {strides = array<i32>} : memref<1024xf32, #tpu.memory_space<vmem>>, vector<16xf32>,
        tpu.vector_store %arg17[%parallel_loop3A_333], %parallel_loop3A_210 {strides = array<i32>} : memref<1024xf32, #tpu.memory_space<vmem>>, vector<16xf32>,
        %parallel_loop3A_335 = arith.sitofp %parallel_loop3A_236 : vector<16xi32> to vector<16xf32>
        %parallel_loop3A_336 = arith.index_cast %parallel_loop3A_102 : i32 to index
        %parallel_loop3A_337 = tpu.vector_load %arg18[%parallel_loop3A_336] {strides = array<i32>} : memref<1024xf32, #tpu.memory_space<vmem>>, vector<16xf32>,
        tpu.vector_store %arg18[%parallel_loop3A_336], %parallel_loop3A_335 {strides = array<i32>} : memref<1024xf32, #tpu.memory_space<vmem>>, vector<16xf32>,
      } {sc.loop_unroll_factor = 4 : i64, sc.parallel_access}
      %dma_start3A_57 = arith.constant 0 : i32
      %dma_start3A_58 = arith.constant 0 : i32
      %dma_start3A_59 = tpu.memref_slice %arg2[%dma_start3A_57, %dma_start3A_58] : memref<3145728x8xf32, #tpu.memory_space<hbm>> -> memref<3145728x8xf32, #tpu.memory_space<hbm>>
      tpu.enqueue_indirect_dma source(%dma_start3A_59 : memref<3145728x8xf32, #tpu.memory_space<hbm>>) target(%arg19 : memref<1024x8xf32, #tpu.memory_space<vmem>>) offsets(%arg10 : memref<1024xi32, #tpu.memory_space<vmem>>) semaphore(%arg26 : memref<!tpu.dma_semaphore, #tpu.memory_space<semaphore_mem>>)
      %dma_start3A_60 = arith.constant 0 : i32
      %dma_start3A_61 = arith.constant 0 : i32
      %dma_start3A_62 = tpu.memref_slice %arg2[%dma_start3A_60, %dma_start3A_61] : memref<3145728x8xf32, #tpu.memory_space<hbm>> -> memref<3145728x8xf32, #tpu.memory_space<hbm>>
      tpu.enqueue_indirect_dma source(%dma_start3A_62 : memref<3145728x8xf32, #tpu.memory_space<hbm>>) target(%arg20 : memref<1024x8xf32, #tpu.memory_space<vmem>>) offsets(%arg11 : memref<1024xi32, #tpu.memory_space<vmem>>) semaphore(%arg26 : memref<!tpu.dma_semaphore, #tpu.memory_space<semaphore_mem>>)
      %dma_start3A_63 = arith.constant 0 : i32
      %dma_start3A_64 = arith.constant 0 : i32
      %dma_start3A_65 = tpu.memref_slice %arg2[%dma_start3A_63, %dma_start3A_64] : memref<3145728x8xf32, #tpu.memory_space<hbm>> -> memref<3145728x8xf32, #tpu.memory_space<hbm>>
      tpu.enqueue_indirect_dma source(%dma_start3A_65 : memref<3145728x8xf32, #tpu.memory_space<hbm>>) target(%arg21 : memref<1024x8xf32, #tpu.memory_space<vmem>>) offsets(%arg12 : memref<1024xi32, #tpu.memory_space<vmem>>) semaphore(%arg26 : memref<!tpu.dma_semaphore, #tpu.memory_space<semaphore_mem>>)
      %dma_start3A_66 = arith.constant 0 : i32
      %dma_start3A_67 = arith.constant 0 : i32
      %dma_start3A_68 = tpu.memref_slice %arg2[%dma_start3A_66, %dma_start3A_67] : memref<3145728x8xf32, #tpu.memory_space<hbm>> -> memref<3145728x8xf32, #tpu.memory_space<hbm>>
      tpu.enqueue_indirect_dma source(%dma_start3A_68 : memref<3145728x8xf32, #tpu.memory_space<hbm>>) target(%arg22 : memref<1024x8xf32, #tpu.memory_space<vmem>>) offsets(%arg13 : memref<1024xi32, #tpu.memory_space<vmem>>) semaphore(%arg26 : memref<!tpu.dma_semaphore, #tpu.memory_space<semaphore_mem>>)
      %dma_wait3A_69 = arith.constant 0 : i32
      %dma_wait3A_70 = arith.constant 0 : i32
      %dma_wait3A_71 = tpu.memref_slice %arg2[%dma_wait3A_69, %dma_wait3A_70] : memref<3145728x8xf32, #tpu.memory_space<hbm>> -> memref<3145728x8xf32, #tpu.memory_space<hbm>>
      tpu.wait_indirect_dma semaphore(%arg26 : memref<!tpu.dma_semaphore, #tpu.memory_space<semaphore_mem>>) src(%dma_wait3A_71 : memref<3145728x8xf32, #tpu.memory_space<hbm>>) dst(%arg19 : memref<1024x8xf32, #tpu.memory_space<vmem>>)
      %dma_wait3A_72 = arith.constant 0 : i32
      %dma_wait3A_73 = arith.constant 0 : i32
      %dma_wait3A_74 = tpu.memref_slice %arg2[%dma_wait3A_72, %dma_wait3A_73] : memref<3145728x8xf32, #tpu.memory_space<hbm>> -> memref<3145728x8xf32, #tpu.memory_space<hbm>>
      tpu.wait_indirect_dma semaphore(%arg26 : memref<!tpu.dma_semaphore, #tpu.memory_space<semaphore_mem>>) src(%dma_wait3A_74 : memref<3145728x8xf32, #tpu.memory_space<hbm>>) dst(%arg20 : memref<1024x8xf32, #tpu.memory_space<vmem>>)
      %dma_wait3A_75 = arith.constant 0 : i32
      %dma_wait3A_76 = arith.constant 0 : i32
      %dma_wait3A_77 = tpu.memref_slice %arg2[%dma_wait3A_75, %dma_wait3A_76] : memref<3145728x8xf32, #tpu.memory_space<hbm>> -> memref<3145728x8xf32, #tpu.memory_space<hbm>>
      tpu.wait_indirect_dma semaphore(%arg26 : memref<!tpu.dma_semaphore, #tpu.memory_space<semaphore_mem>>) src(%dma_wait3A_77 : memref<3145728x8xf32, #tpu.memory_space<hbm>>) dst(%arg21 : memref<1024x8xf32, #tpu.memory_space<vmem>>)
      %dma_wait3A_78 = arith.constant 0 : i32
      %dma_wait3A_79 = arith.constant 0 : i32
      %dma_wait3A_80 = tpu.memref_slice %arg2[%dma_wait3A_78, %dma_wait3A_79] : memref<3145728x8xf32, #tpu.memory_space<hbm>> -> memref<3145728x8xf32, #tpu.memory_space<hbm>>
      tpu.wait_indirect_dma semaphore(%arg26 : memref<!tpu.dma_semaphore, #tpu.memory_space<semaphore_mem>>) src(%dma_wait3A_80 : memref<3145728x8xf32, #tpu.memory_space<hbm>>) dst(%arg22 : memref<1024x8xf32, #tpu.memory_space<vmem>>)
      %parallel_loop3A_81 = arith.constant 0 : i32
      %parallel_loop3A_82 = arith.constant 64 : i32
      %parallel_loop3A_83 = arith.constant 1 : i32
      scf.for %parallel_loop3A_100 = %parallel_loop3A_81 to %parallel_loop3A_82 step %parallel_loop3A_83  : i32 {
        %parallel_loop3A_101 = arith.constant 16 : i32
        %parallel_loop3A_102 = arith.muli %parallel_loop3A_100, %parallel_loop3A_101 : i32
        %parallel_loop3A_103 = arith.constant 16 : i32
        %parallel_loop3A_104 = arith.muli %parallel_loop3A_100, %parallel_loop3A_103 : i32
        %parallel_loop3A_105 = vector.broadcast %parallel_loop3A_104 : i32 to vector<16xi32>
        %parallel_loop3A_106 = arith.addi %iota3A, %parallel_loop3A_105 : vector<16xi32>
        %parallel_loop3A_107 = arith.index_cast %parallel_loop3A_102 : i32 to index
        %parallel_loop3A_108 = tpu.vector_load %arg16[%parallel_loop3A_107] {strides = array<i32>} : memref<1024xf32, #tpu.memory_space<vmem>>, vector<16xf32>,
        %parallel_loop3A_109 = arith.index_cast %parallel_loop3A_102 : i32 to index
        %parallel_loop3A_110 = tpu.vector_load %arg17[%parallel_loop3A_109] {strides = array<i32>} : memref<1024xf32, #tpu.memory_space<vmem>>, vector<16xf32>,
        %parallel_loop3A_111 = arith.index_cast %parallel_loop3A_102 : i32 to index
        %parallel_loop3A_112 = tpu.vector_load %arg18[%parallel_loop3A_111] {strides = array<i32>} : memref<1024xf32, #tpu.memory_space<vmem>>, vector<16xf32>,
        %parallel_loop3A_113 = arith.index_cast %parallel_loop3A_102 : i32 to index
        %parallel_loop3A_114 = tpu.vector_load %arg14[%parallel_loop3A_113] {strides = array<i32>} : memref<1024xi32, #tpu.memory_space<vmem>>, vector<16xi32>,
        %parallel_loop3A_115 = arith.index_cast %parallel_loop3A_102 : i32 to index
        %parallel_loop3A_116 = tpu.vector_load %arg15[%parallel_loop3A_115] {strides = array<i32>} : memref<1024xi32, #tpu.memory_space<vmem>>, vector<16xi32>,
        %parallel_loop3A_117 = arith.constant 0 : i32
        %parallel_loop3A_118 = vector.broadcast %parallel_loop3A_117 : i32 to vector<16xi32>
        %parallel_loop3A_119 = arith.addi %parallel_loop3A_114, %parallel_loop3A_118 : vector<16xi32>
        %parallel_loop3A_120 = arith.constant 0 : i32
        %parallel_loop3A_121 = vector.broadcast %parallel_loop3A_120 : i32 to vector<16xi32>
        %parallel_loop3A_122 = arith.addi %parallel_loop3A_116, %parallel_loop3A_121 : vector<16xi32>
        %parallel_loop3A_123 = tpu.vector_load_idx %arg19[%parallel_loop3A_106, %parallel_loop3A_119] : memref<1024x8xf32, #tpu.memory_space<vmem>>[vector<16xi32>, vector<16xi32>], vector<16xf32>,
        %parallel_loop3A_124 = tpu.vector_load_idx %arg20[%parallel_loop3A_106, %parallel_loop3A_122] : memref<1024x8xf32, #tpu.memory_space<vmem>>[vector<16xi32>, vector<16xi32>], vector<16xf32>,
        %parallel_loop3A_125 = tpu.vector_load_idx %arg21[%parallel_loop3A_106, %parallel_loop3A_119] : memref<1024x8xf32, #tpu.memory_space<vmem>>[vector<16xi32>, vector<16xi32>], vector<16xf32>,
        %parallel_loop3A_126 = tpu.vector_load_idx %arg22[%parallel_loop3A_106, %parallel_loop3A_122] : memref<1024x8xf32, #tpu.memory_space<vmem>>[vector<16xi32>, vector<16xi32>], vector<16xf32>,
        %parallel_loop3A_127 = arith.subf %parallel_loop3A_124, %parallel_loop3A_123 : vector<16xf32>
        %parallel_loop3A_128 = arith.mulf %parallel_loop3A_108, %parallel_loop3A_127 : vector<16xf32>
        %parallel_loop3A_129 = arith.addf %parallel_loop3A_123, %parallel_loop3A_128 : vector<16xf32>
        %parallel_loop3A_130 = arith.subf %parallel_loop3A_126, %parallel_loop3A_125 : vector<16xf32>
        %parallel_loop3A_131 = arith.mulf %parallel_loop3A_108, %parallel_loop3A_130 : vector<16xf32>
        %parallel_loop3A_132 = arith.addf %parallel_loop3A_125, %parallel_loop3A_131 : vector<16xf32>
        %parallel_loop3A_133 = arith.subf %parallel_loop3A_132, %parallel_loop3A_129 : vector<16xf32>
        %parallel_loop3A_134 = arith.mulf %parallel_loop3A_110, %parallel_loop3A_133 : vector<16xf32>
        %parallel_loop3A_135 = arith.addf %parallel_loop3A_129, %parallel_loop3A_134 : vector<16xf32>
        %parallel_loop3A_136 = arith.constant 0.000000e+00 : f32
        %parallel_loop3A_137 = vector.broadcast %parallel_loop3A_136 : f32 to vector<16xf32>
        %parallel_loop3A_138 = arith.maximumf %parallel_loop3A_135, %parallel_loop3A_137 : vector<16xf32>
        %parallel_loop3A_139 = arith.constant 1.000000e+00 : f32
        %parallel_loop3A_140 = vector.broadcast %parallel_loop3A_139 : f32 to vector<16xf32>
        %parallel_loop3A_141 = arith.minimumf %parallel_loop3A_138, %parallel_loop3A_140 : vector<16xf32>
        %parallel_loop3A_142 = arith.mulf %parallel_loop3A_141, %parallel_loop3A_112 : vector<16xf32>
        %parallel_loop3A_143 = arith.index_cast %parallel_loop3A_102 : i32 to index
        %parallel_loop3A_144 = tpu.vector_load %arg23[%parallel_loop3A_143] {strides = array<i32>} : memref<1024xf32, #tpu.memory_space<vmem>>, vector<16xf32>,
        tpu.vector_store %arg23[%parallel_loop3A_143], %parallel_loop3A_142 {strides = array<i32>} : memref<1024xf32, #tpu.memory_space<vmem>>, vector<16xf32>,
        %parallel_loop3A_145 = arith.constant 1 : i32
        %parallel_loop3A_146 = vector.broadcast %parallel_loop3A_145 : i32 to vector<16xi32>
        %parallel_loop3A_147 = arith.addi %parallel_loop3A_114, %parallel_loop3A_146 : vector<16xi32>
        %parallel_loop3A_148 = arith.constant 1 : i32
        %parallel_loop3A_149 = vector.broadcast %parallel_loop3A_148 : i32 to vector<16xi32>
        %parallel_loop3A_150 = arith.addi %parallel_loop3A_116, %parallel_loop3A_149 : vector<16xi32>
        %parallel_loop3A_151 = tpu.vector_load_idx %arg19[%parallel_loop3A_106, %parallel_loop3A_147] : memref<1024x8xf32, #tpu.memory_space<vmem>>[vector<16xi32>, vector<16xi32>], vector<16xf32>,
        %parallel_loop3A_152 = tpu.vector_load_idx %arg20[%parallel_loop3A_106, %parallel_loop3A_150] : memref<1024x8xf32, #tpu.memory_space<vmem>>[vector<16xi32>, vector<16xi32>], vector<16xf32>,
        %parallel_loop3A_153 = tpu.vector_load_idx %arg21[%parallel_loop3A_106, %parallel_loop3A_147] : memref<1024x8xf32, #tpu.memory_space<vmem>>[vector<16xi32>, vector<16xi32>], vector<16xf32>,
        %parallel_loop3A_154 = tpu.vector_load_idx %arg22[%parallel_loop3A_106, %parallel_loop3A_150] : memref<1024x8xf32, #tpu.memory_space<vmem>>[vector<16xi32>, vector<16xi32>], vector<16xf32>,
        %parallel_loop3A_155 = arith.subf %parallel_loop3A_152, %parallel_loop3A_151 : vector<16xf32>
        %parallel_loop3A_156 = arith.mulf %parallel_loop3A_108, %parallel_loop3A_155 : vector<16xf32>
        %parallel_loop3A_157 = arith.addf %parallel_loop3A_151, %parallel_loop3A_156 : vector<16xf32>
        %parallel_loop3A_158 = arith.subf %parallel_loop3A_154, %parallel_loop3A_153 : vector<16xf32>
        %parallel_loop3A_159 = arith.mulf %parallel_loop3A_108, %parallel_loop3A_158 : vector<16xf32>
        %parallel_loop3A_160 = arith.addf %parallel_loop3A_153, %parallel_loop3A_159 : vector<16xf32>
        %parallel_loop3A_161 = arith.subf %parallel_loop3A_160, %parallel_loop3A_157 : vector<16xf32>
        %parallel_loop3A_162 = arith.mulf %parallel_loop3A_110, %parallel_loop3A_161 : vector<16xf32>
        %parallel_loop3A_163 = arith.addf %parallel_loop3A_157, %parallel_loop3A_162 : vector<16xf32>
        %parallel_loop3A_164 = arith.constant 0.000000e+00 : f32
        %parallel_loop3A_165 = vector.broadcast %parallel_loop3A_164 : f32 to vector<16xf32>
        %parallel_loop3A_166 = arith.maximumf %parallel_loop3A_163, %parallel_loop3A_165 : vector<16xf32>
        %parallel_loop3A_167 = arith.constant 1.000000e+00 : f32
        %parallel_loop3A_168 = vector.broadcast %parallel_loop3A_167 : f32 to vector<16xf32>
        %parallel_loop3A_169 = arith.minimumf %parallel_loop3A_166, %parallel_loop3A_168 : vector<16xf32>
        %parallel_loop3A_170 = arith.mulf %parallel_loop3A_169, %parallel_loop3A_112 : vector<16xf32>
        %parallel_loop3A_171 = arith.index_cast %parallel_loop3A_102 : i32 to index
        %parallel_loop3A_172 = tpu.vector_load %arg24[%parallel_loop3A_171] {strides = array<i32>} : memref<1024xf32, #tpu.memory_space<vmem>>, vector<16xf32>,
        tpu.vector_store %arg24[%parallel_loop3A_171], %parallel_loop3A_170 {strides = array<i32>} : memref<1024xf32, #tpu.memory_space<vmem>>, vector<16xf32>,
        %parallel_loop3A_173 = arith.constant 2 : i32
        %parallel_loop3A_174 = vector.broadcast %parallel_loop3A_173 : i32 to vector<16xi32>
        %parallel_loop3A_175 = arith.addi %parallel_loop3A_114, %parallel_loop3A_174 : vector<16xi32>
        %parallel_loop3A_176 = arith.constant 2 : i32
        %parallel_loop3A_177 = vector.broadcast %parallel_loop3A_176 : i32 to vector<16xi32>
        %parallel_loop3A_178 = arith.addi %parallel_loop3A_116, %parallel_loop3A_177 : vector<16xi32>
        %parallel_loop3A_179 = tpu.vector_load_idx %arg19[%parallel_loop3A_106, %parallel_loop3A_175] : memref<1024x8xf32, #tpu.memory_space<vmem>>[vector<16xi32>, vector<16xi32>], vector<16xf32>,
        %parallel_loop3A_180 = tpu.vector_load_idx %arg20[%parallel_loop3A_106, %parallel_loop3A_178] : memref<1024x8xf32, #tpu.memory_space<vmem>>[vector<16xi32>, vector<16xi32>], vector<16xf32>,
        %parallel_loop3A_181 = tpu.vector_load_idx %arg21[%parallel_loop3A_106, %parallel_loop3A_175] : memref<1024x8xf32, #tpu.memory_space<vmem>>[vector<16xi32>, vector<16xi32>], vector<16xf32>,
        %parallel_loop3A_182 = tpu.vector_load_idx %arg22[%parallel_loop3A_106, %parallel_loop3A_178] : memref<1024x8xf32, #tpu.memory_space<vmem>>[vector<16xi32>, vector<16xi32>], vector<16xf32>,
        %parallel_loop3A_183 = arith.subf %parallel_loop3A_180, %parallel_loop3A_179 : vector<16xf32>
        %parallel_loop3A_184 = arith.mulf %parallel_loop3A_108, %parallel_loop3A_183 : vector<16xf32>
        %parallel_loop3A_185 = arith.addf %parallel_loop3A_179, %parallel_loop3A_184 : vector<16xf32>
        %parallel_loop3A_186 = arith.subf %parallel_loop3A_182, %parallel_loop3A_181 : vector<16xf32>
        %parallel_loop3A_187 = arith.mulf %parallel_loop3A_108, %parallel_loop3A_186 : vector<16xf32>
        %parallel_loop3A_188 = arith.addf %parallel_loop3A_181, %parallel_loop3A_187 : vector<16xf32>
        %parallel_loop3A_189 = arith.subf %parallel_loop3A_188, %parallel_loop3A_185 : vector<16xf32>
        %parallel_loop3A_190 = arith.mulf %parallel_loop3A_110, %parallel_loop3A_189 : vector<16xf32>
        %parallel_loop3A_191 = arith.addf %parallel_loop3A_185, %parallel_loop3A_190 : vector<16xf32>
        %parallel_loop3A_192 = arith.constant 0.000000e+00 : f32
        %parallel_loop3A_193 = vector.broadcast %parallel_loop3A_192 : f32 to vector<16xf32>
        %parallel_loop3A_194 = arith.maximumf %parallel_loop3A_191, %parallel_loop3A_193 : vector<16xf32>
        %parallel_loop3A_195 = arith.constant 1.000000e+00 : f32
        %parallel_loop3A_196 = vector.broadcast %parallel_loop3A_195 : f32 to vector<16xf32>
        %parallel_loop3A_197 = arith.minimumf %parallel_loop3A_194, %parallel_loop3A_196 : vector<16xf32>
        %parallel_loop3A_198 = arith.mulf %parallel_loop3A_197, %parallel_loop3A_112 : vector<16xf32>
        %parallel_loop3A_199 = arith.index_cast %parallel_loop3A_102 : i32 to index
        %parallel_loop3A_200 = tpu.vector_load %arg25[%parallel_loop3A_199] {strides = array<i32>} : memref<1024xf32, #tpu.memory_space<vmem>>, vector<16xf32>,
        tpu.vector_store %arg25[%parallel_loop3A_199], %parallel_loop3A_198 {strides = array<i32>} : memref<1024xf32, #tpu.memory_space<vmem>>, vector<16xf32>,
      } {sc.loop_unroll_factor = 4 : i64, sc.parallel_access}
      %dma_start3A_84 = tpu.memref_slice %arg5[%mul3A_36] : memref<6220800xf32, #tpu.memory_space<hbm>> -> memref<1024xf32, #tpu.memory_space<hbm>>
      %dma_start3A_85 = tpu.memref_slice %arg5[%mul3A_36] : memref<6220800xf32, #tpu.memory_space<hbm>> -> memref<1024xf32, #tpu.memory_space<hbm>>
      tpu.enqueue_dma source(%arg23 : memref<1024xf32, #tpu.memory_space<vmem>>) target(%dma_start3A_85 : memref<1024xf32, #tpu.memory_space<hbm>>) target_semaphore(%arg26 : memref<!tpu.dma_semaphore, #tpu.memory_space<semaphore_mem>>)
      %add3A_86 = arith.constant 2073600 : i32
      %add3A_87 = arith.addi %add3A_86, %mul3A_36 : i32
      %dma_start3A_88 = tpu.memref_slice %arg5[%add3A_87] : memref<6220800xf32, #tpu.memory_space<hbm>> -> memref<1024xf32, #tpu.memory_space<hbm>>
      %dma_start3A_89 = tpu.memref_slice %arg5[%add3A_87] : memref<6220800xf32, #tpu.memory_space<hbm>> -> memref<1024xf32, #tpu.memory_space<hbm>>
      tpu.enqueue_dma source(%arg24 : memref<1024xf32, #tpu.memory_space<vmem>>) target(%dma_start3A_89 : memref<1024xf32, #tpu.memory_space<hbm>>) target_semaphore(%arg26 : memref<!tpu.dma_semaphore, #tpu.memory_space<semaphore_mem>>)
      %add3A_90 = arith.constant 4147200 : i32
      %add3A_91 = arith.addi %add3A_90, %mul3A_36 : i32
      %dma_start3A_92 = tpu.memref_slice %arg5[%add3A_91] : memref<6220800xf32, #tpu.memory_space<hbm>> -> memref<1024xf32, #tpu.memory_space<hbm>>
      %dma_start3A_93 = tpu.memref_slice %arg5[%add3A_91] : memref<6220800xf32, #tpu.memory_space<hbm>> -> memref<1024xf32, #tpu.memory_space<hbm>>
      tpu.enqueue_dma source(%arg25 : memref<1024xf32, #tpu.memory_space<vmem>>) target(%dma_start3A_93 : memref<1024xf32, #tpu.memory_space<hbm>>) target_semaphore(%arg26 : memref<!tpu.dma_semaphore, #tpu.memory_space<semaphore_mem>>)
      %dma_wait3A_94 = tpu.memref_slice %arg5[%mul3A_36] : memref<6220800xf32, #tpu.memory_space<hbm>> -> memref<1024xf32, #tpu.memory_space<hbm>>
      %dma_wait3A_95 = tpu.memref_slice %arg5[%mul3A_36] : memref<6220800xf32, #tpu.memory_space<hbm>> -> memref<1024xf32, #tpu.memory_space<hbm>>
      tpu.wait_dma2 semaphore(%arg26 : memref<!tpu.dma_semaphore, #tpu.memory_space<semaphore_mem>>) src(%arg23 : memref<1024xf32, #tpu.memory_space<vmem>>) dst(%dma_wait3A_95 : memref<1024xf32, #tpu.memory_space<hbm>>)
      %dma_wait3A_96 = tpu.memref_slice %arg5[%add3A_87] : memref<6220800xf32, #tpu.memory_space<hbm>> -> memref<1024xf32, #tpu.memory_space<hbm>>
      %dma_wait3A_97 = tpu.memref_slice %arg5[%add3A_87] : memref<6220800xf32, #tpu.memory_space<hbm>> -> memref<1024xf32, #tpu.memory_space<hbm>>
      tpu.wait_dma2 semaphore(%arg26 : memref<!tpu.dma_semaphore, #tpu.memory_space<semaphore_mem>>) src(%arg24 : memref<1024xf32, #tpu.memory_space<vmem>>) dst(%dma_wait3A_97 : memref<1024xf32, #tpu.memory_space<hbm>>)
      %dma_wait3A_98 = tpu.memref_slice %arg5[%add3A_91] : memref<6220800xf32, #tpu.memory_space<hbm>> -> memref<1024xf32, #tpu.memory_space<hbm>>
      %dma_wait3A_99 = tpu.memref_slice %arg5[%add3A_91] : memref<6220800xf32, #tpu.memory_space<hbm>> -> memref<1024xf32, #tpu.memory_space<hbm>>
      tpu.wait_dma2 semaphore(%arg26 : memref<!tpu.dma_semaphore, #tpu.memory_space<semaphore_mem>>) src(%arg25 : memref<1024xf32, #tpu.memory_space<vmem>>) dst(%dma_wait3A_99 : memref<1024xf32, #tpu.memory_space<hbm>>)
    }
    return
  }
}

#map = affine_map<(d0, d1) -> (0)>
module attributes {stable_mosaic.version = 14 : i64} {
  func.func @_ibody(%arg0: i32, %arg1: i32, %arg2: memref<18874368xf32, #tpu.memory_space<hbm>>, %arg3: memref<25165824xf32, #tpu.memory_space<hbm>>, %arg4: memref<2048xf32, #tpu.memory_space<vmem>>, %arg5: memref<2048xf32, #tpu.memory_space<vmem>>, %arg6: memref<2048xf32, #tpu.memory_space<vmem>>, %arg7: memref<8192xf32, #tpu.memory_space<vmem>>, %arg8: memref<!tpu.dma_semaphore, #tpu.memory_space<semaphore_mem>>) attributes {dimension_semantics = [#tpu.dimension_semantics<core_parallel>, #tpu.dimension_semantics<subcore_parallel>], iteration_bounds = array<i64: 2, 16>, scalar_prefetch = 0 : i64, scratch_operands = 5 : i64, tpu.core_type = #tpu.core_type<sc_vector_subcore>, window_params = [{transform_indices = #map}, {transform_indices = #map}]} {
    %mul3A = arith.constant 2 : i32
    %mul3A_0 = arith.muli %arg1, %mul3A : i32
    %add3A = arith.addi %mul3A_0, %arg0 : i32
    %sub3A = arith.constant 3072 : i32
    %sub3A_1 = arith.subi %sub3A, %add3A : i32
    %add3A_2 = arith.constant 32 : i32
    %add3A_3 = arith.addi %sub3A_1, %add3A_2 : i32
    %sub3A_4 = arith.constant 1 : i32
    %sub3A_5 = arith.subi %add3A_3, %sub3A_4 : i32
    %jit3A = arith.constant 32 : i32
    %div3A = arith.divsi %sub3A_5, %jit3A : i32
    %sign3A = arith.constant 0 : i32
    %sign3A_6 = arith.cmpi sgt, %sub3A_5, %sign3A : i32
    %sign3A_7 = arith.extui %sign3A_6 : i1 to i32
    %sign3A_8 = arith.constant 0 : i32
    %sign3A_9 = arith.cmpi slt, %sub3A_5, %sign3A_8 : i32
    %sign3A_10 = arith.extui %sign3A_9 : i1 to i32
    %sign3A_11 = arith.subi %sign3A_7, %sign3A_10 : i32
    %sign3A_12 = arith.constant 0 : i32
    %sign3A_13 = arith.cmpi sgt, %jit3A, %sign3A_12 : i32
    %sign3A_14 = arith.extui %sign3A_13 : i1 to i32
    %sign3A_15 = arith.constant 0 : i32
    %sign3A_16 = arith.cmpi slt, %jit3A, %sign3A_15 : i32
    %sign3A_17 = arith.extui %sign3A_16 : i1 to i32
    %sign3A_18 = arith.subi %sign3A_14, %sign3A_17 : i32
    %ne3A = arith.cmpi ne, %sign3A_11, %sign3A_18 : i32
    %rem3A = arith.remsi %sub3A_5, %jit3A : i32
    %ne3A_19 = arith.constant 0 : i32
    %ne3A_20 = arith.cmpi ne, %rem3A, %ne3A_19 : i32
    %and3A = arith.andi %ne3A, %ne3A_20 : i1
    %sub3A_21 = arith.constant 1 : i32
    %sub3A_22 = arith.subi %div3A, %sub3A_21 : i32
    %select_n3A = arith.select %and3A, %sub3A_22, %div3A : i32
    %iota3A = tpu.iota {dimensions = array<i32: 0>} : vector<16xi32>
    %while3A = arith.constant 0 : i32
    %while3A_23 = arith.subi %select_n3A, %while3A : i32
    %while3A_24 = arith.addi %while3A, %while3A_23 : i32
    %while3A_25 = arith.constant 1 : i32
    %while3A_26 = arith.divsi %while3A_23, %while3A_25 : i32
    %while3A_27 = arith.muli %while3A_26, %while3A_25 : i32
    %while3A_28 = arith.addi %while3A, %while3A_27 : i32
    %while3A_29 = arith.constant 1 : i32
    scf.for %while3A_31 = %while3A to %while3A_28 step %while3A_29  : i32 {
      %mul3A_32 = arith.constant 32 : i32
      %mul3A_33 = arith.muli %while3A_31, %mul3A_32 : i32
      %add3A_34 = arith.addi %add3A, %mul3A_33 : i32
      %jit3A_35 = arith.constant 512 : i32
      %div3A_36 = arith.divsi %add3A_34, %jit3A_35 : i32
      %sign3A_37 = arith.constant 0 : i32
      %sign3A_38 = arith.cmpi sgt, %add3A_34, %sign3A_37 : i32
      %sign3A_39 = arith.extui %sign3A_38 : i1 to i32
      %sign3A_40 = arith.constant 0 : i32
      %sign3A_41 = arith.cmpi slt, %add3A_34, %sign3A_40 : i32
      %sign3A_42 = arith.extui %sign3A_41 : i1 to i32
      %sign3A_43 = arith.subi %sign3A_39, %sign3A_42 : i32
      %sign3A_44 = arith.constant 0 : i32
      %sign3A_45 = arith.cmpi sgt, %jit3A_35, %sign3A_44 : i32
      %sign3A_46 = arith.extui %sign3A_45 : i1 to i32
      %sign3A_47 = arith.constant 0 : i32
      %sign3A_48 = arith.cmpi slt, %jit3A_35, %sign3A_47 : i32
      %sign3A_49 = arith.extui %sign3A_48 : i1 to i32
      %sign3A_50 = arith.subi %sign3A_46, %sign3A_49 : i32
      %ne3A_51 = arith.cmpi ne, %sign3A_43, %sign3A_50 : i32
      %rem3A_52 = arith.remsi %add3A_34, %jit3A_35 : i32
      %ne3A_53 = arith.constant 0 : i32
      %ne3A_54 = arith.cmpi ne, %rem3A_52, %ne3A_53 : i32
      %and3A_55 = arith.andi %ne3A_51, %ne3A_54 : i1
      %sub3A_56 = arith.constant 1 : i32
      %sub3A_57 = arith.subi %div3A_36, %sub3A_56 : i32
      %select_n3A_58 = arith.select %and3A_55, %sub3A_57, %div3A_36 : i32
      %mul3A_59 = arith.constant 3145728 : i32
      %mul3A_60 = arith.muli %select_n3A_58, %mul3A_59 : i32
      %jit3A_61 = arith.constant 512 : i32
      %eq3A = arith.constant 0 : i32
      %eq3A_62 = arith.cmpi eq, %jit3A_61, %eq3A : i32
      %jit3A_63 = arith.constant 1 : i32
      %select_n3A_64 = arith.select %eq3A_62, %jit3A_63, %jit3A_61 : i32
      %rem3A_65 = arith.remsi %add3A_34, %select_n3A_64 : i32
      %ne3A_66 = arith.constant 0 : i32
      %ne3A_67 = arith.cmpi ne, %rem3A_65, %ne3A_66 : i32
      %lt3A = arith.constant 0 : i32
      %lt3A_68 = arith.cmpi slt, %rem3A_65, %lt3A : i32
      %lt3A_69 = arith.constant 0 : i32
      %lt3A_70 = arith.cmpi slt, %select_n3A_64, %lt3A_69 : i32
      %ne3A_71 = arith.xori %lt3A_68, %lt3A_70 : i1
      %and3A_72 = arith.andi %ne3A_71, %ne3A_67 : i1
      %add3A_73 = arith.addi %rem3A_65, %select_n3A_64 : i32
      %select_n3A_74 = arith.select %and3A_72, %add3A_73, %rem3A_65 : i32
      %mul3A_75 = arith.constant 2048 : i32
      %mul3A_76 = arith.muli %select_n3A_74, %mul3A_75 : i32
      %add3A_77 = arith.addi %mul3A_60, %mul3A_76 : i32
      %dma_start3A = tpu.memref_slice %arg2[%add3A_77] : memref<18874368xf32, #tpu.memory_space<hbm>> -> memref<2048xf32, #tpu.memory_space<hbm>>
      %dma_start3A_78 = tpu.memref_slice %arg2[%add3A_77] : memref<18874368xf32, #tpu.memory_space<hbm>> -> memref<2048xf32, #tpu.memory_space<hbm>>
      tpu.enqueue_dma source(%dma_start3A_78 : memref<2048xf32, #tpu.memory_space<hbm>>) target(%arg4 : memref<2048xf32, #tpu.memory_space<vmem>>) target_semaphore(%arg8 : memref<!tpu.dma_semaphore, #tpu.memory_space<semaphore_mem>>)
      %add3A_79 = arith.constant 1048576 : i32
      %add3A_80 = arith.addi %add3A_77, %add3A_79 : i32
      %dma_start3A_81 = tpu.memref_slice %arg2[%add3A_80] : memref<18874368xf32, #tpu.memory_space<hbm>> -> memref<2048xf32, #tpu.memory_space<hbm>>
      %dma_start3A_82 = tpu.memref_slice %arg2[%add3A_80] : memref<18874368xf32, #tpu.memory_space<hbm>> -> memref<2048xf32, #tpu.memory_space<hbm>>
      tpu.enqueue_dma source(%dma_start3A_82 : memref<2048xf32, #tpu.memory_space<hbm>>) target(%arg5 : memref<2048xf32, #tpu.memory_space<vmem>>) target_semaphore(%arg8 : memref<!tpu.dma_semaphore, #tpu.memory_space<semaphore_mem>>)
      %add3A_83 = arith.constant 2097152 : i32
      %add3A_84 = arith.addi %add3A_77, %add3A_83 : i32
      %dma_start3A_85 = tpu.memref_slice %arg2[%add3A_84] : memref<18874368xf32, #tpu.memory_space<hbm>> -> memref<2048xf32, #tpu.memory_space<hbm>>
      %dma_start3A_86 = tpu.memref_slice %arg2[%add3A_84] : memref<18874368xf32, #tpu.memory_space<hbm>> -> memref<2048xf32, #tpu.memory_space<hbm>>
      tpu.enqueue_dma source(%dma_start3A_86 : memref<2048xf32, #tpu.memory_space<hbm>>) target(%arg6 : memref<2048xf32, #tpu.memory_space<vmem>>) target_semaphore(%arg8 : memref<!tpu.dma_semaphore, #tpu.memory_space<semaphore_mem>>)
      %dma_wait3A = tpu.memref_slice %arg2[%add3A_77] : memref<18874368xf32, #tpu.memory_space<hbm>> -> memref<2048xf32, #tpu.memory_space<hbm>>
      %dma_wait3A_87 = tpu.memref_slice %arg2[%add3A_77] : memref<18874368xf32, #tpu.memory_space<hbm>> -> memref<2048xf32, #tpu.memory_space<hbm>>
      tpu.wait_dma2 semaphore(%arg8 : memref<!tpu.dma_semaphore, #tpu.memory_space<semaphore_mem>>) src(%dma_wait3A_87 : memref<2048xf32, #tpu.memory_space<hbm>>) dst(%arg4 : memref<2048xf32, #tpu.memory_space<vmem>>)
      %dma_wait3A_88 = tpu.memref_slice %arg2[%add3A_80] : memref<18874368xf32, #tpu.memory_space<hbm>> -> memref<2048xf32, #tpu.memory_space<hbm>>
      %dma_wait3A_89 = tpu.memref_slice %arg2[%add3A_80] : memref<18874368xf32, #tpu.memory_space<hbm>> -> memref<2048xf32, #tpu.memory_space<hbm>>
      tpu.wait_dma2 semaphore(%arg8 : memref<!tpu.dma_semaphore, #tpu.memory_space<semaphore_mem>>) src(%dma_wait3A_89 : memref<2048xf32, #tpu.memory_space<hbm>>) dst(%arg5 : memref<2048xf32, #tpu.memory_space<vmem>>)
      %dma_wait3A_90 = tpu.memref_slice %arg2[%add3A_84] : memref<18874368xf32, #tpu.memory_space<hbm>> -> memref<2048xf32, #tpu.memory_space<hbm>>
      %dma_wait3A_91 = tpu.memref_slice %arg2[%add3A_84] : memref<18874368xf32, #tpu.memory_space<hbm>> -> memref<2048xf32, #tpu.memory_space<hbm>>
      tpu.wait_dma2 semaphore(%arg8 : memref<!tpu.dma_semaphore, #tpu.memory_space<semaphore_mem>>) src(%dma_wait3A_91 : memref<2048xf32, #tpu.memory_space<hbm>>) dst(%arg6 : memref<2048xf32, #tpu.memory_space<vmem>>)
      %parallel_loop3A = arith.constant 0 : i32
      %parallel_loop3A_92 = arith.constant 128 : i32
      %parallel_loop3A_93 = arith.constant 1 : i32
      scf.for %parallel_loop3A_96 = %parallel_loop3A to %parallel_loop3A_92 step %parallel_loop3A_93  : i32 {
        %parallel_loop3A_97 = arith.constant 16 : i32
        %parallel_loop3A_98 = arith.muli %parallel_loop3A_96, %parallel_loop3A_97 : i32
        %parallel_loop3A_99 = arith.constant 16 : i32
        %parallel_loop3A_100 = arith.muli %parallel_loop3A_96, %parallel_loop3A_99 : i32
        %parallel_loop3A_101 = vector.broadcast %parallel_loop3A_100 : i32 to vector<16xi32>
        %parallel_loop3A_102 = arith.addi %iota3A, %parallel_loop3A_101 : vector<16xi32>
        %parallel_loop3A_103 = arith.constant 4 : i32
        %parallel_loop3A_104 = vector.broadcast %parallel_loop3A_103 : i32 to vector<16xi32>
        %parallel_loop3A_105 = arith.muli %parallel_loop3A_102, %parallel_loop3A_104 : vector<16xi32>
        %parallel_loop3A_106 = arith.index_cast %parallel_loop3A_98 : i32 to index
        %parallel_loop3A_107 = tpu.vector_load %arg4[%parallel_loop3A_106] {strides = array<i32>} : memref<2048xf32, #tpu.memory_space<vmem>>, vector<16xf32>,
        tpu.vector_store_idx %arg7[%parallel_loop3A_105], %parallel_loop3A_107 : memref<8192xf32, #tpu.memory_space<vmem>>[vector<16xi32>], vector<16xf32>,
        %parallel_loop3A_108 = arith.constant 1 : i32
        %parallel_loop3A_109 = vector.broadcast %parallel_loop3A_108 : i32 to vector<16xi32>
        %parallel_loop3A_110 = arith.addi %parallel_loop3A_105, %parallel_loop3A_109 : vector<16xi32>
        %parallel_loop3A_111 = arith.index_cast %parallel_loop3A_98 : i32 to index
        %parallel_loop3A_112 = tpu.vector_load %arg5[%parallel_loop3A_111] {strides = array<i32>} : memref<2048xf32, #tpu.memory_space<vmem>>, vector<16xf32>,
        tpu.vector_store_idx %arg7[%parallel_loop3A_110], %parallel_loop3A_112 : memref<8192xf32, #tpu.memory_space<vmem>>[vector<16xi32>], vector<16xf32>,
        %parallel_loop3A_113 = arith.constant 2 : i32
        %parallel_loop3A_114 = vector.broadcast %parallel_loop3A_113 : i32 to vector<16xi32>
        %parallel_loop3A_115 = arith.addi %parallel_loop3A_105, %parallel_loop3A_114 : vector<16xi32>
        %parallel_loop3A_116 = arith.index_cast %parallel_loop3A_98 : i32 to index
        %parallel_loop3A_117 = tpu.vector_load %arg6[%parallel_loop3A_116] {strides = array<i32>} : memref<2048xf32, #tpu.memory_space<vmem>>, vector<16xf32>,
        tpu.vector_store_idx %arg7[%parallel_loop3A_115], %parallel_loop3A_117 : memref<8192xf32, #tpu.memory_space<vmem>>[vector<16xi32>], vector<16xf32>,
      } {sc.loop_unroll_factor = 4 : i64, sc.parallel_access}
      %mul3A_94 = arith.constant 8192 : i32
      %mul3A_95 = arith.muli %add3A_34, %mul3A_94 : i32
      "tpu.region"() ({
        %run_scoped3A = tpu.sem_alloc : memref<!tpu.dma_semaphore, #tpu.memory_space<semaphore_mem>>
        %dma_start3A_96 = tpu.memref_slice %arg3[%mul3A_95] : memref<25165824xf32, #tpu.memory_space<hbm>> -> memref<8192xf32, #tpu.memory_space<hbm>>
        %dma_start3A_97 = tpu.memref_slice %arg3[%mul3A_95] : memref<25165824xf32, #tpu.memory_space<hbm>> -> memref<8192xf32, #tpu.memory_space<hbm>>
        tpu.enqueue_dma source(%arg7 : memref<8192xf32, #tpu.memory_space<vmem>>) target(%dma_start3A_97 : memref<8192xf32, #tpu.memory_space<hbm>>) target_semaphore(%run_scoped3A : memref<!tpu.dma_semaphore, #tpu.memory_space<semaphore_mem>>)
        %dma_wait3A_98 = tpu.memref_slice %arg3[%mul3A_95] : memref<25165824xf32, #tpu.memory_space<hbm>> -> memref<8192xf32, #tpu.memory_space<hbm>>
        %dma_wait3A_99 = tpu.memref_slice %arg3[%mul3A_95] : memref<25165824xf32, #tpu.memory_space<hbm>> -> memref<8192xf32, #tpu.memory_space<hbm>>
        tpu.wait_dma2 semaphore(%run_scoped3A : memref<!tpu.dma_semaphore, #tpu.memory_space<semaphore_mem>>) src(%arg7 : memref<8192xf32, #tpu.memory_space<vmem>>) dst(%dma_wait3A_99 : memref<8192xf32, #tpu.memory_space<hbm>>)
        tpu.yield
      }) : () -> ()
    }
    %while3A_30 = arith.constant 1 : i32
    scf.for %while3A_31 = %while3A_28 to %while3A_24 step %while3A_30  : i32 {
      %mul3A_32 = arith.constant 32 : i32
      %mul3A_33 = arith.muli %while3A_31, %mul3A_32 : i32
      %add3A_34 = arith.addi %add3A, %mul3A_33 : i32
      %jit3A_35 = arith.constant 512 : i32
      %div3A_36 = arith.divsi %add3A_34, %jit3A_35 : i32
      %sign3A_37 = arith.constant 0 : i32
      %sign3A_38 = arith.cmpi sgt, %add3A_34, %sign3A_37 : i32
      %sign3A_39 = arith.extui %sign3A_38 : i1 to i32
      %sign3A_40 = arith.constant 0 : i32
      %sign3A_41 = arith.cmpi slt, %add3A_34, %sign3A_40 : i32
      %sign3A_42 = arith.extui %sign3A_41 : i1 to i32
      %sign3A_43 = arith.subi %sign3A_39, %sign3A_42 : i32
      %sign3A_44 = arith.constant 0 : i32
      %sign3A_45 = arith.cmpi sgt, %jit3A_35, %sign3A_44 : i32
      %sign3A_46 = arith.extui %sign3A_45 : i1 to i32
      %sign3A_47 = arith.constant 0 : i32
      %sign3A_48 = arith.cmpi slt, %jit3A_35, %sign3A_47 : i32
      %sign3A_49 = arith.extui %sign3A_48 : i1 to i32
      %sign3A_50 = arith.subi %sign3A_46, %sign3A_49 : i32
      %ne3A_51 = arith.cmpi ne, %sign3A_43, %sign3A_50 : i32
      %rem3A_52 = arith.remsi %add3A_34, %jit3A_35 : i32
      %ne3A_53 = arith.constant 0 : i32
      %ne3A_54 = arith.cmpi ne, %rem3A_52, %ne3A_53 : i32
      %and3A_55 = arith.andi %ne3A_51, %ne3A_54 : i1
      %sub3A_56 = arith.constant 1 : i32
      %sub3A_57 = arith.subi %div3A_36, %sub3A_56 : i32
      %select_n3A_58 = arith.select %and3A_55, %sub3A_57, %div3A_36 : i32
      %mul3A_59 = arith.constant 3145728 : i32
      %mul3A_60 = arith.muli %select_n3A_58, %mul3A_59 : i32
      %jit3A_61 = arith.constant 512 : i32
      %eq3A = arith.constant 0 : i32
      %eq3A_62 = arith.cmpi eq, %jit3A_61, %eq3A : i32
      %jit3A_63 = arith.constant 1 : i32
      %select_n3A_64 = arith.select %eq3A_62, %jit3A_63, %jit3A_61 : i32
      %rem3A_65 = arith.remsi %add3A_34, %select_n3A_64 : i32
      %ne3A_66 = arith.constant 0 : i32
      %ne3A_67 = arith.cmpi ne, %rem3A_65, %ne3A_66 : i32
      %lt3A = arith.constant 0 : i32
      %lt3A_68 = arith.cmpi slt, %rem3A_65, %lt3A : i32
      %lt3A_69 = arith.constant 0 : i32
      %lt3A_70 = arith.cmpi slt, %select_n3A_64, %lt3A_69 : i32
      %ne3A_71 = arith.xori %lt3A_68, %lt3A_70 : i1
      %and3A_72 = arith.andi %ne3A_71, %ne3A_67 : i1
      %add3A_73 = arith.addi %rem3A_65, %select_n3A_64 : i32
      %select_n3A_74 = arith.select %and3A_72, %add3A_73, %rem3A_65 : i32
      %mul3A_75 = arith.constant 2048 : i32
      %mul3A_76 = arith.muli %select_n3A_74, %mul3A_75 : i32
      %add3A_77 = arith.addi %mul3A_60, %mul3A_76 : i32
      %dma_start3A = tpu.memref_slice %arg2[%add3A_77] : memref<18874368xf32, #tpu.memory_space<hbm>> -> memref<2048xf32, #tpu.memory_space<hbm>>
      %dma_start3A_78 = tpu.memref_slice %arg2[%add3A_77] : memref<18874368xf32, #tpu.memory_space<hbm>> -> memref<2048xf32, #tpu.memory_space<hbm>>
      tpu.enqueue_dma source(%dma_start3A_78 : memref<2048xf32, #tpu.memory_space<hbm>>) target(%arg4 : memref<2048xf32, #tpu.memory_space<vmem>>) target_semaphore(%arg8 : memref<!tpu.dma_semaphore, #tpu.memory_space<semaphore_mem>>)
      %add3A_79 = arith.constant 1048576 : i32
      %add3A_80 = arith.addi %add3A_77, %add3A_79 : i32
      %dma_start3A_81 = tpu.memref_slice %arg2[%add3A_80] : memref<18874368xf32, #tpu.memory_space<hbm>> -> memref<2048xf32, #tpu.memory_space<hbm>>
      %dma_start3A_82 = tpu.memref_slice %arg2[%add3A_80] : memref<18874368xf32, #tpu.memory_space<hbm>> -> memref<2048xf32, #tpu.memory_space<hbm>>
      tpu.enqueue_dma source(%dma_start3A_82 : memref<2048xf32, #tpu.memory_space<hbm>>) target(%arg5 : memref<2048xf32, #tpu.memory_space<vmem>>) target_semaphore(%arg8 : memref<!tpu.dma_semaphore, #tpu.memory_space<semaphore_mem>>)
      %add3A_83 = arith.constant 2097152 : i32
      %add3A_84 = arith.addi %add3A_77, %add3A_83 : i32
      %dma_start3A_85 = tpu.memref_slice %arg2[%add3A_84] : memref<18874368xf32, #tpu.memory_space<hbm>> -> memref<2048xf32, #tpu.memory_space<hbm>>
      %dma_start3A_86 = tpu.memref_slice %arg2[%add3A_84] : memref<18874368xf32, #tpu.memory_space<hbm>> -> memref<2048xf32, #tpu.memory_space<hbm>>
      tpu.enqueue_dma source(%dma_start3A_86 : memref<2048xf32, #tpu.memory_space<hbm>>) target(%arg6 : memref<2048xf32, #tpu.memory_space<vmem>>) target_semaphore(%arg8 : memref<!tpu.dma_semaphore, #tpu.memory_space<semaphore_mem>>)
      %dma_wait3A = tpu.memref_slice %arg2[%add3A_77] : memref<18874368xf32, #tpu.memory_space<hbm>> -> memref<2048xf32, #tpu.memory_space<hbm>>
      %dma_wait3A_87 = tpu.memref_slice %arg2[%add3A_77] : memref<18874368xf32, #tpu.memory_space<hbm>> -> memref<2048xf32, #tpu.memory_space<hbm>>
      tpu.wait_dma2 semaphore(%arg8 : memref<!tpu.dma_semaphore, #tpu.memory_space<semaphore_mem>>) src(%dma_wait3A_87 : memref<2048xf32, #tpu.memory_space<hbm>>) dst(%arg4 : memref<2048xf32, #tpu.memory_space<vmem>>)
      %dma_wait3A_88 = tpu.memref_slice %arg2[%add3A_80] : memref<18874368xf32, #tpu.memory_space<hbm>> -> memref<2048xf32, #tpu.memory_space<hbm>>
      %dma_wait3A_89 = tpu.memref_slice %arg2[%add3A_80] : memref<18874368xf32, #tpu.memory_space<hbm>> -> memref<2048xf32, #tpu.memory_space<hbm>>
      tpu.wait_dma2 semaphore(%arg8 : memref<!tpu.dma_semaphore, #tpu.memory_space<semaphore_mem>>) src(%dma_wait3A_89 : memref<2048xf32, #tpu.memory_space<hbm>>) dst(%arg5 : memref<2048xf32, #tpu.memory_space<vmem>>)
      %dma_wait3A_90 = tpu.memref_slice %arg2[%add3A_84] : memref<18874368xf32, #tpu.memory_space<hbm>> -> memref<2048xf32, #tpu.memory_space<hbm>>
      %dma_wait3A_91 = tpu.memref_slice %arg2[%add3A_84] : memref<18874368xf32, #tpu.memory_space<hbm>> -> memref<2048xf32, #tpu.memory_space<hbm>>
      tpu.wait_dma2 semaphore(%arg8 : memref<!tpu.dma_semaphore, #tpu.memory_space<semaphore_mem>>) src(%dma_wait3A_91 : memref<2048xf32, #tpu.memory_space<hbm>>) dst(%arg6 : memref<2048xf32, #tpu.memory_space<vmem>>)
      %parallel_loop3A = arith.constant 0 : i32
      %parallel_loop3A_92 = arith.constant 128 : i32
      %parallel_loop3A_93 = arith.constant 1 : i32
      scf.for %parallel_loop3A_96 = %parallel_loop3A to %parallel_loop3A_92 step %parallel_loop3A_93  : i32 {
        %parallel_loop3A_97 = arith.constant 16 : i32
        %parallel_loop3A_98 = arith.muli %parallel_loop3A_96, %parallel_loop3A_97 : i32
        %parallel_loop3A_99 = arith.constant 16 : i32
        %parallel_loop3A_100 = arith.muli %parallel_loop3A_96, %parallel_loop3A_99 : i32
        %parallel_loop3A_101 = vector.broadcast %parallel_loop3A_100 : i32 to vector<16xi32>
        %parallel_loop3A_102 = arith.addi %iota3A, %parallel_loop3A_101 : vector<16xi32>
        %parallel_loop3A_103 = arith.constant 4 : i32
        %parallel_loop3A_104 = vector.broadcast %parallel_loop3A_103 : i32 to vector<16xi32>
        %parallel_loop3A_105 = arith.muli %parallel_loop3A_102, %parallel_loop3A_104 : vector<16xi32>
        %parallel_loop3A_106 = arith.index_cast %parallel_loop3A_98 : i32 to index
        %parallel_loop3A_107 = tpu.vector_load %arg4[%parallel_loop3A_106] {strides = array<i32>} : memref<2048xf32, #tpu.memory_space<vmem>>, vector<16xf32>,
        tpu.vector_store_idx %arg7[%parallel_loop3A_105], %parallel_loop3A_107 : memref<8192xf32, #tpu.memory_space<vmem>>[vector<16xi32>], vector<16xf32>,
        %parallel_loop3A_108 = arith.constant 1 : i32
        %parallel_loop3A_109 = vector.broadcast %parallel_loop3A_108 : i32 to vector<16xi32>
        %parallel_loop3A_110 = arith.addi %parallel_loop3A_105, %parallel_loop3A_109 : vector<16xi32>
        %parallel_loop3A_111 = arith.index_cast %parallel_loop3A_98 : i32 to index
        %parallel_loop3A_112 = tpu.vector_load %arg5[%parallel_loop3A_111] {strides = array<i32>} : memref<2048xf32, #tpu.memory_space<vmem>>, vector<16xf32>,
        tpu.vector_store_idx %arg7[%parallel_loop3A_110], %parallel_loop3A_112 : memref<8192xf32, #tpu.memory_space<vmem>>[vector<16xi32>], vector<16xf32>,
        %parallel_loop3A_113 = arith.constant 2 : i32
        %parallel_loop3A_114 = vector.broadcast %parallel_loop3A_113 : i32 to vector<16xi32>
        %parallel_loop3A_115 = arith.addi %parallel_loop3A_105, %parallel_loop3A_114 : vector<16xi32>
        %parallel_loop3A_116 = arith.index_cast %parallel_loop3A_98 : i32 to index
        %parallel_loop3A_117 = tpu.vector_load %arg6[%parallel_loop3A_116] {strides = array<i32>} : memref<2048xf32, #tpu.memory_space<vmem>>, vector<16xf32>,
        tpu.vector_store_idx %arg7[%parallel_loop3A_115], %parallel_loop3A_117 : memref<8192xf32, #tpu.memory_space<vmem>>[vector<16xi32>], vector<16xf32>,
      } {sc.loop_unroll_factor = 4 : i64, sc.parallel_access}
      %mul3A_94 = arith.constant 8192 : i32
      %mul3A_95 = arith.muli %add3A_34, %mul3A_94 : i32
      "tpu.region"() ({
        %run_scoped3A = tpu.sem_alloc : memref<!tpu.dma_semaphore, #tpu.memory_space<semaphore_mem>>
        %dma_start3A_96 = tpu.memref_slice %arg3[%mul3A_95] : memref<25165824xf32, #tpu.memory_space<hbm>> -> memref<8192xf32, #tpu.memory_space<hbm>>
        %dma_start3A_97 = tpu.memref_slice %arg3[%mul3A_95] : memref<25165824xf32, #tpu.memory_space<hbm>> -> memref<8192xf32, #tpu.memory_space<hbm>>
        tpu.enqueue_dma source(%arg7 : memref<8192xf32, #tpu.memory_space<vmem>>) target(%dma_start3A_97 : memref<8192xf32, #tpu.memory_space<hbm>>) target_semaphore(%run_scoped3A : memref<!tpu.dma_semaphore, #tpu.memory_space<semaphore_mem>>)
        %dma_wait3A_98 = tpu.memref_slice %arg3[%mul3A_95] : memref<25165824xf32, #tpu.memory_space<hbm>> -> memref<8192xf32, #tpu.memory_space<hbm>>
        %dma_wait3A_99 = tpu.memref_slice %arg3[%mul3A_95] : memref<25165824xf32, #tpu.memory_space<hbm>> -> memref<8192xf32, #tpu.memory_space<hbm>>
        tpu.wait_dma2 semaphore(%run_scoped3A : memref<!tpu.dma_semaphore, #tpu.memory_space<semaphore_mem>>) src(%arg7 : memref<8192xf32, #tpu.memory_space<vmem>>) dst(%dma_wait3A_99 : memref<8192xf32, #tpu.memory_space<hbm>>)
        tpu.yield
      }) : () -> ()
    }
    return
  }
}

</mosaic_0001>

<sc_bundles>
// kernel: _run.4.cloned.1.call-start
scs
__scs_entry_jumppad:
0x0: {  	(pc) =	sbr.rel $0x88, $3  }
0x1: {  	(tag) =	ssettag $0x0;
	lr =	simm.s32 $0x1  }
0x2: {  	[smem:$0x3F9E] =	sst lr;
	_ =	strace $0xD0000000  }
0x3: {  	_ = 	snop  }
0x4: {  	_ = 	snop  }
0x5: {  	_ = 	snop  }
0x6: {  	_ = 	snop  }
0x7: {  	_ = 	snop  }
__scs_overlays_trampoline_lowered:
0x8: {  	[smem:$0x3FAD] =	sst s0  }
0x9: {  	[smem:$0x3FAE] =	sst s1  }
0xa: {  	[smem:$0x3FAF] =	sst s2  }
0xb: {  	[smem:$0x3FB0] =	sst s3  }
0xc: {  	[smem:$0x3FB1] =	sst s4  }
0xd: {  	[smem:$0x3FB2] =	sst s5  }
0xe: {  	[smem:$0x3FB3] =	sst s6  }
0xf: {  	[smem:$0x3FB4] =	sst s7  }
0x10: {  	[smem:$0x3FB5] =	sst s8  }
0x11: {  	[smem:$0x3FB6] =	sst s9;
	s0 =	simm.s32 @!p0 $0x0  }
0x12: {  	s1 =	sld [smem:$0x3F9C];
	s0 =	simm.s32 @p0 $0x1  }
0x13: {  	[smem:$0x3FB7] =	sst s0;
	s0 =	simm.s32 @!p1 $0x0  }
0x14: {  	s2 =	sld [smem:$0x3F9B];
	s0 =	simm.s32 @p1 $0x1  }
0x15: {  	[smem:$0x3FB8] =	sst s0;
	s0 =	simm.s32 @!p2 $0x0  }
0x16: {  	s3 =	sld [smem:$0x3FDB];
	s0 =	simm.s32 @p2 $0x1  }
0x17: {  	s4 =	simm.s32 $0x1BF5;
	[smem:$0x3FBA] =	sst s0  }
0x18: {  	s0 =	sld [smem:$0x3F9D];
	_ =	swait.ge [sflag:s4], $0x0  }
0x19: {  	s7 =	sld [smem:$0x3F9E]  }
0x1a: {  	s8 =	sadd.s32 $0xFFFFE003, lr  }
0x1b: {  	s9 =	sadd.s32 $0xFFFFFEF7, lr;
	s5 =	simm.s32 $0xFFFFFFFF;
	p2 =	slt.u32 s8, $0xFFFFF086  }
0x1c: {  	p1 =	slt.u32 s9, $0xF7A;
	s5 =	simm.s32 @!p2 $0x0  }
0x1d: {  	s5 =	simm.s32 @p1 $0x1;
	p0 =	seq.s32 s7, s2  }
0x1e: {  	s7 =	smul.u32 @!p0 $0xF7A, s2;
	p2 =	seq.s32 @!p0 s5, $0x0  }
0x1f: {  	s9 =	smul.u32 $0xF7A, s1;
	s8 =	simm.s32 @!p0 $0x1BF5;
	p2 =	por !p2, p0  }
0x20: {  	[sflag:s8] =	ssyncset.s32 @!p0 $0xFFFFF086;
	s6 =	sadd.s32 @!p0 s3, s7;
	s7 =	simm.s32 @!p0 $0x108  }
0x21: {  	s3 =	sadd.s32 s3, s9;
	s6 =	sadd.s32 @!p0 $0x88, s6;
	s7 =	simm.s32 @p2 $0x1082  }
0x22: {  	[simem:s7], [sflag:s8] =	dma.local @!p0 [hbm:s6], $0xF7A  }
0x23: {  	s9 =	sor.u32 $0xD0000000, s2;
	s6 =	simm.s32 $0x108;
	_ =	swait.ge @!p0 [sflag:s8], $0x0  }
0x24: {  	s3 =	sadd.s32 $0x88, s3;
	s6 =	simm.s32 @!p1 $0x1082;
	[sflag:s4] =	ssyncset.s32 $0xFFFFF086  }
0x25: {  	[simem:s6], [sflag:s4] =	dma.local [hbm:s3], $0xF7A  }
0x26: {  	[smem:$0x3F9E] =	sst s1;
	(tag) =	ssettag s2;
	_ =	strace s9  }
0x27: {  	s1 =	sld [smem:$0x3FAE]  }
0x28: {  	s2 =	sld [smem:$0x3FAF]  }
0x29: {  	s4 =	sld [smem:$0x3FB1]  }
0x2a: {  	p0 =	seq.s32 s5, $0x0;
	s5 =	sld [smem:$0x3FB2]  }
0x2b: {  	s6 =	sld [smem:$0x3FB3]  }
0x2c: {  	s7 =	sld [smem:$0x3FB4]  }
0x2d: {  	s3 =	simm.s32 $0x108;
	s8 =	sld [smem:$0x3FB5]  }
0x2e: {  	s3 =	simm.s32 @!p0 $0x1082;
	s9 =	sld [smem:$0x3FB6]  }
0x2f: {  	lr =	sadd.s32 s0, s3;
	s0 =	sld [smem:$0x3FAD]  }
0x30: {  	s3 =	sld [smem:$0x3FB0]  }
0x31: {  	[smem:$0x3FB9] =	sst s10  }
0x32: {  	s10 =	sld [smem:$0x3FB7];
	_ =	sdelay $0x3  }
0x33: {  	p0 =	seq.s32 s10, $0x1;
	s10 =	sld [smem:$0x3FB9];
	_ =	sdelay $0x3  }
0x34: {  	[smem:$0x3FB9] =	sst s10  }
0x35: {  	s10 =	sld [smem:$0x3FB8];
	_ =	sdelay $0x3  }
0x36: {  	p1 =	seq.s32 s10, $0x1;
	s10 =	sld [smem:$0x3FB9];
	_ =	sdelay $0x3  }
0x37: {  	[smem:$0x3FB9] =	sst s10  }
0x38: {  	s10 =	sld [smem:$0x3FBA]  }
0x39: {  	_ = 	snop;
	(pc) =	sbr.ind lr, $3  }
0x3a: {  	_ = 	snop  }
0x3b: {  	_ = 	snop  }
0x3c: {  	p2 =	seq.s32 s10, $0x1;
	s10 =	sld [smem:$0x3FB9]  }
0x3d: {  	_ =	shalt  }
0x3e: {  	_ =	shalt  }
0x3f: {  	_ =	shalt  }
0x40: {  	_ =	shalt  }
0x41: {  	_ =	shalt  }
0x42: {  	_ =	shalt  }
0x43: {  	_ =	shalt  }
0x44: {  	_ =	shalt  }
0x45: {  	_ =	shalt  }
0x46: {  	_ =	shalt  }
0x47: {  	_ =	shalt  }
0x48: {  	_ =	shalt  }
0x49: {  	_ =	shalt  }
0x4a: {  	_ =	shalt  }
0x4b: {  	_ =	shalt  }
0x4c: {  	_ =	shalt  }
0x4d: {  	_ =	shalt  }
0x4e: {  	_ =	shalt  }
0x4f: {  	_ =	shalt  }
0x50: {  	_ =	shalt  }
0x51: {  	_ =	shalt  }
0x52: {  	_ =	shalt  }
0x53: {  	_ =	shalt  }
0x54: {  	_ =	shalt  }
0x55: {  	_ =	shalt  }
0x56: {  	_ =	shalt  }
0x57: {  	_ =	shalt  }
0x58: {  	_ =	shalt  }
0x59: {  	_ =	shalt  }
0x5a: {  	_ =	shalt  }
0x5b: {  	_ =	shalt  }
0x5c: {  	_ =	shalt  }
0x5d: {  	_ =	shalt  }
0x5e: {  	_ =	shalt  }
0x5f: {  	_ =	shalt  }
0x60: {  	_ =	shalt  }
0x61: {  	_ =	shalt  }
0x62: {  	_ =	shalt  }
0x63: {  	_ =	shalt  }
0x64: {  	_ =	shalt  }
0x65: {  	_ =	shalt  }
0x66: {  	_ =	shalt  }
0x67: {  	_ =	shalt  }
0x68: {  	_ =	shalt  }
0x69: {  	_ =	shalt  }
0x6a: {  	_ =	shalt  }
0x6b: {  	_ =	shalt  }
0x6c: {  	_ =	shalt  }
0x6d: {  	_ =	shalt  }
0x6e: {  	_ =	shalt  }
0x6f: {  	_ =	shalt  }
0x70: {  	_ =	shalt  }
0x71: {  	_ =	shalt  }
0x72: {  	_ =	shalt  }
0x73: {  	_ =	shalt  }
0x74: {  	_ =	shalt  }
0x75: {  	_ =	shalt  }
0x76: {  	_ =	shalt  }
0x77: {  	_ =	shalt  }
0x78: {  	_ =	shalt  }
0x79: {  	_ =	shalt  }
0x7a: {  	_ =	shalt  }
0x7b: {  	_ =	shalt  }
0x7c: {  	_ =	shalt  }
0x7d: {  	_ =	shalt  }
0x7e: {  	_ =	shalt  }
0x7f: {  	_ =	shalt  }
0x80: {  	_ =	shalt  }
0x81: {  	_ =	shalt  }
0x82: {  	_ =	shalt  }
0x83: {  	_ =	shalt  }
0x84: {  	_ =	shalt  }
0x85: {  	_ =	shalt  }
0x86: {  	_ =	shalt  }
0x87: {  	_ =	shalt  }
.Lfunc_end0:
.L_simem_size_0:
called_computation_lowered:
.L_overlay_start_0:
0x88: {  	s2 =	sld [smem:$0x3FD9]  }
0x89: {  	s3 =	sld [smem:$0x3FFE];
	_ =	sdelay $0x1  }
0x8a: {  	s1 =	srdreg.scid  }
0x8b: {  	s0 =	sand.u32 $0x1, s1  }
0x8c: {  	s17 =	sshll.u32 s0, $0xA;
	s2 =	sadd.s32 s3, s2  }
0x8d: {  	s2 =	sadd.s32 s2, s17  }
0x8e: {  	[smem:$0x3FC5] =	sst s2  }
0x8f: {  	_ = 	snop  }
0x90: {  	s2 =	sld [smem:$0x3FC9];
	(tm) =	ssettm $0x1  }
0x91: {  	s18 =	sld [smem:$0x3FFB];
	_ =	sdelay $0x3  }
0x92: {  	_ =	strace s18  }
0x93: {  	s3 =	sld [smem:$0x3FFC];
	_ =	sdelay $0x3  }
0x94: {  	_ =	strace s3  }
0x95: {  	s3 =	sld [smem:$0x3FFD];
	_ =	sdelay $0x3  }
0x96: {  	_ =	strace s3  }
0x97: {  	_ =	strace $0x8FFFFFFF  }
0x98: {  	s19 =	sld [smem:$0x3FDB];
	_ =	sdelay $0x1  }
0x99: {  	s4 =	simm.s32 $_scs_section_size  }
0x9a: {  	s5 =	simm.s32 $_size__tile_overlayer_lowered;
	s6 =	simm.s32 $_tile_overlayer_lowered  }
0x9b: {  	s22 =	simm.s32 $0x1BFF;
	s21 =	sshll.u32 s6, $0x1;
	s3 =	sadd.s32 s4, s19  }
0x9c: {  	s7 =	simm.s32 $0x0;
	s20 =	sshll.u32 s5, $0x1;
	s5 =	sadd.s32 s21, s3  }
0x9d: {  	[timem:s7], [sflag:s22] =	dma.local [hbm:s5], s20  }
0x9e: {  	_ =	swait.ge [sflag:s22], s20  }
0x9f: {  	s4 =	ssub.s32 $0x0, s20;
	[sflag:s22] =	ssyncset.done $0x0  }
0xa0: {  	[sflag:s22] =	ssyncadd.s32 s4;
	_ =	sdelay $0x1  }
0xa1: {  	s23 =	simm.s32 $0x1B8B  }
0xa2: {  	_ =	swait.ge [sflag:s23], $0x1  }
0xa3: {  	[sflag:s23] =	ssyncset.done $0x0  }
0xa4: {  	s25 =	simm.s32 $0x1B8E;
	s24 =	sld [smem:$0x3FFE];
	[sflag:s23] =	ssyncadd.s32 $0xFFFFFFFF  }
0xa5: {  	s26 =	simm.s32 $execute0_lowered;
	[smem:$0x3FD2] =	sst s25  }
0xa6: {  	s5 =	sshll.u32 s26, $0x1;
	_ =	strace $0x80000046;
	[dreg:$0x1] =	wrdreg $0xFFFFFFFF  }
0xa7: {  	s28 =	simm.s32 $_size_execute0_lowered;
	s3 =	sadd.s32 s3, s5;
	[dreg:$0x0] =	wrdreg $0x0  }
0xa8: {  	s5 =	sshll.u32 s28, $0x1;
	[dreg:$0x2] =	wrdreg s3  }
0xa9: {  	[dreg:$0x3] =	wrdreg s5  }
0xaa: {  	[dreg:$0x4] =	wrdreg $0xC0  }
0xab: {  	_ =	task [dreg:s7], $0x5FFFF  }
0xac: {  	[dreg:$0x1] =	wrdreg $0xFFFFFFFF  }
0xad: {  	[dreg:$0x0] =	wrdreg $0x60  }
0xae: {  	[dreg:$0x2] =	wrdreg s2  }
0xaf: {  	[dreg:$0x3] =	wrdreg s24  }
0xb0: {  	[dreg:$0x4] =	wrdreg $0x9  }
0xb1: {  	_ =	task.clear_ibuf [dreg:s7], $0x5FFFF;
	_ =	strace $0x90000046  }
0xb2: {  	s29 =	simm.s32 $0x9;
	_ =	strace $0x80000048  }
0xb3: {  	_ =	swait.ge [sflag:s29], $0x1  }
0xb4: {  	[sflag:s29] =	ssyncadd.s32 $0xFFFFFFFF  }
0xb5: {  	_ =	strace $0x90000048  }
0xb6: {  	_ =	sfence  }
0xb7: {  	s30 =	sld [smem:$0x0];
	_ =	sdelay $0x2  }
0xb8: {  	s31 =	sshll.u32 s1, $0xD;
	s1 =	sshrl.u32 s1, $0x2  }
0xb9: {  	s3 =	sand.u32 $0x4000, s31;
	s1 =	sadd.s32 s1, s30  }
0xba: {  	s0 =	sor.u32 s3, s0;
	s1 =	sshll.u32 s1, $0x11  }
0xbb: {  	s0 =	sor.u32 s1, s0  }
0xbc: {  	s0 =	sadd.s32 $0x8F2B, s0  }
0xbd: {  	[sflag:s0] =	ssyncadd.remote.s32 $0x1  }
0xbe: {  	_ =	sfence.sel $0xFFFF  }
0xbf: {  	[dreg:$0x0] =	wrdreg $0xFFFFFFFF;
	(pc) =	sbr.abs _section_cstart, $3  }
0xc0: {  	[dreg:$0x1] =	wrdreg $0xFFFFFFFF  }
0xc1: {  	_ =	task.clear_ibuf [dreg:s7], $0x2FFFF;
	_ =	strace $0x9FFFFFFF  }
0xc2: {  	(tm) =	ssettm $0x7FFFFFFF  }
0xc3: {  	_ =	shalt  }
tec
execute0_lowered:
.L_overlay_start_1:
0x0: {  	(tag) =	ssettag $0x1  }
0x1: {  	s1 =	rddreg [dreg:$0x0]  }
0x2: {  	s0 =	srdreg.scid;
	s5 =	rddreg [dreg:$0x1]  }
0x3: {  	s3 =	simm.s32 $0x0;
	s4 =	stileid.u32;
	s8 =	simm.s32 $0x800  }
0x4: {  	s9 =	simm.s32 $0x1000;
	s10 =	simm.s32 $0x1;
	s2 =	sand.u32 $0x1, s0  }
0x5: {  	s11 =	simm.s32 $0x1800;
	s12 =	simm.s32 $0x2;
	s6 =	ssub.s32 $0x2, s2  }
0x6: {  	s13 =	simm.s32 $0x0;
	s0 =	rddreg [dreg:$0x2];
	s7 =	sshrl.u32 s6, $0x1  }
0x7: {  	v0 =	vlaneseq.u32;
	[smem:$0x7FF] =	sst s3;
	s5 =	sadd.s32 $0x800, s5;
	s7 =	ssub.s32 s6, s7  }
0x8: {  	v0 =	vmul.u32 $0x4, v0;
	_ =	strace $0x80000047;
	s6 =	sshll.u32 s4, $0x1;
	s7 =	smax.u32 s7, $0x1  }
.LBB2_1:
0x9: {  	s14 =	simm.s32 $0x0  }
.LBB2_2:
0xa: {  	s15 =	sshll.u32 s14, $0x5  }
0xb: {  	s15 =	sor.u32 s15, s6  }
0xc: {  	s16 =	sshrl.u32 s14, $0x4;
	s15 =	sor.u32 s2, s15  }
0xd: {  	s16 =	smul.u32 $0x300000, s16;
	s17 =	sshll.u32 s15, $0xB  }
0xe: {  	s17 =	sand.u32 $0xFF800, s17  }
0xf: {  	s16 =	sor.u32 s16, s17  }
0x10: {  	s16 =	sshrl.u32 s16, $0x3  }
0x11: {  	s20 =	simm.s32 $0x0;
	s16 =	sadd.s32 s1, s16  }
0x12: {  	[tilespmem:s20], [sflag:$0x1] =	stream.linear.gather [hbm4b:s16+s20], $0x800, $0x38;
	[tilespmem:$0x3800] =	vst v63  }
0x13: {  	s18 =	sadd.s32 $0x20000, s16  }
0x14: {  	[tilespmem:s8], [sflag:$0x1] =	stream.linear.gather [hbm4b:s18+s20], $0x800, $0x38;
	[tilespmem:$0x3800] =	vst v63  }
0x15: {  	s16 =	sadd.s32 $0x40000, s16  }
0x16: {  	[tilespmem:s9], [sflag:$0x1] =	stream.linear.gather [hbm4b:s16+s20], $0x800, $0x38;
	[tilespmem:$0x3800] =	vst v63  }
0x17: {  	_ =	swait.ge [sflag:s10], $0x800  }
0x18: {  	[sflag:s10] =	ssyncset.done $0x0  }
0x19: {  	[sflag:s10] =	ssyncadd.s32 $0xFFFFF800  }
0x1a: {  	_ =	swait.ge [sflag:s10], $0x800  }
0x1b: {  	[sflag:s10] =	ssyncset.done $0x0  }
0x1c: {  	[sflag:s10] =	ssyncadd.s32 $0xFFFFF800  }
0x1d: {  	s21 =	simm.s32 $0x10;
	_ =	swait.ge [sflag:s10], $0x800  }
0x1e: {  	v1 =	vmov s21;
	[sflag:s10] =	ssyncset.done $0x0  }
0x1f: {  	s22 =	simm.s32 $0x20;
	s23 =	simm.s32 $0x20;
	v2 =	vmov s20;
	v1 =	vshll.u32 v1, $0x2;
	[sflag:s10] =	ssyncadd.s32 $0xFFFFF800  }
0x20: {  	s24 =	simm.s32 $0x30;
	v3 =	vmov s23;
	v2 =	vshll.u32 v2, $0x2;
	v8 =	vor.u32 v0, v1;
	v1 =	vld [tilespmem:s22+$0xFFFFFFF0]  }
0x21: {  	v4 =	vmov s24;
	v10 =	vor.u32 v0, v2;
	v2 =	vshll.u32 v3, $0x2;
	v3 =	vld [tilespmem:s22+$0xFFFFFFE0]  }
0x22: {  	v4 =	vshll.u32 v4, $0x2;
	v12 =	vor.u32 v0, v2;
	v2 =	vld [tilespmem:s22+$0x0]  }
0x23: {  	v19 =	vor.u32 v0, v4;
	v5 =	vld [tilespmem:s22+$0x10];
	_ =	sdelay $0x1  }
0x24: {  	s25 =	simm.s32 $0x820;
	[tilespmem:v8+s11+$0x0] =	vst.idx.msk $0xffff, v1  }
0x25: {  	v7 =	vor.u32 $0x1, v8;
	[tilespmem:v10+s11+$0x0] =	vst.idx.msk $0xffff, v3;
	v4 =	vld [tilespmem:s25+$0xFFFFFFF0]  }
0x26: {  	s28 =	simm.s32 $0x50;
	v9 =	vor.u32 $0x1, v10;
	[tilespmem:v12+s11+$0x0] =	vst.idx.msk $0xffff, v2;
	v6 =	vld [tilespmem:s25+$0xFFFFFFE0]  }
0x27: {  	s19 =	simm.s32 $0x40;
	[tilespmem:v19+s11+$0x0] =	vst.idx.msk $0xffff, v5;
	v5 =	vor.u32 $0x1, v12;
	v1 =	vmov s28;
	v11 =	vld [tilespmem:s25+$0x0]  }
0x28: {  	s26 =	simm.s32 $0x60;
	v14 =	vor.u32 $0x1, v19;
	v2 =	vmov s19;
	v13 =	vld [tilespmem:s25+$0x10];
	v1 =	vshll.u32 v1, $0x2  }
0x29: {  	v15 =	vld [tilespmem:s26+$0xFFFFFFF0];
	v16 =	vshll.u32 v2, $0x2;
	v2 =	vor.u32 v0, v1  }
0x2a: {  	s29 =	simm.s32 $0x60;
	v20 =	vld [tilespmem:s26+$0x0];
	[tilespmem:v7+s11+$0x0] =	vst.idx.msk $0xffff, v4  }
0x2b: {  	s31 =	simm.s32 $0x70;
	v17 =	vmov s29;
	v18 =	vld [tilespmem:s26+$0xFFFFFFE0];
	[tilespmem:v9+s11+$0x0] =	vst.idx.msk $0xffff, v6  }
0x2c: {  	s30 =	simm.s32 $0x1020;
	v3 =	vld [tilespmem:s26+$0x10];
	v1 =	vor.u32 v0, v16;
	v16 =	vshll.u32 v17, $0x2;
	[tilespmem:v5+s11+$0x0] =	vst.idx.msk $0xffff, v11;
	v6 =	vmov s31  }
0x2d: {  	v4 =	vor.u32 v0, v16;
	[tilespmem:v14+s11+$0x0] =	vst.idx.msk $0xffff, v13;
	v9 =	vld [tilespmem:s30+$0xFFFFFFF0];
	v13 =	vshll.u32 v6, $0x2  }
0x2e: {  	v7 =	vld [tilespmem:s30+$0xFFFFFFE0];
	[tilespmem:v2+s11+$0x0] =	vst.idx.msk $0xffff, v15;
	v15 =	vor.u32 v0, v13  }
0x2f: {  	v17 =	vor.u32 $0x2, v12;
	v11 =	vld [tilespmem:s30+$0x0]  }
0x30: {  	s16 =	simm.s32 $0x860;
	v16 =	vor.u32 $0x2, v8;
	v6 =	vld [tilespmem:s30+$0x10]  }
0x31: {  	s17 =	simm.s32 $0x1060;
	v12 =	vor.u32 $0x2, v10;
	[tilespmem:v1+s11+$0x0] =	vst.idx.msk $0xffff, v18;
	v14 =	vld [tilespmem:s16+$0xFFFFFFF0]  }
0x32: {  	s18 =	simm.s32 $0x4;
	s20 =	simm.s32 $0xA0;
	s19 =	simm.s32 $0x80;
	v10 =	vor.u32 $0x2, v19;
	v5 =	vor.u32 $0x1, v1;
	v18 =	vor.u32 $0x1, v2;
	v13 =	vld [tilespmem:s16+$0xFFFFFFE0];
	v8 =	vmovc v15;
	[tilespmem:v4+s11+$0x0] =	vst.idx.msk $0xffff, v20  }
.LBB2_3:
0x33: {  	v19 =	vmov s19;
	s21 =	sadd.s32 $0x10, s19;
	s22 =	sadd.s32 $0x30, s19;
	s18 =	sadd.s32 $0x4, s18;
	v20 =	vld [tilespmem:s16+$0x0];
	v21 =	vor.u32 $0x1, v4;
	[tilespmem:v15+s11+$0x0] =	vst.idx.msk $0xffff, v3;
	v22 =	vor.u32 $0x1, v8  }
0x34: {  	v15 =	vshll.u32 v19, $0x2;
	v19 =	vmov s21;
	s21 =	sadd.s32 $0x20, s19;
	v23 =	vmov s22;
	v3 =	vld [tilespmem:s20+$0x10];
	p0 =	slt.u32 s18, $0x7C;
	[tilespmem:v17+s11+$0x0] =	vst.idx.msk $0xffff, v11  }
0x35: {  	v24 =	vor.u32 v0, v15;
	v11 =	vshll.u32 v19, $0x2;
	v15 =	vmov s21;
	v19 =	vld [tilespmem:s16+$0x10];
	[tilespmem:v16+s11+$0x0] =	vst.idx.msk $0xffff, v9  }
0x36: {  	v9 =	vor.u32 $0x1, v24;
	v25 =	vor.u32 v0, v11;
	v16 =	vld [tilespmem:s20+$0xFFFFFFF0];
	v11 =	vshll.u32 v15, $0x2;
	[tilespmem:v12+s11+$0x0] =	vst.idx.msk $0xffff, v7  }
0x37: {  	v7 =	vshll.u32 v23, $0x2;
	v26 =	vor.u32 v0, v11;
	v27 =	vld [tilespmem:s20+$0x0];
	[tilespmem:v18+s11+$0x0] =	vst.idx.msk $0xffff, v14  }
0x38: {  	v15 =	vor.u32 v0, v7;
	v12 =	vld [tilespmem:s20+$0xFFFFFFE0];
	[tilespmem:v5+s11+$0x0] =	vst.idx.msk $0xffff, v13;
	v5 =	vmov v9  }
0x39: {  	v9 =	vld [tilespmem:s17+$0xFFFFFFF0];
	[tilespmem:v21+s11+$0x0] =	vst.idx.msk $0xffff, v20  }
.Ltmp0:
0x3a: {  	s16 =	sadd.s32 $0x40, s16;
	v7 =	vld [tilespmem:s17+$0xFFFFFFE0];
	[tilespmem:v10+s11+$0x0] =	vst.idx.msk $0xffff, v6;
	(pc) =	sbr.rel @p0 .LBB2_3-.Ltmp0, $4  }
0x3b: {  	v17 =	vor.u32 $0x2, v4;
	v4 =	vmov v26;
	v11 =	vld [tilespmem:s17+$0x0];
	[tilespmem:v22+s11+$0x0] =	vst.idx.msk $0xffff, v19  }
0x3c: {  	[tilespmem:v25+s11+$0x0] =	vst.idx.msk $0xffff, v16;
	v16 =	vor.u32 $0x2, v2;
	v6 =	vld [tilespmem:s17+$0x10];
	v2 =	vmov v25  }
0x3d: {  	[tilespmem:v24+s11+$0x0] =	vst.idx.msk $0xffff, v12;
	v14 =	vld [tilespmem:s16+$0xFFFFFFF0];
	v12 =	vor.u32 $0x2, v1;
	v1 =	vmov v24  }
0x3e: {  	s19 =	sadd.s32 $0x40, s19;
	s20 =	sadd.s32 $0x40, s20;
	v10 =	vor.u32 $0x2, v8;
	v8 =	vmov v15;
	s17 =	sadd.s32 $0x40, s17;
	v18 =	vor.u32 $0x1, v2;
	v13 =	vld [tilespmem:s16+$0xFFFFFFE0];
	[tilespmem:v26+s11+$0x0] =	vst.idx.msk $0xffff, v27  }
0x3f: {  	_ =	sdelay $0x3  }
0x40: {  	v19 =	vld [tilespmem:s16+$0x0];
	v20 =	vor.u32 $0x1, v4;
	[tilespmem:v15+s11+$0x0] =	vst.idx.msk $0xffff, v3  }
0x41: {  	v3 =	vor.u32 $0x1, v8;
	[tilespmem:v16+s11+$0x0] =	vst.idx.msk $0xffff, v9;
	v59 =	vld [tilespmem:s16+$0x10]  }
0x42: {  	[tilespmem:v12+s11+$0x0] =	vst.idx.msk $0xffff, v7  }
0x43: {  	[tilespmem:v18+s11+$0x0] =	vst.idx.msk $0xffff, v14  }
0x44: {  	v2 =	vor.u32 $0x2, v2;
	[tilespmem:v5+s11+$0x0] =	vst.idx.msk $0xffff, v13;
	v62 =	vld [tilespmem:s17+$0xFFFFFFF0]  }
0x45: {  	v1 =	vor.u32 $0x2, v1;
	[tilespmem:v20+s11+$0x0] =	vst.idx.msk $0xffff, v19;
	v13 =	vld [tilespmem:s17+$0xFFFFFFE0]  }
0x46: {  	v61 =	vor.u32 $0x2, v4;
	v60 =	vld [tilespmem:s17+$0x0];
	[tilespmem:v3+s11+$0x0] =	vst.idx.msk $0xffff, v59  }
0x47: {  	v63 =	vor.u32 $0x2, v8;
	[tilespmem:v17+s11+$0x0] =	vst.idx.msk $0xffff, v11;
	v3 =	vld [tilespmem:s17+$0x10]  }
0x48: {  	[tilespmem:v10+s11+$0x0] =	vst.idx.msk $0xffff, v6  }
0x49: {  	[tilespmem:v2+s11+$0x0] =	vst.idx.msk $0xffff, v62  }
0x4a: {  	s14 =	sadd.s32 $0x1, s14;
	[tilespmem:v1+s11+$0x0] =	vst.idx.msk $0xffff, v13  }
0x4b: {  	s15 =	sshll.u32 s15, $0xA;
	p0 =	sne.s32 s14, $0x60;
	[tilespmem:v61+s11+$0x0] =	vst.idx.msk $0xffff, v60  }
.Ltmp1:
0x4c: {  	s15 =	sadd.s32 s5, s15;
	[tilespmem:v63+s11+$0x0] =	vst.idx.msk $0xffff, v3;
	(pc) =	sbr.rel @p0 .LBB2_2-.Ltmp1, $4  }
0x4d: {  	[hbm4b:s15+s3] =	stream.linear.scatter [tilespmem:s11], [sflag:$0x2], $0x2000, $0x38;
	[tilespmem:$0x3800] =	vst v63  }
0x4e: {  	_ =	swait.ge [sflag:s12], $0x2000  }
0x4f: {  	[sflag:s12] =	ssyncset.done $0x0  }
0x50: {  	[sflag:s12] =	ssyncadd.s32 $0xFFFFE000  }
0x51: {  	s13 =	sadd.s32 $0x1, s13  }
0x52: {  	p0 =	sne.s32 s13, s7  }
.Ltmp2:
0x53: {  	_ = 	snop;
	(pc) =	sbr.rel @p0 .LBB2_1-.Ltmp2, $1  }
0x54: {  	_ =	sdelay $0x3  }
0x55: {  	_ =	sfence.sel $0x180000  }
0x56: {  	[bflag:$0x0] =	sbarrier.arrive $0xFFFF  }
0x57: {  	p0 =	sne.s32 s4, $0x0;
	_ =	strace $0x90000047  }
0x58: {  	s0 =	sadd.s32 @!p0 $0x100000, s0;
	[bflag:$0x2] =	sbarrier.arrive $0xFFFF  }
0x59: {  	[sflag:s0] =	ssyncadd.tile.s32 @!p0 $0x1;
	_ =	shalt  }
.Lfunc_end2:
_tile_overlayer_lowered:
.L_overlay_start_2:
0x5a: {  	(tag) =	ssettag $0x2  }
0x5b: {  	s0 =	rddreg [dreg:$0x0];
	s2 =	stileid.u32  }
0x5c: {  	s1 =	rddreg [dreg:$0x1];
	p0 =	sne.s32 s2, $0x0  }
0x5d: {  	s3 =	rddreg [dreg:$0x2];
	[bflag:$0x3] =	sbarrier.arrive $0xFFFF;
	s2 =	simm.s32 @!p0 $0x1C02  }
0x5e: {  	[timem:s3], [sflag:s2] =	dma.local @!p0 [hbm:s0], s1  }
0x5f: {  	s0 =	simm.s32 @!p0 $0x2  }
0x60: {  	_ =	swait.ge @!p0 [sflag:s0], s1  }
0x61: {  	s1 =	ssub.s32 @!p0 $0x0, s1;
	[sflag:s0] =	ssyncset.done @!p0 $0x0  }
0x62: {  	[sflag:s0] =	ssyncadd.s32 @!p0 s1  }
0x63: {  	[bflag:$0x3] =	sbarrier.arrive $0xFFFF  }
0x64: {  	_ =	shalt  }

// kernel: _run.7.cloned.1.call-start
scs
__scs_entry_jumppad:
0x0: {  	(pc) =	sbr.rel $0x88, $3  }
0x1: {  	(tag) =	ssettag $0x0;
	lr =	simm.s32 $0x1  }
0x2: {  	[smem:$0x3F9E] =	sst lr;
	_ =	strace $0xD0000000  }
0x3: {  	_ = 	snop  }
0x4: {  	_ = 	snop  }
0x5: {  	_ = 	snop  }
0x6: {  	_ = 	snop  }
0x7: {  	_ = 	snop  }
__scs_overlays_trampoline_lowered:
0x8: {  	[smem:$0x3FAD] =	sst s0  }
0x9: {  	[smem:$0x3FAE] =	sst s1  }
0xa: {  	[smem:$0x3FAF] =	sst s2  }
0xb: {  	[smem:$0x3FB0] =	sst s3  }
0xc: {  	[smem:$0x3FB1] =	sst s4  }
0xd: {  	[smem:$0x3FB2] =	sst s5  }
0xe: {  	[smem:$0x3FB3] =	sst s6  }
0xf: {  	[smem:$0x3FB4] =	sst s7  }
0x10: {  	[smem:$0x3FB5] =	sst s8  }
0x11: {  	[smem:$0x3FB6] =	sst s9;
	s0 =	simm.s32 @!p0 $0x0  }
0x12: {  	s1 =	sld [smem:$0x3F9C];
	s0 =	simm.s32 @p0 $0x1  }
0x13: {  	[smem:$0x3FB7] =	sst s0;
	s0 =	simm.s32 @!p1 $0x0  }
0x14: {  	s2 =	sld [smem:$0x3F9B];
	s0 =	simm.s32 @p1 $0x1  }
0x15: {  	[smem:$0x3FB8] =	sst s0;
	s0 =	simm.s32 @!p2 $0x0  }
0x16: {  	s3 =	sld [smem:$0x3FDB];
	s0 =	simm.s32 @p2 $0x1  }
0x17: {  	s4 =	simm.s32 $0x1BF5;
	[smem:$0x3FBA] =	sst s0  }
0x18: {  	s0 =	sld [smem:$0x3F9D];
	_ =	swait.ge [sflag:s4], $0x0  }
0x19: {  	s7 =	sld [smem:$0x3F9E]  }
0x1a: {  	s8 =	sadd.s32 $0xFFFFE003, lr  }
0x1b: {  	s9 =	sadd.s32 $0xFFFFFEF7, lr;
	s5 =	simm.s32 $0xFFFFFFFF;
	p2 =	slt.u32 s8, $0xFFFFF086  }
0x1c: {  	p1 =	slt.u32 s9, $0xF7A;
	s5 =	simm.s32 @!p2 $0x0  }
0x1d: {  	s5 =	simm.s32 @p1 $0x1;
	p0 =	seq.s32 s7, s2  }
0x1e: {  	s7 =	smul.u32 @!p0 $0xF7A, s2;
	p2 =	seq.s32 @!p0 s5, $0x0  }
0x1f: {  	s9 =	smul.u32 $0xF7A, s1;
	s8 =	simm.s32 @!p0 $0x1BF5;
	p2 =	por !p2, p0  }
0x20: {  	[sflag:s8] =	ssyncset.s32 @!p0 $0xFFFFF086;
	s6 =	sadd.s32 @!p0 s3, s7;
	s7 =	simm.s32 @!p0 $0x108  }
0x21: {  	s3 =	sadd.s32 s3, s9;
	s6 =	sadd.s32 @!p0 $0x88, s6;
	s7 =	simm.s32 @p2 $0x1082  }
0x22: {  	[simem:s7], [sflag:s8] =	dma.local @!p0 [hbm:s6], $0xF7A  }
0x23: {  	s9 =	sor.u32 $0xD0000000, s2;
	s6 =	simm.s32 $0x108;
	_ =	swait.ge @!p0 [sflag:s8], $0x0  }
0x24: {  	s3 =	sadd.s32 $0x88, s3;
	s6 =	simm.s32 @!p1 $0x1082;
	[sflag:s4] =	ssyncset.s32 $0xFFFFF086  }
0x25: {  	[simem:s6], [sflag:s4] =	dma.local [hbm:s3], $0xF7A  }
0x26: {  	[smem:$0x3F9E] =	sst s1;
	(tag) =	ssettag s2;
	_ =	strace s9  }
0x27: {  	s1 =	sld [smem:$0x3FAE]  }
0x28: {  	s2 =	sld [smem:$0x3FAF]  }
0x29: {  	s4 =	sld [smem:$0x3FB1]  }
0x2a: {  	p0 =	seq.s32 s5, $0x0;
	s5 =	sld [smem:$0x3FB2]  }
0x2b: {  	s6 =	sld [smem:$0x3FB3]  }
0x2c: {  	s7 =	sld [smem:$0x3FB4]  }
0x2d: {  	s3 =	simm.s32 $0x108;
	s8 =	sld [smem:$0x3FB5]  }
0x2e: {  	s3 =	simm.s32 @!p0 $0x1082;
	s9 =	sld [smem:$0x3FB6]  }
0x2f: {  	lr =	sadd.s32 s0, s3;
	s0 =	sld [smem:$0x3FAD]  }
0x30: {  	s3 =	sld [smem:$0x3FB0]  }
0x31: {  	[smem:$0x3FB9] =	sst s10  }
0x32: {  	s10 =	sld [smem:$0x3FB7];
	_ =	sdelay $0x3  }
0x33: {  	p0 =	seq.s32 s10, $0x1;
	s10 =	sld [smem:$0x3FB9];
	_ =	sdelay $0x3  }
0x34: {  	[smem:$0x3FB9] =	sst s10  }
0x35: {  	s10 =	sld [smem:$0x3FB8];
	_ =	sdelay $0x3  }
0x36: {  	p1 =	seq.s32 s10, $0x1;
	s10 =	sld [smem:$0x3FB9];
	_ =	sdelay $0x3  }
0x37: {  	[smem:$0x3FB9] =	sst s10  }
0x38: {  	s10 =	sld [smem:$0x3FBA]  }
0x39: {  	_ = 	snop;
	(pc) =	sbr.ind lr, $3  }
0x3a: {  	_ = 	snop  }
0x3b: {  	_ = 	snop  }
0x3c: {  	p2 =	seq.s32 s10, $0x1;
	s10 =	sld [smem:$0x3FB9]  }
0x3d: {  	_ =	shalt  }
0x3e: {  	_ =	shalt  }
0x3f: {  	_ =	shalt  }
0x40: {  	_ =	shalt  }
0x41: {  	_ =	shalt  }
0x42: {  	_ =	shalt  }
0x43: {  	_ =	shalt  }
0x44: {  	_ =	shalt  }
0x45: {  	_ =	shalt  }
0x46: {  	_ =	shalt  }
0x47: {  	_ =	shalt  }
0x48: {  	_ =	shalt  }
0x49: {  	_ =	shalt  }
0x4a: {  	_ =	shalt  }
0x4b: {  	_ =	shalt  }
0x4c: {  	_ =	shalt  }
0x4d: {  	_ =	shalt  }
0x4e: {  	_ =	shalt  }
0x4f: {  	_ =	shalt  }
0x50: {  	_ =	shalt  }
0x51: {  	_ =	shalt  }
0x52: {  	_ =	shalt  }
0x53: {  	_ =	shalt  }
0x54: {  	_ =	shalt  }
0x55: {  	_ =	shalt  }
0x56: {  	_ =	shalt  }
0x57: {  	_ =	shalt  }
0x58: {  	_ =	shalt  }
0x59: {  	_ =	shalt  }
0x5a: {  	_ =	shalt  }
0x5b: {  	_ =	shalt  }
0x5c: {  	_ =	shalt  }
0x5d: {  	_ =	shalt  }
0x5e: {  	_ =	shalt  }
0x5f: {  	_ =	shalt  }
0x60: {  	_ =	shalt  }
0x61: {  	_ =	shalt  }
0x62: {  	_ =	shalt  }
0x63: {  	_ =	shalt  }
0x64: {  	_ =	shalt  }
0x65: {  	_ =	shalt  }
0x66: {  	_ =	shalt  }
0x67: {  	_ =	shalt  }
0x68: {  	_ =	shalt  }
0x69: {  	_ =	shalt  }
0x6a: {  	_ =	shalt  }
0x6b: {  	_ =	shalt  }
0x6c: {  	_ =	shalt  }
0x6d: {  	_ =	shalt  }
0x6e: {  	_ =	shalt  }
0x6f: {  	_ =	shalt  }
0x70: {  	_ =	shalt  }
0x71: {  	_ =	shalt  }
0x72: {  	_ =	shalt  }
0x73: {  	_ =	shalt  }
0x74: {  	_ =	shalt  }
0x75: {  	_ =	shalt  }
0x76: {  	_ =	shalt  }
0x77: {  	_ =	shalt  }
0x78: {  	_ =	shalt  }
0x79: {  	_ =	shalt  }
0x7a: {  	_ =	shalt  }
0x7b: {  	_ =	shalt  }
0x7c: {  	_ =	shalt  }
0x7d: {  	_ =	shalt  }
0x7e: {  	_ =	shalt  }
0x7f: {  	_ =	shalt  }
0x80: {  	_ =	shalt  }
0x81: {  	_ =	shalt  }
0x82: {  	_ =	shalt  }
0x83: {  	_ =	shalt  }
0x84: {  	_ =	shalt  }
0x85: {  	_ =	shalt  }
0x86: {  	_ =	shalt  }
0x87: {  	_ =	shalt  }
.Lfunc_end0:
.L_simem_size_0:
called_computation.1_lowered:
.L_overlay_start_0:
0x88: {  	s2 =	sld [smem:$0x3FD9]  }
0x89: {  	s3 =	sld [smem:$0x3FFE];
	_ =	sdelay $0x1  }
0x8a: {  	s1 =	srdreg.scid  }
0x8b: {  	s0 =	sand.u32 $0x1, s1  }
0x8c: {  	s17 =	sshll.u32 s0, $0xA;
	s2 =	sadd.s32 s3, s2  }
0x8d: {  	s2 =	sadd.s32 s2, s17  }
0x8e: {  	[smem:$0x3FC5] =	sst s2  }
0x8f: {  	_ = 	snop  }
0x90: {  	s2 =	sld [smem:$0x3FC8]  }
0x91: {  	s18 =	sld [smem:$0x3FC7]  }
0x92: {  	s4 =	sld [smem:$0x3FD0];
	(tm) =	ssettm $0x1  }
0x93: {  	s5 =	sld [smem:$0x3FFB];
	_ =	sdelay $0x3  }
0x94: {  	_ =	strace s5  }
0x95: {  	s5 =	sld [smem:$0x3FFC];
	_ =	sdelay $0x3  }
0x96: {  	_ =	strace s5  }
0x97: {  	s5 =	sld [smem:$0x3FFD];
	_ =	sdelay $0x3  }
0x98: {  	_ =	strace s5  }
0x99: {  	_ =	strace $0x8FFFFFFF  }
0x9a: {  	s19 =	sld [smem:$0x3FDB];
	_ =	sdelay $0x1  }
0x9b: {  	s6 =	simm.s32 $_scs_section_size  }
0x9c: {  	s7 =	simm.s32 $_size__tile_overlayer_lowered;
	s8 =	simm.s32 $_tile_overlayer_lowered  }
0x9d: {  	s22 =	simm.s32 $0x1BFF;
	s21 =	sshll.u32 s8, $0x1;
	s5 =	sadd.s32 s6, s19  }
0x9e: {  	s9 =	simm.s32 $0x0;
	s20 =	sshll.u32 s7, $0x1;
	s7 =	sadd.s32 s21, s5  }
0x9f: {  	[timem:s9], [sflag:s22] =	dma.local [hbm:s7], s20  }
0xa0: {  	_ =	swait.ge [sflag:s22], s20  }
0xa1: {  	s6 =	ssub.s32 $0x0, s20;
	[sflag:s22] =	ssyncset.done $0x0  }
0xa2: {  	[sflag:s22] =	ssyncadd.s32 s6;
	_ =	sdelay $0x1  }
0xa3: {  	s23 =	simm.s32 $0x1B8B  }
0xa4: {  	_ =	swait.ge [sflag:s23], $0x1  }
0xa5: {  	[sflag:s23] =	ssyncset.done $0x0  }
0xa6: {  	s25 =	simm.s32 $0x1B8E;
	s24 =	sld [smem:$0x3FFE];
	[sflag:s23] =	ssyncadd.s32 $0xFFFFFFFF  }
0xa7: {  	s26 =	simm.s32 $execute0_lowered;
	[smem:$0x3FD2] =	sst s25  }
0xa8: {  	s7 =	sshll.u32 s26, $0x1;
	_ =	strace $0x80000049;
	[dreg:$0x1] =	wrdreg $0xFFFFFFFF  }
0xa9: {  	s28 =	simm.s32 $_size_execute0_lowered;
	s5 =	sadd.s32 s5, s7;
	[dreg:$0x0] =	wrdreg $0x0  }
0xaa: {  	s7 =	sshll.u32 s28, $0x1;
	[dreg:$0x2] =	wrdreg s5  }
0xab: {  	[dreg:$0x3] =	wrdreg s7  }
0xac: {  	[dreg:$0x4] =	wrdreg $0xC0  }
0xad: {  	_ =	task [dreg:s9], $0x5FFFF  }
0xae: {  	[dreg:$0x1] =	wrdreg $0xFFFFFFFF  }
0xaf: {  	[dreg:$0x0] =	wrdreg $0x60  }
0xb0: {  	[dreg:$0x2] =	wrdreg s24  }
0xb1: {  	[dreg:$0x3] =	wrdreg s2  }
0xb2: {  	[dreg:$0x4] =	wrdreg s18  }
0xb3: {  	[dreg:$0x5] =	wrdreg s4  }
0xb4: {  	[dreg:$0x6] =	wrdreg $0x9  }
0xb5: {  	_ =	task.clear_ibuf [dreg:s9], $0x7FFFF;
	_ =	strace $0x90000049  }
0xb6: {  	s29 =	simm.s32 $0x9;
	_ =	strace $0x8000004B  }
0xb7: {  	_ =	swait.ge [sflag:s29], $0x1  }
0xb8: {  	[sflag:s29] =	ssyncadd.s32 $0xFFFFFFFF  }
0xb9: {  	_ =	strace $0x9000004B  }
0xba: {  	_ =	sfence  }
0xbb: {  	s30 =	sld [smem:$0x0];
	_ =	sdelay $0x2  }
0xbc: {  	s31 =	sshll.u32 s1, $0xD;
	s1 =	sshrl.u32 s1, $0x2  }
0xbd: {  	s3 =	sand.u32 $0x4000, s31;
	s1 =	sadd.s32 s1, s30  }
0xbe: {  	s0 =	sor.u32 s3, s0;
	s1 =	sshll.u32 s1, $0x11  }
0xbf: {  	s0 =	sor.u32 s1, s0  }
0xc0: {  	s0 =	sadd.s32 $0x8F2B, s0  }
0xc1: {  	[sflag:s0] =	ssyncadd.remote.s32 $0x1  }
0xc2: {  	_ =	sfence.sel $0xFFFF  }
0xc3: {  	[dreg:$0x0] =	wrdreg $0xFFFFFFFF;
	(pc) =	sbr.abs _section_cstart, $3  }
0xc4: {  	[dreg:$0x1] =	wrdreg $0xFFFFFFFF  }
0xc5: {  	_ =	task.clear_ibuf [dreg:s9], $0x2FFFF;
	_ =	strace $0x9FFFFFFF  }
0xc6: {  	(tm) =	ssettm $0x7FFFFFFF  }
0xc7: {  	_ =	shalt  }
tec
execute0_lowered:
.L_overlay_start_1:
0x0: {  	(tag) =	ssettag $0x1  }
0x1: {  	s0 =	rddreg [dreg:$0x0]  }
0x2: {  	s1 =	rddreg [dreg:$0x1]  }
0x3: {  	s4 =	rddreg [dreg:$0x3]  }
0x4: {  	s2 =	srdreg.scid;
	s3 =	stileid.u32;
	s5 =	simm.s32 $0x0  }
0x5: {  	s10 =	simm.s32 $0x400;
	s13 =	simm.s32 $0x1;
	s15 =	simm.s32 $0x3400  }
0x6: {  	s16 =	simm.s32 $0x1400;
	s17 =	simm.s32 $0x5400;
	s18 =	simm.s32 $0x1800  }
0x7: {  	s19 =	simm.s32 $0x7400;
	s20 =	simm.s32 $0x1C00;
	s21 =	simm.s32 $0x9400  }
0x8: {  	s22 =	simm.s32 $0xB400;
	s23 =	simm.s32 $0xB800;
	s2 =	sand.u32 $0x1, s2  }
0x9: {  	s24 =	simm.s32 $0xBC00;
	s3 =	sshll.u32 s3, $0x1;
	s7 =	ssub.s32 $0x2, s2  }
0xa: {  	v3 =	vlaneseq.u32;
	[smem:$0x7FF] =	sst s5;
	s2 =	sor.u32 s2, s3;
	s30 =	sshrl.u32 s7, $0x1  }
0xb: {  	s6 =	sadd.s32 $0x800, s0;
	v60 =	vmul.u32 $0x8, v3;
	s8 =	ssub.s32 $0x808, s2;
	s31 =	ssub.s32 s7, s30  }
0xc: {  	_ =	strace $0x8000004A;
	s7 =	sshrl.u32 s8, $0x5;
	s0 =	smax.u32 s31, $0x1  }
0xd: {  	v0 =	vimm.s32 $0x0;
	v1 =	vimm.s32 $0x3;
	v2 =	vimm.s32 $0x5;
	[tilespmem:$0x1FFF0] =	vst v60;
	s8 =	sshll.u32 s2, $0xA;
	s2 =	simm.s32 $0x0;
	[dreg:$0x5] =	wrdreg s0  }
.LBB2_1:
0xe: {  	[dreg:$0x6] =	wrdreg s2;
	s26 =	simm.s32 $0x0  }
.LBB2_2:
0xf: {  	s0 =	sshll.u32 s26, $0xF  }
0x10: {  	s0 =	sor.u32 s8, s0  }
0x11: {  	s3 =	simm.s32 $0x0;
	s28 =	sshrl.u32 s0, $0x3;
	s11 =	sadd.s32 $0x1FA400, s0  }
0x12: {  	s0 =	sadd.s32 $0x3F4800, s0;
	s2 =	sadd.s32 s1, s28;
	s29 =	sshrl.u32 s11, $0x3  }
0x13: {  	[tilespmem:s3], [sflag:$0x1] =	stream.linear.gather [hbm4b:s2+s3], $0x400, $0x38;
	[tilespmem:$0xC000] =	vst v63  }
0x14: {  	s30 =	sshrl.u32 s0, $0x3;
	s2 =	sadd.s32 s1, s29  }
0x15: {  	[tilespmem:s10], [sflag:$0x1] =	stream.linear.gather [hbm4b:s2+s3], $0x400, $0x38;
	[tilespmem:$0xC000] =	vst v63  }
0x16: {  	s12 =	simm.s32 $0x800;
	s14 =	rddreg [dreg:$0x2];
	s0 =	sadd.s32 s1, s30  }
0x17: {  	[tilespmem:s12], [sflag:$0x1] =	stream.linear.gather [hbm4b:s0+s3], $0x400, $0x38;
	[tilespmem:$0xC000] =	vst v63  }
0x18: {  	s25 =	simm.s32 $0xC00;
	s0 =	sadd.s32 s14, s28  }
0x19: {  	[tilespmem:s25], [sflag:$0x1] =	stream.linear.gather [hbm4b:s0+s3], $0x400, $0x38;
	[tilespmem:$0xC000] =	vst v63  }
0x1a: {  	_ =	swait.ge [sflag:s13], $0x400  }
0x1b: {  	[sflag:s13] =	ssyncset.done $0x0  }
0x1c: {  	[sflag:s13] =	ssyncadd.s32 $0xFFFFFC00  }
0x1d: {  	_ =	swait.ge [sflag:s13], $0x400  }
0x1e: {  	[sflag:s13] =	ssyncset.done $0x0  }
0x1f: {  	[sflag:s13] =	ssyncadd.s32 $0xFFFFFC00  }
0x20: {  	_ =	swait.ge [sflag:s13], $0x400  }
0x21: {  	[sflag:s13] =	ssyncset.done $0x0  }
0x22: {  	[sflag:s13] =	ssyncadd.s32 $0xFFFFFC00  }
0x23: {  	_ =	swait.ge [sflag:s13], $0x400  }
0x24: {  	[sflag:s13] =	ssyncset.done $0x0  }
0x25: {  	s31 =	simm.s32 $0x0;
	[sflag:s13] =	ssyncadd.s32 $0xFFFFFC00  }
0x26: {  	v4 =	vld [tilespmem:s31+$0x30]  }
0x27: {  	v5 =	vld [tilespmem:s31+$0x430]  }
0x28: {  	v6 =	vld [tilespmem:s31+$0x830]  }
0x29: {  	v10 =	vld [tilespmem:s31+$0x0]  }
0x2a: {  	v11 =	vld [tilespmem:s31+$0x400]  }
0x2b: {  	v8 =	vld [tilespmem:s31+$0x800]  }
0x2c: {  	v12 =	vld [tilespmem:s31+$0x10]  }
0x2d: {  	v13 =	vld [tilespmem:s31+$0x410]  }
0x2e: {  	v20 =	vld [tilespmem:s31+$0x420]  }
0x2f: {  	v22 =	vld [tilespmem:s31+$0x820];
	_ =	sdelay $0x1  }
0x30: {  	v7 =	vand.u32 $0x7FFFFFFF, v4;
	v14 =	vand.u32 $0x7FFFFFFF, v5;
	v15 =	vand.u32 $0x7FFFFFFF, v6  }
0x31: {  	v16 =	vand.u32 $0x7FFFFFFF, v10;
	v17 =	vand.u32 $0x7FFFFFFF, v11;
	v19 =	vand.u32 $0x7FFFFFFF, v8  }
0x32: {  	v21 =	vand.u32 $0x7FFFFFFF, v12;
	v23 =	vand.u32 $0x7FFFFFFF, v13;
	v24 =	vand.u32 $0x7FFFFFFF, v20  }
0x33: {  	v25 =	vand.u32 $0x7FFFFFFF, v22;
	vm0 =	vge.f32 v7, v14;
	vm1 =	vge.f32 v7, v15  }
0x34: {  	vm9 =	vge.f32 v4, $0.0e+00;
	vm0 =	vmneg vm0;
	vm1 =	vmneg vm1  }
0x35: {  	v26 =	vsub.f32 $0.0e+00, v4;
	vm11 =	vge.f32 v14, v15;
	vm6 =	vmor vm0, vm1  }
0x36: {  	v9 =	vld [tilespmem:s31+$0x810];
	vm12 =	vge.f32 v16, v17;
	vm13 =	vge.f32 v16, v19;
	vm7 =	vmand vm11, vm6  }
0x37: {  	v18 =	vld [tilespmem:s31+$0x20];
	vm2 =	vge.f32 v21, v23;
	vm8 =	vge.f32 v17, v19;
	v14 =	vsel vm7, v14, v15  }
0x38: {  	vm15 =	vge.f32 v24, v25;
	vm10 =	vmneg vm9;
	v7 =	vsel vm6, v14, v7  }
0x39: {  	vm1 =	vmneg vm12;
	vm0 =	vmneg vm13;
	v7 =	vadd.f32 $1.000000000e-30, v7  }
0x3a: {  	vm9 =	vge.f32 v10, $0.0e+00;
	vm2 =	vmneg vm2;
	vm0 =	vmor vm1, vm0  }
0x3b: {  	vm11 =	vge.f32 v5, $0.0e+00;
	v15 =	vand.u32 $0x7FFFFFFF, v9;
	(erf) = vrcp.f32 v7  }
0x3c: {  	v5 =	vsub.f32 $0.0e+00, v5;
	vm3 =	vge.f32 v21, v15;
	v14 =	vand.u32 $0x7FFFFFFF, v18  }
0x3d: {  	vm14 =	vge.f32 v23, v15;
	vm4 =	vge.f32 v14, v24;
	vm5 =	vge.f32 v14, v25  }
0x3e: {  	vm3 =	vmneg vm3;
	vm4 =	vmneg vm4;
	vm5 =	vmneg vm5  }
0x3f: {  	vm1 =	vmor vm2, vm3;
	vm2 =	vmor vm4, vm5;
	vm4 =	vmand vm8, vm0  }
0x40: {  	vm5 =	vmand vm14, vm1;
	vm8 =	vge.f32 v6, $0.0e+00;
	v7 =	vsub.f32 $0.0e+00, v6  }
0x41: {  	vm3 =	vmand vm15, vm2;
	vm12 =	vmor vm7, vm8;
	v17 =	vsel vm4, v17, v19  }
0x42: {  	v15 =	vsel vm5, v23, v15;
	v19 =	vsub.f32 $0.0e+00, v22;
	v23 =	vsel vm11, $0x2, v1  }
0x43: {  	v27 =	vsel vm10, v6, v7;
	v4 =	vsel vm12, v4, v26;
	v6 =	vsel vm11, v6, v7  }
0x44: {  	vm11 =	vmneg vm9;
	v4 =	vsel vm6, v4, v27;
	v5 =	vsel vm7, v6, v5;
	v7 =	vpop (erf)  }
0x45: {  	v6 =	vsel vm0, v17, v16;
	v16 =	vsel vm3, v24, v25;
	v4 =	vmul.f32 v7, v4  }
0x46: {  	v17 =	vsub.f32 $0.0e+00, v9;
	v24 =	vsub.f32 $0.0e+00, v12;
	v5 =	vmul.f32 v7, v5  }
0x47: {  	v7 =	vsel vm1, v15, v21;
	v15 =	vadd.f32 $1.000000000e-30, v6;
	v4 =	vmul.f32 $5.120000000e+02, v4  }
0x48: {  	v14 =	vsel vm2, v16, v14;
	v7 =	vadd.f32 $1.000000000e-30, v7;
	v6 =	vmul.f32 $5.120000000e+02, v5  }
0x49: {  	v14 =	vadd.f32 $1.000000000e-30, v14;
	(erf) = vrcp.f32 v15;
	v5 =	vadd.f32 $5.115000000e+02, v4  }
0x4a: {  	v25 =	vsub.f32 $0.0e+00, v18;
	(erf) = vrcp.f32 v7;
	v6 =	vadd.f32 $5.115000000e+02, v6  }
0x4b: {  	v54 =	vsel vm11, $0x1, v0;
	(erf) = vrcp.f32 v14;
	v4 =	vtrunc.f32 v5  }
0x4c: {  	v16 =	vsub.f32 $0.0e+00, v8;
	v15 =	vtrunc.f32 v6;
	v7 =	vcvt.f32.s32 v4  }
0x4d: {  	v21 =	vcvt.f32.s32 v15;
	vm12 =	vlt.f32 v5, v4;
	vm13 =	vlt.f32 v6, v15  }
0x4e: {  	v4 =	vsel vm12, $0xFFFFFFFF, v0;
	v15 =	vsel vm13, $0xFFFFFFFF, v0;
	vm12 =	vge.f32 v8, $0.0e+00  }
0x4f: {  	v4 =	vadd.s32 v7, v4;
	v7 =	vadd.s32 v21, v15;
	v15 =	vsel vm8, $0x4, v2  }
0x50: {  	v21 =	vsel vm10, $0x1, v0;
	vm8 =	vge.f32 v22, $0.0e+00;
	vm15 =	vmor vm4, vm12  }
0x51: {  	vm10 =	vge.f32 v20, $0.0e+00;
	v20 =	vsub.f32 $0.0e+00, v20;
	vm13 =	vgt.s32 v4, $0x0  }
0x52: {  	vm14 =	vgt.s32 v7, $0x0;
	v23 =	vsel vm7, v23, v15;
	vm7 =	vge.f32 v9, $0.0e+00  }
0x53: {  	v26 =	vsel vm10, v22, v19;
	v33 =	vsel vm10, $0x2, v1;
	v34 =	vsel vm8, $0x4, v2  }
0x54: {  	v14 =	vnsel vm13, $0x0, v4;
	v15 =	vnsel vm14, $0x0, v7;
	v21 =	vsel vm6, v23, v21  }
0x55: {  	vm6 =	vge.f32 v11, $0.0e+00;
	v23 =	vsub.f32 $0.0e+00, v10;
	v11 =	vsub.f32 $0.0e+00, v11  }
0x56: {  	vm14 =	vge.f32 v12, $0.0e+00;
	vm13 =	vge.f32 v13, $0.0e+00;
	v13 =	vsub.f32 $0.0e+00, v13  }
0x57: {  	v20 =	vsel vm3, v26, v20;
	v32 =	vsel vm7, $0x4, v2;
	v33 =	vsel vm3, v33, v34  }
0x58: {  	v7 =	vcvt.s32.f32 v7;
	vm9 =	vmneg vm14;
	v35 =	vmin.u32 v15, $0x3FE  }
0x59: {  	v21 =	vshll.u32 v21, $0x14;
	v15 =	vmin.u32 v15, $0x3FF;
	v10 =	vsel vm15, v10, v23  }
0x5a: {  	vm15 =	vmor vm5, vm7;
	v36 =	vsel vm9, $0x1, v0;
	v35 =	vadd.s32 $0x1, v35  }
0x5b: {  	v45 =	vshll.u32 v15, $0xA;
	v15 =	vshll.u32 v15, $0x7;
	v12 =	vsel vm15, v12, v24  }
0x5c: {  	vm15 =	vmor vm3, vm8;
	v24 =	vsel vm6, $0x2, v1;
	v38 =	vshll.u32 v35, $0xA  }
0x5d: {  	v35 =	vshll.u32 v35, $0x7;
	v45 =	vand.u32 $0xFE000, v45;
	v15 =	vand.u32 $0x380, v15  }
0x5e: {  	v23 =	vsel vm15, v18, v25;
	vm15 =	vge.f32 v18, $0.0e+00;
	v18 =	vsel vm6, v8, v16  }
0x5f: {  	v25 =	vsel vm13, v9, v17;
	v8 =	vsel vm11, v8, v16;
	v9 =	vsel vm9, v9, v17  }
0x60: {  	v38 =	vand.u32 $0x1FE000, v38;
	v35 =	vand.u32 $0x380, v35;
	v15 =	vor.u32 v45, v15  }
0x61: {  	vm6 =	vmneg vm15;
	v11 =	vsel vm4, v18, v11;
	v13 =	vsel vm5, v25, v13  }
0x62: {  	v8 =	vsel vm0, v10, v8;
	v9 =	vsel vm1, v12, v9;
	v38 =	vadd.s32 v21, v38  }
0x63: {  	v15 =	vor.u32 v21, v15;
	v17 =	vsel vm6, v22, v19;
	v55 =	vsel vm6, $0x1, v0  }
0x64: {  	v35 =	vor.u32 v35, v38;
	v18 =	vpop (erf);
	v12 =	vsel vm2, v23, v17;
	v33 =	vsel vm2, v33, v55  }
0x65: {  	v16 =	vpop (erf);
	v11 =	vmul.f32 v18, v11;
	v8 =	vmul.f32 v18, v8;
	v18 =	vsel vm13, $0x2, v1  }
0x66: {  	v33 =	vshll.u32 v33, $0x14;
	v10 =	vpop (erf);
	v13 =	vmul.f32 v16, v13;
	v9 =	vmul.f32 v16, v9  }
0x67: {  	v16 =	vsel vm12, $0x4, v2;
	v17 =	vmul.f32 v10, v20;
	v11 =	vmul.f32 $5.120000000e+02, v11  }
0x68: {  	v18 =	vsel vm5, v18, v32;
	v12 =	vmul.f32 v10, v12;
	v19 =	vmul.f32 $5.120000000e+02, v8  }
0x69: {  	v24 =	vsel vm4, v24, v16;
	v16 =	vmin.u32 v14, $0x3FE;
	v36 =	vsel vm1, v18, v36  }
0x6a: {  	v14 =	vmin.u32 v14, $0x3FF;
	v13 =	vmul.f32 $5.120000000e+02, v13;
	v16 =	vadd.s32 $0x1, v16  }
0x6b: {  	v24 =	vsel vm0, v24, v54;
	v36 =	vshll.u32 v36, $0x14;
	v55 =	vshll.u32 v14, $0x3  }
0x6c: {  	v17 =	vmul.f32 $5.120000000e+02, v17;
	v10 =	vadd.f32 $5.115000000e+02, v11;
	v11 =	vmul.f32 $5.120000000e+02, v9  }
0x6d: {  	v12 =	vmul.f32 $5.120000000e+02, v12;
	v37 =	vand.u32 $0x7F, v16;
	v39 =	vshll.u32 v16, $0x3  }
0x6e: {  	v24 =	vshll.u32 v24, $0x14;
	v9 =	vadd.f32 $5.115000000e+02, v13;
	v13 =	vadd.f32 $5.115000000e+02, v19  }
0x6f: {  	v39 =	vand.u32 $0x3C00, v39;
	v8 =	vadd.f32 $5.115000000e+02, v17;
	v17 =	vtrunc.f32 v10  }
0x70: {  	v11 =	vadd.f32 $5.115000000e+02, v11;
	v12 =	vadd.f32 $5.115000000e+02, v12;
	v34 =	vor.u32 v37, v39  }
0x71: {  	v19 =	vtrunc.f32 v9;
	v22 =	vcvt.f32.s32 v17;
	vm12 =	vlt.f32 v10, v17  }
0x72: {  	v56 =	vadd.s32 v34, v35;
	v20 =	vtrunc.f32 v8;
	v17 =	vcvt.f32.s32 v19  }
0x73: {  	vm13 =	vlt.f32 v9, v19;
	v19 =	vsel vm12, $0xFFFFFFFF, v0;
	v25 =	vtrunc.f32 v11  }
0x74: {  	v27 =	vtrunc.f32 v12;
	v18 =	vshrl.u32 v56, $0x1;
	v23 =	vcvt.f32.s32 v20  }
0x75: {  	vm12 =	vlt.f32 v8, v20;
	v20 =	vtrunc.f32 v13;
	v26 =	vsel vm13, $0xFFFFFFFF, v0  }
0x76: {  	vm13 =	vlt.f32 v11, v25;
	v22 =	vadd.s32 v22, v19;
	v28 =	vsel vm12, $0xFFFFFFFF, v0  }
0x77: {  	v29 =	vcvt.f32.s32 v20;
	vm12 =	vlt.f32 v13, v20;
	v20 =	vcvt.f32.s32 v25  }
0x78: {  	v25 =	vcvt.f32.s32 v27;
	v19 =	vadd.s32 v17, v26;
	v30 =	vsel vm12, $0xFFFFFFFF, v0  }
0x79: {  	vm12 =	vlt.f32 v12, v27;
	v17 =	vadd.s32 v23, v28;
	v23 =	vsel vm13, $0xFFFFFFFF, v0  }
0x7a: {  	vm13 =	vgt.s32 v19, $0x0;
	v26 =	vsel vm12, $0xFFFFFFFF, v0;
	vm12 =	vgt.s32 v22, $0x0  }
0x7b: {  	v28 =	vadd.s32 v29, v30;
	v20 =	vadd.s32 v20, v23;
	v27 =	vnsel vm12, $0x0, v22  }
0x7c: {  	vm12 =	vgt.s32 v17, $0x0;
	v23 =	vadd.s32 v25, v26;
	v25 =	vnsel vm13, $0x0, v19  }
0x7d: {  	vm13 =	vgt.s32 v20, $0x0;
	v19 =	vcvt.s32.f32 v19;
	v26 =	vnsel vm12, $0x0, v17  }
0x7e: {  	vm12 =	vgt.s32 v28, $0x0;
	v30 =	vnsel vm13, $0x0, v20;
	v57 =	vmin.u32 v27, $0x3FE  }
0x7f: {  	v58 =	vmin.u32 v25, $0x3FE;
	v27 =	vmin.u32 v27, $0x3FF;
	v25 =	vmin.u32 v25, $0x3FF  }
0x80: {  	v20 =	vcvt.s32.f32 v20;
	v17 =	vcvt.s32.f32 v17;
	v29 =	vnsel vm12, $0x0, v28  }
0x81: {  	vm12 =	vgt.s32 v23, $0x0;
	v59 =	vmin.u32 v26, $0x3FE;
	v32 =	vadd.s32 $0x1, v57  }
0x82: {  	v37 =	vadd.s32 $0x1, v58;
	v40 =	vmin.u32 v30, $0x3FE;
	v26 =	vmin.u32 v26, $0x3FF  }
0x83: {  	v61 =	vshll.u32 v27, $0xA;
	v27 =	vshll.u32 v27, $0x7;
	v62 =	vshll.u32 v25, $0xA  }
0x84: {  	v25 =	vshll.u32 v25, $0x7;
	v50 =	vmin.u32 v30, $0x3FF;
	v58 =	vcvt.s32.f32 v28  }
0x85: {  	v28 =	vand.u32 $0x7F, v14;
	v31 =	vnsel vm12, $0x0, v23;
	v38 =	vadd.s32 $0x1, v59  }
0x86: {  	v60 =	vmin.u32 v29, $0x3FE;
	v42 =	vshll.u32 v32, $0xA;
	v43 =	vshll.u32 v37, $0xA  }
0x87: {  	v48 =	vadd.s32 $0x1, v40;
	v63 =	vshll.u32 v26, $0xA;
	v26 =	vshll.u32 v26, $0x7  }
0x88: {  	v29 =	vmin.u32 v29, $0x3FF;
	v39 =	vand.u32 $0xFE000, v61;
	v27 =	vand.u32 $0x380, v27  }
0x89: {  	v32 =	vshll.u32 v32, $0x7;
	v40 =	vand.u32 $0xFE000, v62;
	v25 =	vand.u32 $0x380, v25  }
0x8a: {  	v37 =	vshll.u32 v37, $0x7;
	v53 =	vshll.u32 v50, $0x3;
	v56 =	vand.u32 $0x7F, v50  }
0x8b: {  	[tilespmem:s31+$0x1C30] =	vst v18;
	v59 =	vcvt.s32.f32 v22;
	v61 =	vcvt.s32.f32 v4;
	v18 =	vsub.f32 v11, v20  }
0x8c: {  	v41 =	vmin.u32 v31, $0x3FE;
	v47 =	vadd.s32 $0x1, v60;
	v44 =	vshll.u32 v38, $0xA  }
0x8d: {  	v31 =	vmin.u32 v31, $0x3FF;
	v30 =	vand.u32 $0x1FE000, v42;
	v0 =	vand.u32 $0x1FE000, v43  }
0x8e: {  	v46 =	vshll.u32 v48, $0x3;
	v26 =	vand.u32 $0x380, v26;
	v38 =	vshll.u32 v38, $0x7  }
0x8f: {  	v52 =	vshll.u32 v29, $0x3;
	v27 =	vor.u32 v39, v27;
	v32 =	vand.u32 $0x380, v32  }
0x90: {  	v25 =	vor.u32 v40, v25;
	v37 =	vand.u32 $0x380, v37;
	v60 =	vcvt.s32.f32 v23  }
0x91: {  	v13 =	vsub.f32 v13, v58;
	v49 =	vadd.s32 $0x1, v41;
	v1 =	vshll.u32 v47, $0x3  }
0x92: {  	v44 =	vand.u32 $0x1FE000, v44;
	v41 =	vand.u32 $0xFE000, v63;
	v54 =	vshll.u32 v31, $0x3  }
0x93: {  	v30 =	vadd.s32 v24, v30;
	v42 =	vadd.s32 v36, v0;
	v38 =	vand.u32 $0x380, v38  }
0x94: {  	v45 =	vand.u32 $0x7F, v47;
	v0 =	vand.u32 $0x7F, v29;
	v57 =	vand.u32 $0x7F, v31  }
0x95: {  	v24 =	vor.u32 v24, v27;
	v25 =	vor.u32 v36, v25;
	v51 =	vshll.u32 v49, $0x3  }
0x96: {  	v43 =	vand.u32 $0x3C00, v1;
	v39 =	vadd.s32 v33, v44;
	v44 =	vand.u32 $0x3C00, v46  }
0x97: {  	v26 =	vor.u32 v41, v26;
	v41 =	vand.u32 $0x1C00, v52;
	v46 =	vand.u32 $0x1C00, v53  }
0x98: {  	v52 =	vand.u32 $0x1C00, v54;
	v2 =	vand.u32 $0x7F, v49;
	v54 =	vand.u32 $0x1C00, v55  }
0x99: {  	v30 =	vor.u32 v32, v30;
	v1 =	vor.u32 v37, v42;
	v20 =	vsub.f32 v12, v60  }
0x9a: {  	v32 =	vshll.u32 v47, $0x2;
	[tilespmem:s31+$0x2800] =	vst v13;
	v13 =	vsub.f32 v8, v17;
	v8 =	vsub.f32 v6, v7  }
0x9b: {  	v40 =	vand.u32 $0x3C00, v51;
	v51 =	vand.u32 $0x7F, v48;
	v23 =	vor.u32 v38, v39  }
0x9c: {  	v4 =	vor.u32 v45, v43;
	v26 =	vor.u32 v33, v26;
	v55 =	vor.u32 v0, v41  }
0x9d: {  	v56 =	vor.u32 v56, v46;
	v21 =	vor.u32 v57, v52;
	v62 =	vor.u32 v28, v54  }
0x9e: {  	v33 =	vadd.s32 v34, v15;
	v34 =	vshll.u32 v48, $0x2;
	v27 =	vor.u32 v51, v44  }
0x9f: {  	v2 =	vor.u32 v2, v40;
	v22 =	vor.u32 v55, v30;
	v46 =	vadd.s32 v4, v30  }
0xa0: {  	v63 =	vld [tilespmem:s31+$0xC00];
	v45 =	vor.u32 v56, v1;
	v44 =	vor.u32 v21, v23;
	v28 =	vor.u32 v62, v35  }
0xa1: {  	v42 =	vor.u32 v55, v24;
	v39 =	vadd.s32 v4, v24;
	v36 =	vor.u32 v21, v26;
	v21 =	vld [tilespmem:s31+$0xC10]  }
0xa2: {  	v38 =	vor.u32 v56, v25;
	v43 =	vadd.s32 v27, v1;
	v40 =	vadd.s32 v27, v25;
	v27 =	vld [tilespmem:s31+$0xC20]  }
0xa3: {  	v37 =	vor.u32 v62, v15;
	v30 =	vshll.u32 v29, $0x2;
	v24 =	vshll.u32 v50, $0x2  }
0xa4: {  	v4 =	vld [tilespmem:s31+$0xC30];
	v29 =	vshll.u32 v14, $0x2;
	v15 =	vsub.f32 v9, v19;
	v14 =	vsub.f32 v5, v61  }
0xa5: {  	v41 =	vadd.s32 v2, v23;
	v25 =	vshll.u32 v16, $0x2;
	v16 =	vsub.f32 v10, v59  }
0xa6: {  	v35 =	vadd.s32 v2, v26;
	v26 =	vshll.u32 v49, $0x2;
	v10 =	vcvt.s32.f32 v63  }
0xa7: {  	s2 =	simm.s32 $0x100;
	s0 =	simm.s32 $0x0;
	v23 =	vshll.u32 v31, $0x2;
	[tilespmem:s31+$0x2C00] =	vst v16;
	v11 =	vcvt.s32.f32 v21;
	v12 =	vcvt.s32.f32 v27  }
.LBB2_3:
0xa8: {  	s3 =	sshra.s32 s2, $0x2;
	v5 =	vshrl.u32 v22, $0x1;
	v6 =	vshrl.u32 v46, $0x1;
	[tilespmem:s31+$0x2810] =	vst v18  }
0xa9: {  	v22 =	vcvt.s32.f32 v4;
	v4 =	vshrl.u32 v45, $0x1;
	v7 =	vshrl.u32 v44, $0x1;
	v9 =	vld [tilespmem:s3+$0x30];
	[tilespmem:s31+$0x1800] =	vst v5  }
0xaa: {  	v19 =	vshrl.u32 v42, $0x1;
	v31 =	vshrl.u32 v28, $0x1;
	v39 =	vshrl.u32 v39, $0x1;
	v27 =	vld [tilespmem:s3+$0x430];
	[tilespmem:s31+$0x1C00] =	vst v6  }
0xab: {  	v38 =	vshrl.u32 v38, $0x1;
	v40 =	vshrl.u32 v40, $0x1;
	v35 =	vshrl.u32 v35, $0x1;
	v28 =	vld [tilespmem:s3+$0x830];
	[tilespmem:s31+$0x1810] =	vst v4  }
0xac: {  	v53 =	vshrl.u32 v37, $0x1;
	v33 =	vshrl.u32 v33, $0x1;
	v30 =	vand.u32 $0x4, v30;
	[tilespmem:s31+$0x1820] =	vst v7;
	v16 =	vld [tilespmem:s3+$0x0]  }
0xad: {  	v54 =	vand.u32 $0x4, v26;
	v55 =	vand.u32 $0x4, v25;
	v5 =	vshrl.u32 v43, $0x1;
	[tilespmem:s31+$0x1830] =	vst v31;
	v21 =	vld [tilespmem:s3+$0x400]  }
0xae: {  	v56 =	vand.u32 $0x4, v24;
	v57 =	vand.u32 $0x4, v23;
	v6 =	vshrl.u32 v41, $0x1;
	[tilespmem:s31+$0x1C10] =	vst v5;
	v17 =	vld [tilespmem:s3+$0x800]  }
0xaf: {  	v0 =	vimm.s32 $0x0;
	v49 =	vimm.s32 $0x0;
	v50 =	vimm.s32 $0x0;
	[tilespmem:s31+$0x1C20] =	vst v6;
	v18 =	vld [tilespmem:s3+$0x10]  }
0xb0: {  	v52 =	vimm.s32 $0x0;
	v1 =	vimm.s32 $0x3;
	v2 =	vimm.s32 $0x5;
	[tilespmem:s31+$0x1000] =	vst v19;
	v25 =	vld [tilespmem:s3+$0x410]  }
0xb1: {  	v4 =	vshrl.u32 v36, $0x1;
	[tilespmem:s31+$0x1400] =	vst v39;
	v23 =	vld [tilespmem:s3+$0x20];
	v7 =	vand.u32 $0x7FFFFFFF, v9;
	v6 =	vand.u32 $0x7FFFFFFF, v27  }
0xb2: {  	v5 =	vld [tilespmem:s3+$0xC00];
	[tilespmem:s31+$0x2000] =	vst v30;
	v31 =	vand.u32 $0x7FFFFFFF, v28;
	vm13 =	vge.f32 v9, $0.0e+00;
	v30 =	vsub.f32 $0.0e+00, v28  }
0xb3: {  	v26 =	vld [tilespmem:s3+$0x420];
	v51 =	vsub.f32 $0.0e+00, v9;
	vm0 =	vge.f32 v7, v6;
	vm1 =	vge.f32 v7, v31  }
0xb4: {  	v24 =	vld [tilespmem:s3+$0x820];
	v58 =	vand.u32 $0x7FFFFFFF, v16;
	vm0 =	vmneg vm0;
	vm1 =	vmneg vm1  }
0xb5: {  	v59 =	vand.u32 $0x7FFFFFFF, v21;
	vm14 =	vge.f32 v6, v31;
	vm6 =	vmor vm0, vm1  }
0xb6: {  	v60 =	vand.u32 $0x7FFFFFFF, v17;
	vm15 =	vge.f32 v58, v59;
	vm7 =	vmand vm14, vm6  }
0xb7: {  	[tilespmem:s31+$0x1020] =	vst v4;
	v61 =	vand.u32 $0x7FFFFFFF, v18;
	vm8 =	vge.f32 v58, v60;
	v4 =	vsel vm7, v6, v31  }
0xb8: {  	v62 =	vand.u32 $0x7FFFFFFF, v25;
	v63 =	vand.u32 $0x7FFFFFFF, v23;
	v4 =	vsel vm6, v4, v7  }
0xb9: {  	v19 =	vld [tilespmem:s3+$0x810];
	v47 =	vand.u32 $0x7FFFFFFF, v26;
	v48 =	vand.u32 $0x7FFFFFFF, v24;
	v46 =	vadd.f32 $1.000000000e-30, v4  }
0xba: {  	vm11 =	vge.f32 v59, v60;
	vm2 =	vge.f32 v61, v62;
	vm1 =	vmneg vm15  }
0xbb: {  	vm0 =	vmneg vm8;
	vm4 =	vge.f32 v63, v47;
	(erf) = vrcp.f32 v46  }
0xbc: {  	[tilespmem:s31+$0x1030] =	vst v53;
	vm5 =	vge.f32 v63, v48;
	vm8 =	vge.f32 v47, v48;
	vm15 =	vge.f32 v16, $0.0e+00  }
0xbd: {  	[tilespmem:s31+$0x1430] =	vst v33;
	vm2 =	vmneg vm2;
	vm9 =	vmneg vm4;
	vm10 =	vmneg vm5  }
0xbe: {  	[tilespmem:s31+$0x1010] =	vst v38;
	vm0 =	vmor vm1, vm0;
	v31 =	vand.u32 $0x7FFFFFFF, v19;
	vm1 =	vmor vm9, vm10  }
0xbf: {  	[tilespmem:s31+$0x1410] =	vst v40;
	vm5 =	vmand vm11, vm0;
	v0 =	vsel vm0, $0xFFFFFFFF, v0;
	vm9 =	vge.f32 v28, $0.0e+00  }
0xc0: {  	[tilespmem:s31+$0x1420] =	vst v35;
	vm10 =	vmneg vm13;
	vm11 =	vge.f32 v27, $0.0e+00;
	v27 =	vsub.f32 $0.0e+00, v27  }
0xc1: {  	v6 =	vld [tilespmem:s3+$0xC10];
	[tilespmem:s31+$0x2C10] =	vst v15;
	vm3 =	vge.f32 v61, v31;
	vm12 =	vge.f32 v62, v31;
	vm4 =	vmand vm8, vm1  }
0xc2: {  	v7 =	vld [tilespmem:s3+$0xC20];
	vm14 =	vmor vm7, vm9;
	v15 =	vsel vm10, v28, v30;
	[tilespmem:s31+$0x2820] =	vst v20;
	v20 =	vsel vm5, v59, v60  }
0xc3: {  	v4 =	vld [tilespmem:s3+$0xC30];
	vm3 =	vmneg vm3;
	v9 =	vsel vm14, v9, v51;
	[tilespmem:s31+$0x2830] =	vst v14;
	v14 =	vsel vm0, v20, v58  }
0xc4: {  	[tilespmem:s31+$0x3000] =	vst v10;
	v20 =	vsel vm4, v47, v48;
	v9 =	vsel vm6, v9, v15;
	v15 =	vsel vm11, v28, v30;
	v28 =	vpop (erf)  }
0xc5: {  	[tilespmem:$0x1FFB0] =	vst v0;
	vm2 =	vmor vm2, vm3;
	v15 =	vsel vm7, v15, v27;
	v9 =	vmul.f32 v28, v9  }
0xc6: {  	[tilespmem:s31+$0x2C20] =	vst v13;
	v10 =	vadd.f32 $1.000000000e-30, v14;
	vm3 =	vmand vm12, vm2;
	v15 =	vmul.f32 v28, v15  }
0xc7: {  	[tilespmem:s31+$0x2C30] =	vst v8;
	v0 =	vsel vm3, $0xFFFFFFFF, v49;
	v13 =	vsel vm3, v62, v31;
	v9 =	vmul.f32 $5.120000000e+02, v9  }
0xc8: {  	[tilespmem:$0x1FFD0] =	vst v0;
	v0 =	vsel vm2, $0xFFFFFFFF, v50;
	v8 =	vsel vm2, v13, v61;
	v15 =	vmul.f32 $5.120000000e+02, v15  }
0xc9: {  	[tilespmem:s31+$0x3010] =	vst v11;
	v13 =	vsel vm1, v20, v63;
	v14 =	vadd.f32 $1.000000000e-30, v8;
	v8 =	vadd.f32 $5.115000000e+02, v9  }
0xca: {  	[tilespmem:$0x1FFC0] =	vst v0;
	v0 =	vsel vm15, $0xFFFFFFFF, v52;
	(erf) = vrcp.f32 v10;
	v9 =	vadd.f32 $5.115000000e+02, v15  }
0xcb: {  	[tilespmem:s31+$0x3020] =	vst v12;
	v11 =	vadd.f32 $1.000000000e-30, v13;
	(erf) = vrcp.f32 v14;
	v10 =	vtrunc.f32 v8  }
0xcc: {  	[tilespmem:$0x1FFA0] =	vst v0;
	v0 =	vimm.s32 $0x0;
	v13 =	vtrunc.f32 v9;
	v12 =	vcvt.f32.s32 v10  }
0xcd: {  	v14 =	vcvt.f32.s32 v13;
	vm12 =	vlt.f32 v8, v10;
	vm13 =	vlt.f32 v9, v13  }
0xce: {  	(erf) = vrcp.f32 v11;
	v10 =	vsel vm12, $0xFFFFFFFF, v0;
	v13 =	vsel vm13, $0xFFFFFFFF, v0  }
0xcf: {  	v11 =	vsel vm11, $0x2, v1;
	v12 =	vadd.s32 v12, v10;
	v13 =	vadd.s32 v14, v13  }
0xd0: {  	v10 =	vsel vm9, $0x4, v2;
	vm3 =	vgt.s32 v12, $0x0;
	vm12 =	vgt.s32 v13, $0x0  }
0xd1: {  	[tilespmem:s31+$0x3030] =	vst v22;
	v14 =	vsel vm10, $0x1, v0;
	v22 =	vnsel vm3, $0x0, v12;
	v27 =	vnsel vm12, $0x0, v13  }
0xd2: {  	v10 =	vsel vm7, v11, v10;
	v11 =	vmin.u32 v22, $0x3FE;
	v15 =	vmin.u32 v27, $0x3FE  }
0xd3: {  	v14 =	vsel vm6, v10, v14;
	v10 =	vadd.s32 $0x1, v11;
	v11 =	vadd.s32 $0x1, v15  }
0xd4: {  	[tilespmem:s31+$0x2420] =	vst v54;
	v14 =	vshll.u32 v14, $0x14;
	v15 =	vand.u32 $0x7F, v10;
	v31 =	vshll.u32 v11, $0xA  }
0xd5: {  	[tilespmem:s31+$0x2430] =	vst v55;
	v54 =	vshll.u32 v10, $0x3;
	v11 =	vshll.u32 v11, $0x7;
	v55 =	vand.u32 $0x1FE000, v31  }
0xd6: {  	[tilespmem:s31+$0x2010] =	vst v56;
	v33 =	vand.u32 $0x3C00, v54;
	v56 =	vand.u32 $0x380, v11;
	v3 =	vadd.s32 v14, v55  }
0xd7: {  	v11 =	vor.u32 v15, v33;
	v15 =	vor.u32 v56, v3;
	v3 =	vld [tilespmem:$0x1FFD0];
	_ =	sdelay $0x1  }
0xd8: {  	v32 =	vand.u32 $0x4, v32  }
0xd9: {  	v34 =	vand.u32 $0x4, v34;
	v29 =	vand.u32 $0x4, v29;
	[tilespmem:s31+$0x2020] =	vst v57;
	v57 =	vsub.f32 $0.0e+00, v16  }
0xda: {  	vm8 =	vmmov vm1;
	v59 =	vsub.f32 $0.0e+00, v23;
	[tilespmem:s31+$0x2030] =	vst v29;
	v29 =	vsub.f32 $0.0e+00, v24  }
0xdb: {  	vm14 =	vge.f32 v25, $0.0e+00;
	vm0 =	vnez.u8 v3;
	v3 =	vimm.s32 $0x0  }
0xdc: {  	v58 =	vsub.f32 $0.0e+00, v18;
	v25 =	vsub.f32 $0.0e+00, v25;
	v3 =	vsel vm4, $0xFFFFFFFF, v3  }
0xdd: {  	vm15 =	vge.f32 v23, $0.0e+00;
	v28 =	vsub.f32 $0.0e+00, v19;
	vm11 =	vge.f32 v24, $0.0e+00;
	[tilespmem:$0x1FFE0] =	vst v3;
	v3 =	vld [tilespmem:$0x1FFA0]  }
0xde: {  	v20 =	vsub.f32 $0.0e+00, v17;
	vm15 =	vmneg vm15;
	vm2 =	vmor vm4, vm11  }
0xdf: {  	v61 =	vsel vm14, v19, v28;
	v23 =	vsel vm2, v23, v59;
	vm13 =	vge.f32 v17, $0.0e+00  }
0xe0: {  	vm9 =	vge.f32 v19, $0.0e+00;
	vm10 =	vge.f32 v26, $0.0e+00;
	v26 =	vsub.f32 $0.0e+00, v26  }
0xe1: {  	v62 =	vsel vm10, v24, v29;
	vm12 =	vge.f32 v21, $0.0e+00;
	v21 =	vsub.f32 $0.0e+00, v21  }
0xe2: {  	vm6 =	vge.f32 v18, $0.0e+00;
	vm3 =	vmor vm5, vm13;
	vm7 =	vnez.u8 v3;
	v3 =	vld [tilespmem:$0x1FFB0]  }
0xe3: {  	v26 =	vsel vm4, v62, v26;
	v60 =	vsel vm12, v17, v20;
	vm6 =	vmneg vm6  }
0xe4: {  	v16 =	vsel vm3, v16, v57;
	v63 =	vsel vm12, $0x2, v1;
	v57 =	vsel vm10, $0x2, v1  }
0xe5: {  	[tilespmem:s31+$0x2410] =	vst v34;
	v21 =	vsel vm5, v60, v21;
	v19 =	vsel vm6, v19, v28;
	v34 =	vadd.s32 v11, v15  }
0xe6: {  	v56 =	vsel vm9, $0x4, v2;
	v34 =	vshrl.u32 v34, $0x1;
	vm1 =	vmor vm0, vm9  }
0xe7: {  	v30 =	vpop (erf);
	v25 =	vsel vm0, v61, v25;
	vm7 =	vmneg vm7;
	vm4 =	vnez.u8 v3;
	v3 =	vld [tilespmem:$0x1FFC0]  }
0xe8: {  	v53 =	vpop (erf);
	v18 =	vsel vm1, v18, v58;
	v58 =	vsel vm11, $0x4, v2;
	v17 =	vsel vm7, v17, v20  }
0xe9: {  	v16 =	vsel vm4, v16, v17;
	v17 =	vmul.f32 v30, v21;
	v21 =	vmul.f32 v53, v25  }
0xea: {  	v20 =	vsel vm15, v24, v29;
	v16 =	vmul.f32 v30, v16;
	v30 =	vsel vm13, $0x4, v2  }
0xeb: {  	v17 =	vmul.f32 $5.120000000e+02, v17;
	v21 =	vmul.f32 $5.120000000e+02, v21;
	v33 =	vsel vm5, v63, v30  }
0xec: {  	v31 =	vpop (erf);
	v24 =	vmul.f32 $5.120000000e+02, v16;
	vm3 =	vnez.u8 v3;
	v3 =	vcvt.s32.f32 v12  }
0xed: {  	v18 =	vsel vm3, v18, v19;
	v19 =	vsel vm8, v23, v20;
	v20 =	vmul.f32 v31, v26  }
0xee: {  	v23 =	vmul.f32 v53, v18;
	v19 =	vmul.f32 v31, v19;
	v18 =	vadd.f32 $5.115000000e+02, v17  }
0xef: {  	v31 =	vsel vm14, $0x2, v1;
	v17 =	vadd.f32 $5.115000000e+02, v21;
	v20 =	vmul.f32 $5.120000000e+02, v20  }
0xf0: {  	v21 =	vadd.f32 $5.115000000e+02, v24;
	v23 =	vmul.f32 $5.120000000e+02, v23;
	v24 =	vtrunc.f32 v18  }
0xf1: {  	v19 =	vmul.f32 $5.120000000e+02, v19;
	v16 =	vadd.f32 $5.115000000e+02, v20;
	v26 =	vcvt.f32.s32 v24  }
0xf2: {  	vm13 =	vlt.f32 v18, v24;
	v20 =	vadd.f32 $5.115000000e+02, v23;
	v23 =	vtrunc.f32 v17  }
0xf3: {  	v19 =	vadd.f32 $5.115000000e+02, v19;
	v28 =	vsel vm13, $0xFFFFFFFF, v0;
	v25 =	vtrunc.f32 v16  }
0xf4: {  	v24 =	vcvt.f32.s32 v23;
	vm14 =	vlt.f32 v17, v23;
	v23 =	vcvt.f32.s32 v25  }
0xf5: {  	vm12 =	vlt.f32 v16, v25;
	v25 =	vtrunc.f32 v21;
	v29 =	vtrunc.f32 v20  }
0xf6: {  	v44 =	vsel vm14, $0xFFFFFFFF, v0;
	v45 =	vtrunc.f32 v19;
	v46 =	vsel vm12, $0xFFFFFFFF, v0  }
0xf7: {  	v47 =	vcvt.f32.s32 v25;
	vm13 =	vlt.f32 v21, v25;
	v48 =	vcvt.f32.s32 v29  }
0xf8: {  	vm14 =	vlt.f32 v20, v29;
	v49 =	vcvt.f32.s32 v45;
	vm12 =	vlt.f32 v19, v45  }
0xf9: {  	v25 =	vadd.s32 v26, v28;
	v24 =	vadd.s32 v24, v44;
	v23 =	vadd.s32 v23, v46  }
0xfa: {  	v26 =	vsel vm13, $0xFFFFFFFF, v0;
	v28 =	vsel vm14, $0xFFFFFFFF, v0;
	v50 =	vsel vm12, $0xFFFFFFFF, v0  }
0xfb: {  	vm13 =	vgt.s32 v25, $0x0;
	vm14 =	vgt.s32 v24, $0x0;
	vm12 =	vgt.s32 v23, $0x0  }
0xfc: {  	v29 =	vadd.s32 v47, v26;
	v28 =	vadd.s32 v48, v28;
	v26 =	vadd.s32 v49, v50  }
0xfd: {  	v51 =	vnsel vm13, $0x0, v25;
	v52 =	vnsel vm14, $0x0, v24;
	v48 =	vmin.u32 v27, $0x3FF  }
0xfe: {  	v49 =	vsel vm7, $0x1, v0;
	v50 =	vsel vm6, $0x1, v0;
	v35 =	vnsel vm12, $0x0, v23  }
0xff: {  	v61 =	vld [tilespmem:$0x1FFD0];
	vm13 =	vgt.s32 v29, $0x0;
	vm14 =	vgt.s32 v28, $0x0;
	vm12 =	vgt.s32 v26, $0x0  }
0x100: {  	[tilespmem:s31+$0x2400] =	vst v32;
	s31 =	smov.u32 s3;
	v62 =	vld [tilespmem:$0x1FFE0];
	v53 =	vmin.u32 v51, $0x3FE;
	v54 =	vmin.u32 v52, $0x3FE;
	v32 =	vmin.u32 v51, $0x3FF  }
0x101: {  	[tilespmem:s31+$0x1C30] =	vst v34;
	v34 =	vmin.u32 v52, $0x3FF;
	v52 =	vsel vm15, $0x1, v0;
	v33 =	vsel vm4, v33, v49  }
0x102: {  	v49 =	vmin.u32 v22, $0x3FF;
	v55 =	vmin.u32 v35, $0x3FE;
	v39 =	vnsel vm13, $0x0, v29  }
0x103: {  	v40 =	vnsel vm14, $0x0, v28;
	v41 =	vnsel vm12, $0x0, v26;
	v36 =	vadd.s32 $0x1, v53  }
0x104: {  	v37 =	vadd.s32 $0x1, v54;
	v35 =	vmin.u32 v35, $0x3FF;
	vm13 =	vnez.u8 v61  }
0x105: {  	vm14 =	vnez.u8 v62;
	v0 =	vshll.u32 v32, $0xA;
	v32 =	vshll.u32 v32, $0x7  }
0x106: {  	v1 =	vshll.u32 v34, $0xA;
	v34 =	vshll.u32 v34, $0x7;
	v54 =	vshll.u32 v48, $0xA  }
0x107: {  	v48 =	vshll.u32 v48, $0x7;
	v33 =	vshll.u32 v33, $0x14;
	v29 =	vcvt.s32.f32 v29  }
0x108: {  	v38 =	vadd.s32 $0x1, v55;
	v59 =	vmin.u32 v39, $0x3FE;
	v60 =	vmin.u32 v40, $0x3FE  }
0x109: {  	v47 =	vmin.u32 v41, $0x3FE;
	v42 =	vsel vm13, v31, v56;
	v43 =	vsel vm14, v57, v58  }
0x10a: {  	v63 =	vshll.u32 v36, $0xA;
	v51 =	vshll.u32 v37, $0xA;
	v2 =	vshll.u32 v35, $0xA  }
0x10b: {  	v35 =	vshll.u32 v35, $0x7;
	v55 =	vmin.u32 v39, $0x3FF;
	v56 =	vmin.u32 v40, $0x3FF  }
0x10c: {  	v57 =	vmin.u32 v41, $0x3FF;
	v32 =	vand.u32 $0x380, v32;
	v36 =	vshll.u32 v36, $0x7  }
0x10d: {  	v46 =	vand.u32 $0xFE000, v1;
	v34 =	vand.u32 $0x380, v34;
	v37 =	vshll.u32 v37, $0x7  }
0x10e: {  	v48 =	vand.u32 $0x380, v48;
	v58 =	vshll.u32 v49, $0x3;
	v27 =	vadd.s32 $0x1, v59  }
0x10f: {  	v53 =	vshll.u32 v38, $0xA;
	v30 =	vadd.s32 $0x1, v60;
	v31 =	vadd.s32 $0x1, v47  }
0x110: {  	v59 =	vsel vm3, v42, v50;
	v22 =	vand.u32 $0x1FE000, v63;
	v40 =	vand.u32 $0x1FE000, v51  }
0x111: {  	v41 =	vsel vm8, v43, v52;
	v43 =	vand.u32 $0xFE000, v0;
	v47 =	vand.u32 $0xFE000, v2  }
0x112: {  	v35 =	vand.u32 $0x380, v35;
	v38 =	vshll.u32 v38, $0x7;
	v63 =	vand.u32 $0xFE000, v54  }
0x113: {  	v0 =	vshll.u32 v55, $0x3;
	v1 =	vshll.u32 v56, $0x3;
	v2 =	vshll.u32 v57, $0x3  }
0x114: {  	v36 =	vand.u32 $0x380, v36;
	v34 =	vor.u32 v46, v34;
	v37 =	vand.u32 $0x380, v37  }
0x115: {  	v54 =	vand.u32 $0x1C00, v58;
	v58 =	vand.u32 $0x7F, v55;
	v42 =	vshll.u32 v27, $0x3  }
0x116: {  	v60 =	vand.u32 $0x1FE000, v53;
	v61 =	vshll.u32 v30, $0x3;
	v62 =	vshll.u32 v31, $0x3  }
0x117: {  	v39 =	vshll.u32 v59, $0x14;
	v22 =	vadd.s32 v33, v22;
	v41 =	vshll.u32 v41, $0x14  }
0x118: {  	v32 =	vor.u32 v43, v32;
	v35 =	vor.u32 v47, v35;
	v46 =	vand.u32 $0x1C00, v0  }
0x119: {  	v38 =	vand.u32 $0x380, v38;
	v47 =	vor.u32 v63, v48;
	v48 =	vand.u32 $0x7F, v27  }
0x11a: {  	v50 =	vand.u32 $0x1C00, v1;
	v51 =	vand.u32 $0x7F, v30;
	v52 =	vand.u32 $0x1C00, v2  }
0x11b: {  	v53 =	vand.u32 $0x7F, v31;
	v63 =	vcvt.s32.f32 v24;
	v1 =	vcvt.s32.f32 v26  }
0x11c: {  	v59 =	vand.u32 $0x7F, v56;
	v2 =	vcvt.s32.f32 v23;
	v0 =	vcvt.s32.f32 v13  }
0x11d: {  	v40 =	vadd.s32 v39, v40;
	v42 =	vand.u32 $0x3C00, v42;
	v43 =	vadd.s32 v41, v60  }
0x11e: {  	v44 =	vand.u32 $0x3C00, v61;
	v45 =	vand.u32 $0x3C00, v62;
	v60 =	vand.u32 $0x7F, v57  }
0x11f: {  	v61 =	vcvt.s32.f32 v25;
	v25 =	vand.u32 $0x7F, v49;
	v36 =	vor.u32 v36, v22  }
0x120: {  	v62 =	vcvt.s32.f32 v28;
	v13 =	vor.u32 v33, v32;
	v58 =	vor.u32 v58, v46  }
0x121: {  	v59 =	vor.u32 v59, v50;
	v14 =	vor.u32 v14, v47;
	v32 =	vshll.u32 v27, $0x2  }
0x122: {  	v24 =	vor.u32 v37, v40;
	v23 =	vor.u32 v38, v43;
	v12 =	vor.u32 v48, v42  }
0x123: {  	v26 =	vor.u32 v51, v44;
	v48 =	vor.u32 v39, v34;
	v51 =	vor.u32 v53, v45  }
0x124: {  	v53 =	vor.u32 v41, v35;
	v22 =	vor.u32 v58, v36;
	v60 =	vor.u32 v60, v52  }
0x125: {  	v25 =	vor.u32 v25, v54;
	v42 =	vor.u32 v58, v13;
	v33 =	vadd.s32 v11, v14  }
0x126: {  	v34 =	vshll.u32 v30, $0x2;
	v30 =	vshll.u32 v55, $0x2;
	v11 =	vsub.f32 v21, v29  }
0x127: {  	v29 =	vshll.u32 v49, $0x2;
	v46 =	vadd.s32 v12, v36;
	v45 =	vor.u32 v59, v24  }
0x128: {  	v43 =	vadd.s32 v26, v24;
	v44 =	vor.u32 v60, v23;
	v41 =	vadd.s32 v51, v23  }
0x129: {  	s0 =	sadd.s32 $0x4, s0;
	v28 =	vor.u32 v25, v15;
	v39 =	vadd.s32 v12, v13;
	v38 =	vor.u32 v59, v48  }
0x12a: {  	p0 =	slt.u32 s0, $0x3C;
	v40 =	vadd.s32 v26, v48;
	v36 =	vor.u32 v60, v53;
	v35 =	vadd.s32 v51, v53  }
.Ltmp0:
0x12b: {  	v37 =	vor.u32 v25, v14;
	v26 =	vshll.u32 v31, $0x2;
	v25 =	vshll.u32 v10, $0x2;
	(pc) =	sbr.rel @p0 .LBB2_3-.Ltmp0, $4  }
0x12c: {  	v24 =	vshll.u32 v56, $0x2;
	v12 =	vsub.f32 v18, v61;
	v18 =	vsub.f32 v20, v62  }
0x12d: {  	v23 =	vshll.u32 v57, $0x2;
	v15 =	vsub.f32 v17, v63;
	v20 =	vsub.f32 v19, v1  }
0x12e: {  	v10 =	vcvt.s32.f32 v5;
	v13 =	vsub.f32 v16, v2;
	v14 =	vsub.f32 v8, v3;
	[tilespmem:s31+$0x2800] =	vst v11  }
0x12f: {  	s2 =	sadd.s32 $0x100, s2;
	v8 =	vsub.f32 v9, v0;
	v11 =	vcvt.s32.f32 v6;
	[tilespmem:s31+$0x2C00] =	vst v12;
	v12 =	vcvt.s32.f32 v7  }
0x130: {  	[tilespmem:s31+$0x2810] =	vst v18  }
0x131: {  	[tilespmem:s31+$0x2C10] =	vst v15  }
0x132: {  	[tilespmem:s31+$0x2820] =	vst v20  }
0x133: {  	[tilespmem:s31+$0x2C20] =	vst v13  }
0x134: {  	[tilespmem:s31+$0x2830] =	vst v14  }
0x135: {  	v0 =	vshrl.u32 v22, $0x1;
	[tilespmem:s31+$0x3000] =	vst v10  }
0x136: {  	v1 =	vshrl.u32 v46, $0x1;
	[tilespmem:s31+$0x1800] =	vst v0  }
0x137: {  	v55 =	vshrl.u32 v45, $0x1;
	[tilespmem:s31+$0x1C00] =	vst v1  }
0x138: {  	v56 =	vshrl.u32 v43, $0x1;
	[tilespmem:s31+$0x1810] =	vst v55  }
0x139: {  	v57 =	vshrl.u32 v44, $0x1;
	[tilespmem:s31+$0x1C10] =	vst v56  }
0x13a: {  	v58 =	vshrl.u32 v41, $0x1;
	[tilespmem:s31+$0x1820] =	vst v57  }
0x13b: {  	v59 =	vshrl.u32 v28, $0x1;
	[tilespmem:s31+$0x1C20] =	vst v58  }
0x13c: {  	v60 =	vshrl.u32 v42, $0x1;
	[tilespmem:s31+$0x1830] =	vst v59  }
0x13d: {  	v61 =	vshrl.u32 v39, $0x1;
	[tilespmem:s31+$0x1000] =	vst v60  }
0x13e: {  	v62 =	vshrl.u32 v38, $0x1;
	[tilespmem:s31+$0x1400] =	vst v61  }
0x13f: {  	v63 =	vshrl.u32 v40, $0x1;
	[tilespmem:s31+$0x1010] =	vst v62  }
0x140: {  	v5 =	vshrl.u32 v36, $0x1;
	[tilespmem:s31+$0x1410] =	vst v63  }
0x141: {  	v36 =	vshrl.u32 v35, $0x1;
	[tilespmem:s31+$0x1020] =	vst v5  }
0x142: {  	v37 =	vshrl.u32 v37, $0x1;
	[tilespmem:s31+$0x1420] =	vst v36  }
0x143: {  	v38 =	vshrl.u32 v33, $0x1;
	[tilespmem:s31+$0x1030] =	vst v37  }
0x144: {  	v39 =	vand.u32 $0x4, v32;
	[tilespmem:s31+$0x1430] =	vst v38  }
0x145: {  	v40 =	vand.u32 $0x4, v34;
	[tilespmem:s31+$0x2400] =	vst v39  }
0x146: {  	v41 =	vand.u32 $0x4, v26;
	[tilespmem:s31+$0x2410] =	vst v40  }
0x147: {  	v42 =	vand.u32 $0x4, v25;
	[tilespmem:s31+$0x2420] =	vst v41  }
0x148: {  	v43 =	vand.u32 $0x4, v30;
	[tilespmem:s31+$0x2430] =	vst v42  }
0x149: {  	v44 =	vand.u32 $0x4, v24;
	[tilespmem:s31+$0x2000] =	vst v43  }
0x14a: {  	v45 =	vand.u32 $0x4, v23;
	[tilespmem:s31+$0x2010] =	vst v44  }
0x14b: {  	v46 =	vand.u32 $0x4, v29;
	[tilespmem:s31+$0x2020] =	vst v45  }
0x14c: {  	[tilespmem:s31+$0x2030] =	vst v46  }
0x14d: {  	[tilespmem:s31+$0x2C30] =	vst v8  }
0x14e: {  	v47 =	vcvt.s32.f32 v4;
	[tilespmem:s31+$0x3010] =	vst v11  }
0x14f: {  	[tilespmem:s31+$0x3020] =	vst v12  }
0x150: {  	s0 =	simm.s32 $0x1000;
	[tilespmem:s31+$0x3030] =	vst v47  }
0x151: {  	[tilespmem:s15], [sflag:$0x1] =	stream.indirect.gather [hbm4b:s6+s10], $0x8, s0, s10, $0xb8;
	[tilespmem:$0xC000] =	vst v63  }
0x152: {  	_ = 	snop  }
0x153: {  	[tilespmem:s17], [sflag:$0x1] =	stream.indirect.gather [hbm4b:s6+s10], $0x8, s16, s10, $0xb8;
	[tilespmem:$0xC000] =	vst v63  }
0x154: {  	_ = 	snop  }
0x155: {  	[tilespmem:s19], [sflag:$0x1] =	stream.indirect.gather [hbm4b:s6+s10], $0x8, s18, s10, $0xb8;
	[tilespmem:$0xC000] =	vst v63  }
0x156: {  	_ = 	snop  }
0x157: {  	[tilespmem:s21], [sflag:$0x1] =	stream.indirect.gather [hbm4b:s6+s10], $0x8, s20, s10, $0xb8;
	[tilespmem:$0xC000] =	vst v63  }
0x158: {  	_ =	swait.ge [sflag:s13], $0x2000  }
0x159: {  	[sflag:s13] =	ssyncset.done $0x0  }
0x15a: {  	[sflag:s13] =	ssyncadd.s32 $0xFFFFE000  }
0x15b: {  	_ =	swait.ge [sflag:s13], $0x2000  }
0x15c: {  	[sflag:s13] =	ssyncset.done $0x0  }
0x15d: {  	[sflag:s13] =	ssyncadd.s32 $0xFFFFE000  }
0x15e: {  	_ =	swait.ge [sflag:s13], $0x2000  }
0x15f: {  	[sflag:s13] =	ssyncset.done $0x0  }
0x160: {  	[sflag:s13] =	ssyncadd.s32 $0xFFFFE000  }
0x161: {  	_ =	swait.ge [sflag:s13], $0x2000  }
0x162: {  	[sflag:s13] =	ssyncset.done $0x0  }
0x163: {  	s31 =	simm.s32 $0x0;
	v60 =	vld [tilespmem:$0x1FFF0];
	[sflag:s13] =	ssyncadd.s32 $0xFFFFE000  }
0x164: {  	v26 =	vld [tilespmem:s31+$0x2030]  }
0x165: {  	v27 =	vld [tilespmem:s31+$0x2430]  }
0x166: {  	s11 =	simm.s32 $0x30  }
0x167: {  	v48 =	vmov s11;
	v13 =	vld [tilespmem:s31+$0x2000]  }
0x168: {  	v0 =	vshll.u32 v48, $0x3;
	v17 =	vld [tilespmem:s31+$0x2400]  }
0x169: {  	v18 =	vld [tilespmem:s31+$0x2010];
	v21 =	vor.u32 v60, v0;
	v49 =	vand.u32 $0xFFFFFFF8, v26  }
0x16a: {  	v22 =	vld [tilespmem:s31+$0x2410];
	v50 =	vand.u32 $0x7, v26;
	v2 =	vand.u32 $0xFFFFFFF8, v27;
	v1 =	vadd.s32 v21, v49  }
0x16b: {  	v24 =	vld [tilespmem:s31+$0x2020];
	v51 =	vand.u32 $0x7, v27;
	v2 =	vadd.s32 v21, v2;
	v0 =	vor.u32 v50, v1  }
0x16c: {  	s2 =	simm.s32 $0x20;
	s3 =	simm.s32 $0x0;
	v25 =	vld [tilespmem:s31+$0x2420];
	v1 =	vor.u32 v51, v2  }
0x16d: {  	s12 =	simm.s32 $0x10;
	v3 =	vmov s2;
	v53 =	vmov s3  }
0x16e: {  	v52 =	vmov s12;
	v3 =	vshll.u32 v3, $0x3;
	v4 =	vshll.u32 v53, $0x3  }
0x16f: {  	v8 =	vor.u32 v60, v3;
	v23 =	vor.u32 v60, v4;
	v6 =	vand.u32 $0xFFFFFFF8, v13  }
0x170: {  	v7 =	vand.u32 $0xFFFFFFF8, v17;
	v9 =	vand.u32 $0xFFFFFFF8, v18;
	v54 =	vand.u32 $0xFFFFFFF8, v22;
	v5 =	vld.idx.msk [tilespmem:v0+s15+$0x0], $0xffff  }
0x171: {  	v11 =	vand.u32 $0xFFFFFFF8, v24;
	v14 =	vand.u32 $0xFFFFFFF8, v25;
	v15 =	vand.u32 $0x7, v17;
	v10 =	vld.idx.msk [tilespmem:v1+s17+$0x0], $0xffff  }
0x172: {  	v4 =	vadd.s32 v23, v6;
	v6 =	vadd.s32 v23, v7;
	v7 =	vand.u32 $0x7, v13;
	v0 =	vld.idx.msk [tilespmem:v0+s19+$0x0], $0xffff  }
0x173: {  	v19 =	vand.u32 $0x7, v18;
	v2 =	vshll.u32 v52, $0x3;
	v4 =	vor.u32 v7, v4;
	v1 =	vld.idx.msk [tilespmem:v1+s21+$0x0], $0xffff  }
0x174: {  	v20 =	vand.u32 $0x7, v22;
	v7 =	vld [tilespmem:s31+$0x2800];
	v6 =	vor.u32 v15, v6;
	v12 =	vor.u32 v60, v2  }
0x175: {  	v28 =	vand.u32 $0x7, v24;
	v29 =	vand.u32 $0x7, v25;
	v2 =	vadd.s32 v12, v9;
	v9 =	vld [tilespmem:s31+$0x2830]  }
0x176: {  	v11 =	vadd.s32 v8, v11;
	v16 =	vadd.s32 v8, v14;
	v15 =	vld [tilespmem:s31+$0x2810];
	v3 =	vadd.s32 v12, v54  }
0x177: {  	v16 =	vor.u32 v29, v16;
	v3 =	vor.u32 v20, v3;
	v20 =	vor.u32 v28, v11;
	v11 =	vld [tilespmem:s31+$0x2C30]  }
0x178: {  	v2 =	vor.u32 v19, v2;
	v19 =	vld.idx.msk [tilespmem:v4+s15+$0x0], $0xffff;
	v10 =	vsub.f32 v10, v5;
	v1 =	vsub.f32 v1, v0  }
0x179: {  	v30 =	vadd.s32 $0x1, v17;
	v31 =	vadd.s32 $0x1, v22;
	v29 =	vld.idx.msk [tilespmem:v6+s17+$0x0], $0xffff  }
0x17a: {  	v32 =	vadd.s32 $0x1, v24;
	v4 =	vld.idx.msk [tilespmem:v4+s19+$0x0], $0xffff;
	v10 =	vmul.f32 v10, v9;
	v1 =	vmul.f32 v1, v9  }
0x17b: {  	v34 =	vadd.s32 $0x1, v25;
	v62 =	vadd.s32 $0x1, v26;
	v63 =	vadd.s32 $0x1, v27;
	v6 =	vld.idx.msk [tilespmem:v6+s21+$0x0], $0xffff  }
0x17c: {  	v26 =	vadd.s32 $0x2, v26;
	v51 =	vld.idx.msk [tilespmem:v16+s17+$0x0], $0xffff;
	v5 =	vadd.f32 v10, v5;
	v0 =	vadd.f32 v1, v0  }
0x17d: {  	v55 =	vand.u32 $0xFFFFFFF8, v30;
	v57 =	vand.u32 $0xFFFFFFF8, v31;
	v58 =	vand.u32 $0xFFFFFFF8, v32;
	v37 =	vld.idx.msk [tilespmem:v2+s15+$0x0], $0xffff  }
0x17e: {  	v59 =	vand.u32 $0xFFFFFFF8, v34;
	v47 =	vand.u32 $0xFFFFFFF8, v62;
	v61 =	vld.idx.msk [tilespmem:v3+s17+$0x0], $0xffff;
	v0 =	vsub.f32 v0, v5  }
0x17f: {  	v42 =	vand.u32 $0x7, v62;
	v48 =	vand.u32 $0xFFFFFFF8, v63;
	v28 =	vadd.s32 $0x1, v13;
	v2 =	vld.idx.msk [tilespmem:v2+s19+$0x0], $0xffff  }
0x180: {  	v43 =	vand.u32 $0x7, v63;
	v3 =	vld.idx.msk [tilespmem:v3+s21+$0x0], $0xffff;
	v10 =	vand.u32 $0xFFFFFFF8, v28;
	v0 =	vmul.f32 v0, v11  }
0x181: {  	v30 =	vand.u32 $0x7, v30;
	v50 =	vadd.s32 v21, v48;
	v41 =	vadd.s32 v23, v10;
	v10 =	vld [tilespmem:s31+$0x3030]  }
0x182: {  	v33 =	vadd.s32 v23, v55;
	v49 =	vld.idx.msk [tilespmem:v20+s15+$0x0], $0xffff;
	v29 =	vsub.f32 v29, v19;
	v0 =	vadd.f32 v0, v5  }
0x183: {  	v38 =	vadd.s32 v8, v58;
	v52 =	vld.idx.msk [tilespmem:v20+s19+$0x0], $0xffff;
	v6 =	vsub.f32 v6, v4;
	v5 =	vadd.s32 v21, v47  }
0x184: {  	v20 =	vld.idx.msk [tilespmem:v16+s21+$0x0], $0xffff;
	v29 =	vmul.f32 v29, v7;
	v5 =	vor.u32 v42, v5;
	v0 =	vmax.f32 v0, $0.0e+00  }
0x185: {  	v14 =	vld [tilespmem:s31+$0x2820];
	v6 =	vmul.f32 v6, v7;
	v42 =	vor.u32 v43, v50;
	v0 =	vmin.f32 v0, $1.000000000e+00  }
0x186: {  	v16 =	vld [tilespmem:s31+$0x2C00];
	v54 =	vsub.f32 v61, v37;
	v3 =	vsub.f32 v3, v2;
	v0 =	vmul.f32 v0, v10  }
0x187: {  	v36 =	vadd.s32 v12, v57;
	v61 =	vld [tilespmem:s31+$0x3000];
	v29 =	vadd.f32 v29, v19;
	v4 =	vadd.f32 v6, v4  }
0x188: {  	v44 =	vsub.f32 v51, v49;
	v19 =	vld [tilespmem:s31+$0x2C10];
	v39 =	vmul.f32 v54, v15;
	v3 =	vmul.f32 v3, v15;
	[tilespmem:s31+$0xB430] =	vst v0  }
0x189: {  	v57 =	vsub.f32 v20, v52;
	v1 =	vadd.s32 $0x1, v18;
	v4 =	vsub.f32 v4, v29;
	v55 =	vld.idx.msk [tilespmem:v5+s15+$0x0], $0xffff  }
0x18a: {  	v56 =	vand.u32 $0xFFFFFFF8, v1;
	v37 =	vadd.f32 v39, v37;
	v2 =	vadd.f32 v3, v2;
	v6 =	vld.idx.msk [tilespmem:v42+s17+$0x0], $0xffff  }
0x18b: {  	v53 =	vadd.s32 v8, v59;
	v35 =	vadd.s32 v12, v56;
	v59 =	vmul.f32 v4, v16;
	v56 =	vld.idx.msk [tilespmem:v5+s19+$0x0], $0xffff  }
0x18c: {  	v58 =	vmul.f32 v44, v14;
	v2 =	vsub.f32 v2, v37;
	v42 =	vld.idx.msk [tilespmem:v42+s21+$0x0], $0xffff;
	v5 =	vmul.f32 v57, v14  }
0x18d: {  	v30 =	vor.u32 v30, v33;
	v20 =	vld [tilespmem:s31+$0x2C20];
	v28 =	vand.u32 $0x7, v28;
	v29 =	vadd.f32 v59, v29  }
0x18e: {  	v3 =	vadd.f32 v58, v49;
	v2 =	vmul.f32 v2, v19;
	v5 =	vadd.f32 v5, v52  }
0x18f: {  	v1 =	vand.u32 $0x7, v1;
	v28 =	vor.u32 v28, v41;
	v29 =	vmax.f32 v29, $0.0e+00  }
0x190: {  	v62 =	vld [tilespmem:s31+$0x3010];
	v29 =	vmin.f32 v29, $1.000000000e+00;
	v2 =	vadd.f32 v2, v37;
	v5 =	vsub.f32 v5, v3  }
0x191: {  	v29 =	vmul.f32 v29, v61;
	v6 =	vsub.f32 v6, v55;
	v4 =	vsub.f32 v42, v56  }
0x192: {  	v31 =	vand.u32 $0x7, v31;
	v1 =	vor.u32 v1, v35;
	v45 =	vmul.f32 v5, v20  }
0x193: {  	v63 =	vld [tilespmem:s31+$0x3020];
	v2 =	vmax.f32 v2, $0.0e+00;
	[tilespmem:s31+$0xB400] =	vst v29;
	v44 =	vmul.f32 v6, v9;
	v33 =	vmul.f32 v4, v9  }
0x194: {  	v29 =	vor.u32 v31, v36;
	v2 =	vmin.f32 v2, $1.000000000e+00;
	v31 =	vld.idx.msk [tilespmem:v28+s15+$0x0], $0xffff;
	v3 =	vadd.f32 v45, v3  }
0x195: {  	v2 =	vmul.f32 v2, v62;
	v48 =	vld.idx.msk [tilespmem:v30+s17+$0x0], $0xffff;
	v47 =	vadd.f32 v44, v55;
	v33 =	vadd.f32 v33, v56  }
0x196: {  	v27 =	vadd.s32 $0x2, v27;
	v32 =	vand.u32 $0x7, v32;
	v34 =	vand.u32 $0x7, v34;
	v28 =	vld.idx.msk [tilespmem:v28+s19+$0x0], $0xffff  }
0x197: {  	v32 =	vor.u32 v32, v38;
	v49 =	vld.idx.msk [tilespmem:v30+s21+$0x0], $0xffff;
	[tilespmem:s31+$0xB410] =	vst v2;
	v3 =	vmax.f32 v3, $0.0e+00;
	v33 =	vsub.f32 v33, v47  }
0x198: {  	v17 =	vadd.s32 $0x2, v17;
	v0 =	vor.u32 v34, v53;
	v30 =	vld.idx.msk [tilespmem:v1+s15+$0x0], $0xffff;
	v3 =	vmin.f32 v3, $1.000000000e+00  }
0x199: {  	v50 =	vand.u32 $0xFFFFFFF8, v26;
	v1 =	vld.idx.msk [tilespmem:v1+s19+$0x0], $0xffff;
	v3 =	vmul.f32 v3, v63;
	v33 =	vmul.f32 v33, v11  }
0x19a: {  	v22 =	vadd.s32 $0x2, v22;
	v51 =	vand.u32 $0xFFFFFFF8, v27;
	v34 =	vadd.s32 v21, v50;
	v36 =	vld.idx.msk [tilespmem:v29+s17+$0x0], $0xffff  }
0x19b: {  	v27 =	vand.u32 $0x7, v27;
	v21 =	vadd.s32 v21, v51;
	v52 =	vld.idx.msk [tilespmem:v29+s21+$0x0], $0xffff;
	[tilespmem:s31+$0xB420] =	vst v3;
	v33 =	vadd.f32 v33, v47  }
0x19c: {  	v24 =	vadd.s32 $0x2, v24;
	v26 =	vand.u32 $0x7, v26;
	v21 =	vor.u32 v27, v21;
	v27 =	vld.idx.msk [tilespmem:v32+s15+$0x0], $0xffff  }
0x19d: {  	v25 =	vadd.s32 $0x2, v25;
	v26 =	vor.u32 v26, v34;
	v53 =	vld.idx.msk [tilespmem:v0+s17+$0x0], $0xffff;
	v33 =	vmax.f32 v33, $0.0e+00  }
0x19e: {  	v13 =	vadd.s32 $0x2, v13;
	v18 =	vadd.s32 $0x2, v18;
	v32 =	vld.idx.msk [tilespmem:v32+s19+$0x0], $0xffff;
	v29 =	vmin.f32 v33, $1.000000000e+00  }
0x19f: {  	v54 =	vand.u32 $0xFFFFFFF8, v13;
	v2 =	vsub.f32 v49, v28;
	v0 =	vld.idx.msk [tilespmem:v0+s21+$0x0], $0xffff;
	v29 =	vmul.f32 v29, v10  }
0x1a0: {  	s14 =	simm.s32 $0x70;
	v13 =	vand.u32 $0x7, v13;
	v58 =	vand.u32 $0xFFFFFFF8, v24;
	v35 =	vsub.f32 v48, v31  }
0x1a1: {  	v51 =	vmov s14;
	v34 =	vadd.s32 v23, v54;
	v2 =	vmul.f32 v2, v7;
	[tilespmem:s31+$0xB830] =	vst v29  }
0x1a2: {  	v57 =	vand.u32 $0xFFFFFFF8, v22;
	v13 =	vor.u32 v13, v34;
	v35 =	vmul.f32 v35, v7;
	v56 =	vld.idx.msk [tilespmem:v26+s15+$0x0], $0xffff  }
0x1a3: {  	v45 =	vand.u32 $0xFFFFFFF8, v25;
	v55 =	vand.u32 $0xFFFFFFF8, v18;
	v2 =	vadd.f32 v2, v28;
	v59 =	vld.idx.msk [tilespmem:v21+s17+$0x0], $0xffff  }
0x1a4: {  	v3 =	vsub.f32 v52, v1;
	v0 =	vsub.f32 v0, v32;
	v29 =	vand.u32 $0xFFFFFFF8, v17;
	v26 =	vld.idx.msk [tilespmem:v26+s19+$0x0], $0xffff  }
0x1a5: {  	v23 =	vadd.s32 v23, v29;
	v29 =	vadd.f32 v35, v31;
	v31 =	vsub.f32 v36, v30;
	v21 =	vld.idx.msk [tilespmem:v21+s21+$0x0], $0xffff  }
0x1a6: {  	s0 =	simm.s32 $0x40;
	v46 =	vadd.s32 v12, v55;
	v3 =	vmul.f32 v3, v15;
	v0 =	vmul.f32 v0, v14  }
0x1a7: {  	v40 =	vld [tilespmem:s0+$0x2420];
	v12 =	vadd.s32 v12, v57;
	v28 =	vmul.f32 v31, v15;
	v2 =	vsub.f32 v2, v29  }
0x1a8: {  	v1 =	vadd.f32 v3, v1;
	v17 =	vand.u32 $0x7, v17;
	v0 =	vadd.f32 v0, v32;
	v31 =	vld [tilespmem:s0+$0x2030]  }
0x1a9: {  	v32 =	vld [tilespmem:s0+$0x2430];
	v28 =	vadd.f32 v28, v30;
	v30 =	vsub.f32 v53, v27;
	v2 =	vmul.f32 v2, v16  }
0x1aa: {  	v23 =	vor.u32 v17, v23;
	v47 =	vsub.f32 v59, v56;
	v17 =	vsub.f32 v21, v26  }
0x1ab: {  	v21 =	vmul.f32 v30, v14;
	v2 =	vadd.f32 v2, v29;
	v1 =	vsub.f32 v1, v28  }
0x1ac: {  	v29 =	vand.u32 $0xFFFFFFF8, v40;
	v3 =	vmul.f32 v47, v9;
	v9 =	vmul.f32 v17, v9  }
0x1ad: {  	v17 =	vand.u32 $0x7, v18;
	v18 =	vand.u32 $0x7, v22;
	v22 =	vand.u32 $0x7, v24  }
0x1ae: {  	v53 =	vand.u32 $0xFFFFFFF8, v31;
	v54 =	vand.u32 $0x7, v31;
	v55 =	vand.u32 $0x7, v32  }
0x1af: {  	v21 =	vadd.f32 v21, v27;
	v2 =	vmax.f32 v2, $0.0e+00;
	v1 =	vmul.f32 v1, v19  }
0x1b0: {  	v17 =	vor.u32 v17, v46;
	v18 =	vor.u32 v18, v12;
	v3 =	vadd.f32 v3, v56  }
0x1b1: {  	v2 =	vmin.f32 v2, $1.000000000e+00;
	v9 =	vadd.f32 v9, v26;
	v26 =	vadd.s32 v8, v58  }
0x1b2: {  	s2 =	simm.s32 $0x40;
	v38 =	vld [tilespmem:s0+$0x2010];
	v8 =	vadd.s32 v8, v45;
	v0 =	vsub.f32 v0, v21;
	v1 =	vadd.f32 v1, v28  }
0x1b3: {  	v42 =	vld [tilespmem:s0+$0x2020];
	v58 =	vmov s2;
	v2 =	vmul.f32 v2, v61;
	v9 =	vsub.f32 v9, v3  }
0x1b4: {  	v27 =	vor.u32 v22, v26;
	v0 =	vmul.f32 v0, v20;
	v1 =	vmax.f32 v1, $0.0e+00  }
0x1b5: {  	[tilespmem:s31+$0xB800] =	vst v2;
	v48 =	vmul.f32 v9, v11;
	v9 =	vand.u32 $0x7, v25;
	v1 =	vmin.f32 v1, $1.000000000e+00  }
0x1b6: {  	s9 =	simm.s32 $0x60;
	v24 =	vld.idx.msk [tilespmem:v13+s15+$0x0], $0xffff;
	v0 =	vadd.f32 v0, v21;
	v22 =	vor.u32 v9, v8;
	v11 =	vmul.f32 v1, v62  }
0x1b7: {  	v12 =	vld.idx.msk [tilespmem:v23+s17+$0x0], $0xffff;
	v8 =	vand.u32 $0xFFFFFFF8, v32;
	v9 =	vmov s9;
	v2 =	vadd.f32 v48, v3  }
0x1b8: {  	v39 =	vld [tilespmem:s0+$0x2410];
	v3 =	vshll.u32 v51, $0x3;
	v48 =	vadd.s32 $0x1, v38;
	v51 =	vadd.s32 $0x1, v42  }
0x1b9: {  	v50 =	vld.idx.msk [tilespmem:v23+s21+$0x0], $0xffff;
	v0 =	vmax.f32 v0, $0.0e+00;
	v5 =	vor.u32 v60, v3;
	v3 =	vshll.u32 v58, $0x3  }
0x1ba: {  	v21 =	vld.idx.msk [tilespmem:v13+s19+$0x0], $0xffff;
	v58 =	vand.u32 $0x7, v38;
	v49 =	vmax.f32 v2, $0.0e+00;
	v0 =	vmin.f32 v0, $1.000000000e+00  }
0x1bb: {  	v8 =	vadd.s32 v5, v8;
	v37 =	vor.u32 v60, v3;
	v1 =	vmin.f32 v49, $1.000000000e+00  }
0x1bc: {  	s25 =	simm.s32 $0x50;
	v13 =	vld [tilespmem:s0+$0x2400];
	v52 =	vsub.f32 v12, v24;
	v36 =	vmul.f32 v0, v63;
	v0 =	vadd.s32 v5, v53  }
0x1bd: {  	v57 =	vor.u32 v55, v8;
	v8 =	vmov s25;
	v49 =	vadd.s32 $0x1, v39  }
0x1be: {  	v53 =	vadd.s32 $0x1, v40;
	v23 =	vmul.f32 v1, v10;
	v0 =	vor.u32 v54, v0  }
0x1bf: {  	v56 =	vsub.f32 v50, v21;
	v59 =	vshll.u32 v8, $0x3;
	v10 =	vand.u32 $0xFFFFFFF8, v38  }
0x1c0: {  	v12 =	vld [tilespmem:s0+$0x2000];
	v26 =	vmul.f32 v52, v7;
	v35 =	vor.u32 v60, v59;
	v59 =	vand.u32 $0x7, v39  }
0x1c1: {  	v25 =	vmul.f32 v56, v7;
	v7 =	vshll.u32 v9, $0x3;
	v9 =	vand.u32 $0xFFFFFFF8, v13  }
0x1c2: {  	v55 =	vadd.s32 v35, v10;
	v10 =	vand.u32 $0xFFFFFFF8, v42;
	v56 =	vand.u32 $0x7, v13;
	v28 =	vld.idx.msk [tilespmem:v57+s17+$0x0], $0xffff  }
0x1c3: {  	v34 =	vor.u32 v60, v7;
	v7 =	vand.u32 $0xFFFFFFF8, v39;
	v9 =	vadd.s32 v37, v9;
	v2 =	vld.idx.msk [tilespmem:v57+s21+$0x0], $0xffff  }
0x1c4: {  	v3 =	vor.u32 v58, v55;
	v55 =	vand.u32 $0xFFFFFFF8, v49;
	v49 =	vand.u32 $0x7, v49;
	v33 =	vld.idx.msk [tilespmem:v0+s15+$0x0], $0xffff  }
0x1c5: {  	v8 =	vand.u32 $0xFFFFFFF8, v12;
	v7 =	vadd.s32 v35, v7;
	v41 =	vor.u32 v56, v9;
	v0 =	vld.idx.msk [tilespmem:v0+s19+$0x0], $0xffff  }
0x1c6: {  	v10 =	vadd.s32 v34, v10;
	v30 =	vand.u32 $0x7, v12;
	v8 =	vadd.s32 v37, v8  }
0x1c7: {  	v57 =	vadd.s32 v34, v29;
	v29 =	vld [tilespmem:s0+$0x2830];
	v9 =	vand.u32 $0x7, v40;
	v46 =	vor.u32 v30, v8  }
0x1c8: {  	v4 =	vld [tilespmem:s0+$0x2C30];
	v47 =	vadd.s32 $0x1, v12;
	v55 =	vadd.s32 v35, v55;
	v8 =	vand.u32 $0x7, v42  }
0x1c9: {  	v44 =	vor.u32 v59, v7;
	v43 =	vor.u32 v9, v57;
	v45 =	vor.u32 v8, v10;
	v10 =	vld [tilespmem:s0+$0x2800]  }
0x1ca: {  	v9 =	vand.u32 $0xFFFFFFF8, v47;
	v54 =	vld.idx.msk [tilespmem:v41+s17+$0x0], $0xffff;
	v8 =	vsub.f32 v28, v33;
	v2 =	vsub.f32 v2, v0  }
0x1cb: {  	v47 =	vand.u32 $0x7, v47;
	v59 =	vadd.s32 $0x1, v32;
	v49 =	vor.u32 v49, v55;
	v41 =	vld.idx.msk [tilespmem:v41+s21+$0x0], $0xffff  }
0x1cc: {  	v28 =	vadd.s32 $0x1, v13;
	v50 =	vld.idx.msk [tilespmem:v46+s15+$0x0], $0xffff;
	v8 =	vmul.f32 v8, v29;
	v2 =	vmul.f32 v2, v29  }
0x1cd: {  	v56 =	vadd.s32 v37, v9;
	v52 =	vand.u32 $0xFFFFFFF8, v28;
	v46 =	vld.idx.msk [tilespmem:v46+s19+$0x0], $0xffff;
	v57 =	vand.u32 $0x7, v28  }
0x1ce: {  	v58 =	vld.idx.msk [tilespmem:v3+s15+$0x0], $0xffff;
	v52 =	vadd.s32 v37, v52;
	v1 =	vadd.f32 v8, v33;
	v0 =	vadd.f32 v2, v0  }
0x1cf: {  	v32 =	vadd.s32 $0x2, v32;
	v47 =	vor.u32 v47, v56;
	v52 =	vor.u32 v57, v52;
	v57 =	vld.idx.msk [tilespmem:v44+s17+$0x0], $0xffff  }
0x1d0: {  	v6 =	vld [tilespmem:s0+$0x2810];
	v56 =	vadd.s32 $0x1, v31;
	v33 =	vand.u32 $0xFFFFFFF8, v48;
	v0 =	vsub.f32 v0, v1  }
0x1d1: {  	v3 =	vld.idx.msk [tilespmem:v3+s19+$0x0], $0xffff;
	v48 =	vand.u32 $0x7, v48;
	v2 =	vadd.s32 v35, v33;
	v54 =	vsub.f32 v54, v50  }
0x1d2: {  	v44 =	vld.idx.msk [tilespmem:v44+s21+$0x0], $0xffff;
	v33 =	vand.u32 $0xFFFFFFF8, v56;
	v41 =	vsub.f32 v41, v46;
	v0 =	vmul.f32 v0, v4  }
0x1d3: {  	v28 =	vld [tilespmem:s0+$0x3030];
	v56 =	vand.u32 $0x7, v56;
	v2 =	vor.u32 v48, v2;
	v54 =	vmul.f32 v54, v10  }
0x1d4: {  	v55 =	vld.idx.msk [tilespmem:v43+s17+$0x0], $0xffff;
	v57 =	vsub.f32 v57, v58;
	v41 =	vmul.f32 v41, v10;
	v0 =	vadd.f32 v0, v1  }
0x1d5: {  	v43 =	vld.idx.msk [tilespmem:v43+s21+$0x0], $0xffff;
	v1 =	vadd.s32 v5, v33;
	v33 =	vand.u32 $0xFFFFFFF8, v59;
	v59 =	vand.u32 $0x7, v59  }
0x1d6: {  	v48 =	vld.idx.msk [tilespmem:v45+s15+$0x0], $0xffff;
	v1 =	vor.u32 v56, v1;
	v56 =	vadd.s32 v5, v33;
	v0 =	vmax.f32 v0, $0.0e+00  }
0x1d7: {  	v45 =	vld.idx.msk [tilespmem:v45+s19+$0x0], $0xffff;
	v44 =	vsub.f32 v44, v3;
	v56 =	vor.u32 v59, v56;
	v0 =	vmin.f32 v0, $1.000000000e+00  }
0x1d8: {  	v30 =	vld [tilespmem:s0+$0x2C00];
	v8 =	vmovc v6;
	v50 =	vadd.f32 v54, v50;
	v59 =	vand.u32 $0xFFFFFFF8, v51;
	v0 =	vmul.f32 v0, v28  }
0x1d9: {  	v6 =	vld [tilespmem:s0+$0x2820];
	v57 =	vmul.f32 v57, v8;
	v51 =	vand.u32 $0x7, v51;
	v59 =	vadd.s32 v34, v59  }
0x1da: {  	v41 =	vadd.f32 v41, v46;
	v51 =	vor.u32 v51, v59;
	v59 =	vadd.s32 $0x2, v12;
	v12 =	vld [tilespmem:s0+$0x2C10];
	[tilespmem:s0+$0xB430] =	vst v0  }
0x1db: {  	v44 =	vmul.f32 v44, v8;
	v33 =	vand.u32 $0xFFFFFFF8, v53;
	v55 =	vsub.f32 v55, v48;
	v54 =	vld.idx.msk [tilespmem:v1+s15+$0x0], $0xffff  }
0x1dc: {  	v53 =	vand.u32 $0x7, v53;
	v43 =	vsub.f32 v43, v45;
	v41 =	vsub.f32 v41, v50;
	v46 =	vld.idx.msk [tilespmem:v56+s17+$0x0], $0xffff  }
0x1dd: {  	v57 =	vadd.f32 v57, v58;
	v3 =	vadd.f32 v44, v3;
	v0 =	vadd.s32 v34, v33;
	v1 =	vld.idx.msk [tilespmem:v1+s19+$0x0], $0xffff  }
0x1de: {  	v56 =	vld.idx.msk [tilespmem:v56+s21+$0x0], $0xffff;
	v0 =	vor.u32 v53, v0;
	v53 =	vadd.s32 $0x2, v13;
	v13 =	vmul.f32 v41, v30  }
0x1df: {  	[tilespmem:s31+$0xB810] =	vst v11;
	v7 =	vld [tilespmem:s0+$0x3000];
	v58 =	vmul.f32 v55, v6;
	v55 =	vadd.s32 $0x2, v38;
	v38 =	vmul.f32 v43, v6  }
0x1e0: {  	v43 =	vadd.s32 $0x2, v39;
	v39 =	vld.idx.msk [tilespmem:v17+s19+$0x0], $0xffff;
	v3 =	vsub.f32 v3, v57;
	v33 =	vadd.f32 v13, v50  }
0x1e1: {  	v42 =	vadd.s32 $0x2, v42;
	v44 =	vadd.f32 v58, v48;
	v45 =	vadd.f32 v38, v45;
	v13 =	vld [tilespmem:s0+$0x2C20]  }
0x1e2: {  	v38 =	vadd.s32 $0x2, v40;
	v41 =	vld.idx.msk [tilespmem:v17+s15+$0x0], $0xffff;
	v3 =	vmul.f32 v3, v12;
	v33 =	vmax.f32 v33, $0.0e+00  }
0x1e3: {  	v17 =	vld [tilespmem:s0+$0x3010];
	v46 =	vsub.f32 v46, v54;
	v50 =	vsub.f32 v56, v1;
	v40 =	vmin.f32 v33, $1.000000000e+00  }
0x1e4: {  	v31 =	vadd.s32 $0x2, v31;
	v45 =	vsub.f32 v45, v44;
	v56 =	vld.idx.msk [tilespmem:v18+s17+$0x0], $0xffff;
	v40 =	vmul.f32 v40, v7  }
0x1e5: {  	v3 =	vadd.f32 v3, v57;
	v46 =	vmul.f32 v46, v29;
	v58 =	vmul.f32 v50, v29;
	v50 =	vld.idx.msk [tilespmem:v18+s21+$0x0], $0xffff  }
0x1e6: {  	[tilespmem:s31+$0xB820] =	vst v36;
	v36 =	vand.u32 $0xFFFFFFF8, v59;
	v59 =	vand.u32 $0x7, v59;
	v18 =	vld [tilespmem:s0+$0x3020];
	v45 =	vmul.f32 v45, v13  }
0x1e7: {  	v36 =	vadd.s32 v37, v36;
	v3 =	vmax.f32 v3, $0.0e+00;
	[tilespmem:s0+$0xB400] =	vst v40;
	v46 =	vadd.f32 v46, v54;
	v54 =	vld.idx.msk [tilespmem:v27+s15+$0x0], $0xffff  }
0x1e8: {  	v3 =	vmin.f32 v3, $1.000000000e+00;
	v1 =	vadd.f32 v58, v1;
	v44 =	vadd.f32 v45, v44;
	v45 =	vld.idx.msk [tilespmem:v47+s15+$0x0], $0xffff  }
0x1e9: {  	v57 =	vand.u32 $0xFFFFFFF8, v55;
	v33 =	vand.u32 $0xFFFFFFF8, v53;
	v3 =	vmul.f32 v3, v17;
	v58 =	vld.idx.msk [tilespmem:v52+s17+$0x0], $0xffff  }
0x1ea: {  	v57 =	vadd.s32 v35, v57;
	v47 =	vld.idx.msk [tilespmem:v47+s19+$0x0], $0xffff;
	v1 =	vsub.f32 v1, v46;
	v44 =	vmax.f32 v44, $0.0e+00  }
0x1eb: {  	v37 =	vadd.s32 v37, v33;
	v33 =	vand.u32 $0xFFFFFFF8, v32;
	[tilespmem:s0+$0xB410] =	vst v3;
	v3 =	vld.idx.msk [tilespmem:v52+s21+$0x0], $0xffff;
	v44 =	vmin.f32 v44, $1.000000000e+00  }
0x1ec: {  	v40 =	vand.u32 $0xFFFFFFF8, v43;
	v48 =	vld.idx.msk [tilespmem:v2+s15+$0x0], $0xffff;
	v1 =	vmul.f32 v1, v4;
	v44 =	vmul.f32 v44, v18  }
0x1ed: {  	v32 =	vand.u32 $0x7, v32;
	v35 =	vadd.s32 v35, v40;
	v52 =	vand.u32 $0xFFFFFFF8, v31;
	v2 =	vld.idx.msk [tilespmem:v2+s19+$0x0], $0xffff  }
0x1ee: {  	v31 =	vand.u32 $0x7, v31;
	v40 =	vsub.f32 v58, v45;
	v1 =	vadd.f32 v1, v46;
	[tilespmem:s0+$0xB420] =	vst v44;
	v44 =	vld.idx.msk [tilespmem:v22+s17+$0x0], $0xffff  }
0x1ef: {  	v46 =	vadd.s32 v5, v52;
	v5 =	vadd.s32 v5, v33;
	v33 =	vand.u32 $0x7, v55;
	v55 =	vld.idx.msk [tilespmem:v22+s21+$0x0], $0xffff  }
0x1f0: {  	v52 =	vand.u32 $0xFFFFFFF8, v42;
	v3 =	vsub.f32 v3, v47;
	v31 =	vor.u32 v31, v46;
	v46 =	vld.idx.msk [tilespmem:v49+s17+$0x0], $0xffff  }
0x1f1: {  	v32 =	vor.u32 v32, v5;
	v5 =	vand.u32 $0xFFFFFFF8, v38;
	v49 =	vld.idx.msk [tilespmem:v49+s21+$0x0], $0xffff;
	v1 =	vmax.f32 v1, $0.0e+00  }
0x1f2: {  	v58 =	vld.idx.msk [tilespmem:v51+s15+$0x0], $0xffff;
	v52 =	vadd.s32 v34, v52;
	v40 =	vmul.f32 v40, v10;
	v1 =	vmin.f32 v1, $1.000000000e+00  }
0x1f3: {  	v5 =	vadd.s32 v34, v5;
	v34 =	vor.u32 v59, v36;
	v36 =	vld.idx.msk [tilespmem:v0+s17+$0x0], $0xffff;
	v1 =	vmul.f32 v1, v28  }
0x1f4: {  	v26 =	vadd.f32 v26, v24;
	v3 =	vmul.f32 v3, v10;
	v0 =	vld.idx.msk [tilespmem:v0+s21+$0x0], $0xffff  }
0x1f5: {  	v24 =	vsub.f32 v56, v41;
	v40 =	vadd.f32 v40, v45;
	[tilespmem:s0+$0xB830] =	vst v1;
	v1 =	vld.idx.msk [tilespmem:v27+s19+$0x0], $0xffff  }
0x1f6: {  	v3 =	vadd.f32 v3, v47;
	v27 =	vand.u32 $0x7, v53;
	v53 =	vor.u32 v33, v57;
	v57 =	vld.idx.msk [tilespmem:v51+s19+$0x0], $0xffff  }
0x1f7: {  	v24 =	vmul.f32 v24, v15;
	v22 =	vand.u32 $0x7, v42;
	v59 =	vsub.f32 v46, v48;
	v46 =	vld.idx.msk [tilespmem:v31+s15+$0x0], $0xffff  }
0x1f8: {  	v22 =	vor.u32 v22, v52;
	v49 =	vsub.f32 v49, v2;
	v3 =	vsub.f32 v3, v40;
	v45 =	vld.idx.msk [tilespmem:v32+s17+$0x0], $0xffff  }
0x1f9: {  	v27 =	vor.u32 v27, v37;
	v31 =	vld.idx.msk [tilespmem:v31+s19+$0x0], $0xffff;
	v36 =	vsub.f32 v36, v58;
	v37 =	vmul.f32 v59, v8  }
0x1fa: {  	v52 =	vadd.f32 v24, v41;
	v32 =	vld.idx.msk [tilespmem:v32+s21+$0x0], $0xffff;
	v49 =	vmul.f32 v49, v8;
	v3 =	vmul.f32 v3, v30  }
0x1fb: {  	v59 =	vsub.f32 v50, v39;
	v36 =	vmul.f32 v36, v6;
	v37 =	vadd.f32 v37, v48  }
0x1fc: {  	v2 =	vadd.f32 v49, v2;
	v3 =	vadd.f32 v3, v40  }
0x1fd: {  	v43 =	vand.u32 $0x7, v43;
	v48 =	vsub.f32 v44, v54;
	v36 =	vadd.f32 v36, v58  }
0x1fe: {  	v15 =	vmul.f32 v59, v15;
	v50 =	vsub.f32 v55, v1;
	v0 =	vsub.f32 v0, v57  }
0x1ff: {  	v45 =	vsub.f32 v45, v46;
	v32 =	vsub.f32 v32, v31;
	v40 =	vmul.f32 v48, v14  }
0x200: {  	v2 =	vsub.f32 v2, v37;
	v3 =	vmax.f32 v3, $0.0e+00;
	v0 =	vmul.f32 v0, v6  }
0x201: {  	v15 =	vadd.f32 v15, v39;
	v14 =	vmul.f32 v50, v14;
	v49 =	vmul.f32 v45, v29  }
0x202: {  	v29 =	vmul.f32 v32, v29;
	v2 =	vmul.f32 v2, v12;
	v0 =	vadd.f32 v0, v57  }
0x203: {  	v3 =	vmin.f32 v3, $1.000000000e+00;
	v1 =	vadd.f32 v14, v1;
	v51 =	vadd.f32 v49, v46  }
0x204: {  	v3 =	vmul.f32 v3, v7;
	v29 =	vadd.f32 v29, v31;
	v2 =	vadd.f32 v2, v37  }
0x205: {  	v35 =	vor.u32 v43, v35;
	v31 =	vadd.f32 v25, v21;
	v0 =	vsub.f32 v0, v36  }
0x206: {  	[tilespmem:s0+$0xB800] =	vst v3;
	v21 =	vsub.f32 v29, v51;
	v29 =	vadd.f32 v40, v54;
	v2 =	vmax.f32 v2, $0.0e+00  }
0x207: {  	v55 =	vld.idx.msk [tilespmem:v27+s17+$0x0], $0xffff;
	v56 =	vsub.f32 v31, v26;
	v2 =	vmin.f32 v2, $1.000000000e+00;
	v0 =	vmul.f32 v0, v13  }
0x208: {  	v14 =	vld.idx.msk [tilespmem:v34+s19+$0x0], $0xffff;
	v24 =	vmul.f32 v21, v4;
	v2 =	vmul.f32 v2, v17  }
0x209: {  	v15 =	vsub.f32 v15, v52;
	v21 =	vld.idx.msk [tilespmem:v34+s15+$0x0], $0xffff;
	v1 =	vsub.f32 v1, v29;
	v57 =	vmul.f32 v56, v16  }
0x20a: {  	v54 =	vand.u32 $0x7, v38;
	v0 =	vadd.f32 v0, v36;
	v4 =	vadd.f32 v24, v51;
	[tilespmem:s0+$0xB810] =	vst v2;
	v24 =	vld.idx.msk [tilespmem:v27+s21+$0x0], $0xffff  }
0x20b: {  	v58 =	vmul.f32 v15, v19;
	v25 =	vor.u32 v54, v5;
	v20 =	vmul.f32 v1, v20;
	v15 =	vld.idx.msk [tilespmem:v53+s15+$0x0], $0xffff  }
0x20c: {  	[tilespmem:s31+$0xBC30] =	vst v23;
	v23 =	vadd.f32 v57, v26;
	v32 =	vld.idx.msk [tilespmem:v35+s17+$0x0], $0xffff;
	v0 =	vmax.f32 v0, $0.0e+00;
	v16 =	vmax.f32 v4, $0.0e+00  }
0x20d: {  	v43 =	vmovc v6;
	v42 =	vmovc v7;
	v26 =	vadd.f32 v58, v52;
	v27 =	vld.idx.msk [tilespmem:v35+s21+$0x0], $0xffff;
	v0 =	vmin.f32 v0, $1.000000000e+00;
	v59 =	vmin.f32 v16, $1.000000000e+00  }
0x20e: {  	s9 =	simm.s32 $0x4;
	s25 =	simm.s32 $0x200;
	v16 =	vld.idx.msk [tilespmem:v53+s19+$0x0], $0xffff;
	v31 =	vmul.f32 v0, v18;
	v19 =	vmul.f32 v59, v28;
	v28 =	vsub.f32 v55, v21  }
.LBB2_5:
0x20f: {  	s3 =	sshra.s32 s25, $0x2  }
0x210: {  	[tilespmem:$0x1FF30] =	vst v42;
	s2 =	sadd.s32 $0x40, s2;
	v0 =	vmax.f32 v23, $0.0e+00;
	v1 =	vadd.f32 v20, v29;
	v49 =	vld [tilespmem:s3+$0x2000]  }
0x211: {  	v3 =	vmovc v13;
	[tilespmem:s0+$0xBC30] =	vst v19;
	v34 =	vmul.f32 v28, v10;
	v40 =	vmax.f32 v26, $0.0e+00;
	v42 =	vmov s2;
	v47 =	vld [tilespmem:s3+$0x2400]  }
0x212: {  	v2 =	vmovc v62;
	[tilespmem:$0x1FF90] =	vst v3;
	s11 =	sadd.s32 $0x10, s2;
	s12 =	sadd.s32 $0x20, s2;
	s14 =	sadd.s32 $0x30, s2;
	v52 =	vld [tilespmem:s3+$0x2010];
	v35 =	vsub.f32 v24, v14;
	v0 =	vmin.f32 v0, $1.000000000e+00;
	v41 =	vmin.f32 v40, $1.000000000e+00  }
0x213: {  	[tilespmem:$0x1FF50] =	vst v2;
	v48 =	vld [tilespmem:s3+$0x2410];
	v56 =	vmov s11;
	v57 =	vmov s12;
	v58 =	vmov s14  }
0x214: {  	[tilespmem:s0+$0xB820] =	vst v31;
	v36 =	vld [tilespmem:s3+$0x2030];
	v29 =	vmax.f32 v1, $0.0e+00;
	v1 =	vshll.u32 v56, $0x3;
	v2 =	vshll.u32 v57, $0x3  }
0x215: {  	v37 =	vld [tilespmem:s3+$0x2430];
	[tilespmem:$0x1FF20] =	vst v0;
	v3 =	vshll.u32 v58, $0x3;
	v0 =	vshll.u32 v42, $0x3;
	v55 =	vmul.f32 v35, v10  }
0x216: {  	v20 =	vmovc v8;
	v32 =	vsub.f32 v32, v15;
	v42 =	vor.u32 v60, v3;
	v44 =	vor.u32 v60, v1  }
0x217: {  	v8 =	vmovc v18;
	v23 =	vmovc v43;
	v43 =	vor.u32 v60, v2;
	v46 =	vor.u32 v60, v0;
	v18 =	vand.u32 $0xFFFFFFF8, v49  }
0x218: {  	v50 =	vld [tilespmem:s3+$0x2020];
	v31 =	vand.u32 $0xFFFFFFF8, v47;
	v62 =	vand.u32 $0xFFFFFFF8, v48;
	v39 =	vand.u32 $0x7, v49  }
0x219: {  	v51 =	vld [tilespmem:s3+$0x2420];
	v40 =	vand.u32 $0x7, v47;
	v53 =	vand.u32 $0x7, v52;
	v10 =	vand.u32 $0xFFFFFFF8, v36  }
0x21a: {  	v59 =	vand.u32 $0x7, v36;
	v13 =	vand.u32 $0xFFFFFFF8, v37;
	v10 =	vadd.s32 v42, v10  }
0x21b: {  	v19 =	vmovc v17;
	v17 =	vand.u32 $0x7, v37;
	v13 =	vadd.s32 v42, v13;
	v3 =	vor.u32 v59, v10  }
0x21c: {  	v54 =	vand.u32 $0x7, v48;
	v57 =	vadd.s32 $0x1, v48;
	v13 =	vor.u32 v17, v13  }
0x21d: {  	v4 =	vmovc v63;
	v35 =	vld [tilespmem:s3+$0x2820];
	v63 =	vadd.s32 v46, v18;
	v18 =	vand.u32 $0xFFFFFFF8, v50;
	v1 =	vadd.s32 v44, v62  }
0x21e: {  	[tilespmem:$0x1FF40] =	vst v55;
	v55 =	vand.u32 $0x7, v50;
	v5 =	vand.u32 $0x7, v51;
	v2 =	vor.u32 v39, v63;
	v39 =	vld [tilespmem:s3+$0x2830]  }
0x21f: {  	v24 =	vmovc v61;
	v58 =	vadd.s32 $0x1, v50;
	v61 =	vadd.s32 $0x1, v51;
	v33 =	vand.u32 $0xFFFFFFF8, v57;
	v10 =	vld [tilespmem:s3+$0x2800]  }
0x220: {  	v7 =	vand.u32 $0x7, v57;
	v18 =	vadd.s32 v43, v18;
	v17 =	vand.u32 $0xFFFFFFF8, v52;
	v38 =	vld.idx.msk [tilespmem:v3+s15+$0x0], $0xffff  }
0x221: {  	v18 =	vor.u32 v55, v18;
	v60 =	vadd.s32 v44, v17;
	v17 =	vadd.s32 v46, v31;
	v45 =	vld.idx.msk [tilespmem:v13+s17+$0x0], $0xffff  }
0x222: {  	v1 =	vor.u32 v54, v1;
	v54 =	vadd.s32 $0x1, v47;
	v17 =	vor.u32 v40, v17;
	v3 =	vld.idx.msk [tilespmem:v3+s19+$0x0], $0xffff  }
0x223: {  	[tilespmem:$0x1FF80] =	vst v4;
	v9 =	vand.u32 $0xFFFFFFF8, v61;
	v4 =	vadd.s32 v44, v33;
	v55 =	vadd.s32 $0x1, v52;
	v40 =	vld.idx.msk [tilespmem:v13+s21+$0x0], $0xffff  }
0x224: {  	v31 =	vand.u32 $0xFFFFFFF8, v51;
	v0 =	vor.u32 v53, v60;
	v60 =	vand.u32 $0xFFFFFFF8, v54;
	v62 =	vld.idx.msk [tilespmem:v2+s15+$0x0], $0xffff  }
0x225: {  	v63 =	vand.u32 $0xFFFFFFF8, v55;
	v54 =	vand.u32 $0x7, v54;
	v60 =	vadd.s32 v46, v60;
	v2 =	vld.idx.msk [tilespmem:v2+s19+$0x0], $0xffff  }
0x226: {  	[tilespmem:$0x1FF60] =	vst v41;
	v33 =	vand.u32 $0x7, v55;
	v41 =	vadd.s32 v43, v31;
	v55 =	vor.u32 v54, v60;
	v60 =	vld.idx.msk [tilespmem:v18+s15+$0x0], $0xffff  }
0x227: {  	v53 =	vadd.s32 $0x1, v49;
	v63 =	vadd.s32 v44, v63;
	v56 =	vor.u32 v5, v41;
	v6 =	vld.idx.msk [tilespmem:v17+s17+$0x0], $0xffff  }
0x228: {  	v59 =	vand.u32 $0xFFFFFFF8, v53;
	v17 =	vld.idx.msk [tilespmem:v17+s21+$0x0], $0xffff;
	v45 =	vsub.f32 v45, v38;
	v40 =	vsub.f32 v40, v3  }
0x229: {  	[tilespmem:$0x1FF70] =	vst v30;
	v28 =	vmovc v12;
	v5 =	vand.u32 $0xFFFFFFF8, v58;
	v53 =	vand.u32 $0x7, v53;
	v58 =	vand.u32 $0x7, v58;
	v12 =	vld.idx.msk [tilespmem:v0+s15+$0x0], $0xffff  }
0x22a: {  	v59 =	vadd.s32 v46, v59;
	v0 =	vld.idx.msk [tilespmem:v0+s19+$0x0], $0xffff;
	v45 =	vmul.f32 v45, v39;
	v30 =	vmul.f32 v40, v39  }
0x22b: {  	v5 =	vadd.s32 v43, v5;
	v54 =	vor.u32 v7, v4;
	v57 =	vor.u32 v53, v59;
	v40 =	vld [tilespmem:s3+$0x2C30]  }
0x22c: {  	v53 =	vor.u32 v33, v63;
	v63 =	vld.idx.msk [tilespmem:v56+s17+$0x0], $0xffff;
	v45 =	vadd.f32 v45, v38;
	v3 =	vadd.f32 v30, v3  }
0x22d: {  	v7 =	vadd.s32 $0x1, v37;
	v33 =	vadd.s32 $0x1, v36;
	v11 =	vld.idx.msk [tilespmem:v56+s21+$0x0], $0xffff;
	v59 =	vsub.f32 v17, v2  }
0x22e: {  	v4 =	vand.u32 $0x7, v33;
	v17 =	vand.u32 $0xFFFFFFF8, v33;
	v33 =	vld.idx.msk [tilespmem:v18+s19+$0x0], $0xffff;
	v3 =	vsub.f32 v3, v45  }
0x22f: {  	v56 =	vor.u32 v58, v5;
	v6 =	vsub.f32 v6, v62;
	v30 =	vld.idx.msk [tilespmem:v1+s17+$0x0], $0xffff;
	v59 =	vmul.f32 v59, v10  }
0x230: {  	v18 =	vand.u32 $0xFFFFFFF8, v7;
	v7 =	vand.u32 $0x7, v7;
	v1 =	vld.idx.msk [tilespmem:v1+s21+$0x0], $0xffff;
	v3 =	vmul.f32 v3, v40  }
0x231: {  	v17 =	vadd.s32 v42, v17;
	v6 =	vmul.f32 v6, v10;
	v38 =	vld [tilespmem:s3+$0x3030];
	v2 =	vadd.f32 v59, v2  }
0x232: {  	[tilespmem:$0x1FF10] =	vst v34;
	v34 =	vld [tilespmem:s3+$0x2810];
	v18 =	vadd.s32 v42, v18;
	v59 =	vsub.f32 v63, v60;
	v3 =	vadd.f32 v3, v45  }
0x233: {  	v26 =	vld [tilespmem:s3+$0x2C00];
	v4 =	vor.u32 v4, v17;
	v7 =	vor.u32 v7, v18;
	v6 =	vadd.f32 v6, v62  }
0x234: {  	v58 =	vmul.f32 v59, v35;
	v59 =	vsub.f32 v11, v33;
	v3 =	vmax.f32 v3, $0.0e+00  }
0x235: {  	v2 =	vsub.f32 v2, v6;
	v30 =	vsub.f32 v30, v12;
	v3 =	vmin.f32 v3, $1.000000000e+00  }
0x236: {  	v31 =	vld [tilespmem:s3+$0x2C10];
	v1 =	vsub.f32 v1, v0;
	v5 =	vmul.f32 v59, v35;
	v3 =	vmul.f32 v3, v38  }
0x237: {  	v61 =	vand.u32 $0x7, v61;
	v9 =	vadd.s32 v43, v9;
	v41 =	vld [tilespmem:s3+$0x3000];
	v30 =	vmul.f32 v30, v34  }
0x238: {  	v13 =	vld [tilespmem:s3+$0x2C20];
	v2 =	vmul.f32 v2, v26;
	v1 =	vmul.f32 v1, v34;
	v5 =	vadd.f32 v5, v33;
	[tilespmem:s3+$0xB430] =	vst v3  }
0x239: {  	v12 =	vadd.f32 v30, v12;
	v3 =	vadd.s32 $0x2, v49;
	v49 =	vor.u32 v61, v9;
	v9 =	vld.idx.msk [tilespmem:v4+s15+$0x0], $0xffff  }
0x23a: {  	v0 =	vadd.f32 v1, v0;
	v1 =	vadd.f32 v58, v60;
	v11 =	vld.idx.msk [tilespmem:v7+s17+$0x0], $0xffff  }
0x23b: {  	v27 =	vsub.f32 v27, v16;
	v48 =	vadd.s32 $0x2, v48;
	v2 =	vadd.f32 v2, v6;
	v4 =	vld.idx.msk [tilespmem:v4+s19+$0x0], $0xffff  }
0x23c: {  	v32 =	vmul.f32 v32, v20;
	v0 =	vsub.f32 v0, v12;
	v5 =	vsub.f32 v5, v1;
	v7 =	vld.idx.msk [tilespmem:v7+s21+$0x0], $0xffff  }
0x23d: {  	v50 =	vadd.s32 $0x2, v50;
	v52 =	vadd.s32 $0x2, v52;
	v37 =	vadd.s32 $0x2, v37  }
0x23e: {  	v17 =	vld [tilespmem:s3+$0x3010];
	v2 =	vmax.f32 v2, $0.0e+00;
	v0 =	vmul.f32 v0, v31;
	v5 =	vmul.f32 v5, v13  }
0x23f: {  	v36 =	vadd.s32 $0x2, v36;
	v18 =	vld [tilespmem:s3+$0x3020];
	v30 =	vadd.s32 $0x2, v47;
	v2 =	vmin.f32 v2, $1.000000000e+00  }
0x240: {  	v45 =	vld.idx.msk [tilespmem:v22+s15+$0x0], $0xffff;
	v2 =	vmul.f32 v2, v41;
	v0 =	vadd.f32 v0, v12;
	v1 =	vadd.f32 v5, v1  }
0x241: {  	v47 =	vld.idx.msk [tilespmem:v22+s19+$0x0], $0xffff;
	v22 =	vand.u32 $0xFFFFFFF8, v30;
	v11 =	vsub.f32 v11, v9;
	v7 =	vsub.f32 v7, v4  }
0x242: {  	v33 =	vadd.s32 $0x2, v51;
	[tilespmem:s3+$0xB400] =	vst v2;
	v2 =	vadd.s32 v46, v22;
	v0 =	vmax.f32 v0, $0.0e+00  }
0x243: {  	v51 =	vld.idx.msk [tilespmem:v25+s21+$0x0], $0xffff;
	v1 =	vmax.f32 v1, $0.0e+00;
	v61 =	vmul.f32 v11, v39;
	v7 =	vmul.f32 v7, v39  }
0x244: {  	v58 =	vld.idx.msk [tilespmem:v25+s17+$0x0], $0xffff;
	v22 =	vand.u32 $0x7, v30;
	v0 =	vmin.f32 v0, $1.000000000e+00;
	v1 =	vmin.f32 v1, $1.000000000e+00  }
0x245: {  	v30 =	vld.idx.msk [tilespmem:v55+s21+$0x0], $0xffff;
	v0 =	vmul.f32 v0, v17;
	v5 =	vadd.f32 v61, v9;
	v4 =	vadd.f32 v7, v4  }
0x246: {  	v59 =	vand.u32 $0xFFFFFFF8, v50;
	v25 =	vand.u32 $0xFFFFFFF8, v48;
	v1 =	vmul.f32 v1, v18;
	v11 =	vld.idx.msk [tilespmem:v55+s17+$0x0], $0xffff  }
0x247: {  	v6 =	vand.u32 $0xFFFFFFF8, v3;
	[tilespmem:s3+$0xB410] =	vst v0;
	v0 =	vadd.s32 v44, v25;
	v25 =	vld.idx.msk [tilespmem:v57+s19+$0x0], $0xffff;
	v4 =	vsub.f32 v4, v5  }
0x248: {  	v60 =	vand.u32 $0xFFFFFFF8, v33;
	v6 =	vadd.s32 v46, v6;
	v12 =	vand.u32 $0xFFFFFFF8, v52;
	[tilespmem:s3+$0xB420] =	vst v1;
	v7 =	vld.idx.msk [tilespmem:v57+s15+$0x0], $0xffff  }
0x249: {  	v1 =	vadd.s32 v43, v60;
	v9 =	vadd.s32 v44, v12;
	v44 =	vld.idx.msk [tilespmem:v53+s15+$0x0], $0xffff;
	v4 =	vmul.f32 v4, v40  }
0x24a: {  	v12 =	vadd.s32 v43, v59;
	v43 =	vand.u32 $0x7, v52;
	v59 =	vand.u32 $0xFFFFFFF8, v36;
	v46 =	vld.idx.msk [tilespmem:v54+s17+$0x0], $0xffff  }
0x24b: {  	v36 =	vand.u32 $0x7, v36;
	v61 =	vand.u32 $0xFFFFFFF8, v37;
	v53 =	vld.idx.msk [tilespmem:v53+s19+$0x0], $0xffff;
	v4 =	vadd.f32 v4, v5  }
0x24c: {  	v37 =	vand.u32 $0x7, v37;
	v52 =	vld.idx.msk [tilespmem:v49+s17+$0x0], $0xffff;
	v57 =	vadd.s32 v42, v61;
	v5 =	vadd.s32 v42, v59  }
0x24d: {  	v61 =	vand.u32 $0x7, v48;
	v59 =	vld.idx.msk [tilespmem:v54+s21+$0x0], $0xffff;
	v5 =	vor.u32 v36, v5;
	v4 =	vmax.f32 v4, $0.0e+00  }
0x24e: {  	v48 =	vld.idx.msk [tilespmem:v56+s15+$0x0], $0xffff;
	v11 =	vsub.f32 v11, v7;
	v36 =	vor.u32 v37, v57;
	v4 =	vmin.f32 v4, $1.000000000e+00  }
0x24f: {  	v27 =	vmul.f32 v27, v20;
	v4 =	vmul.f32 v4, v38  }
0x250: {  	v20 =	vld [tilespmem:$0x1FF10];
	v62 =	vmovc v19;
	v50 =	vand.u32 $0x7, v50;
	v30 =	vsub.f32 v30, v25;
	v11 =	vmul.f32 v11, v10  }
0x251: {  	v2 =	vor.u32 v22, v2;
	v0 =	vor.u32 v61, v0;
	v61 =	vsub.f32 v58, v45;
	[tilespmem:s3+$0xB830] =	vst v4  }
0x252: {  	v7 =	vadd.f32 v11, v7;
	v11 =	vmul.f32 v30, v10;
	v57 =	vsub.f32 v59, v53;
	v30 =	vld.idx.msk [tilespmem:v5+s15+$0x0], $0xffff  }
0x253: {  	v22 =	vor.u32 v50, v12;
	v19 =	vsub.f32 v46, v44;
	v50 =	vsub.f32 v52, v48;
	v12 =	vld.idx.msk [tilespmem:v36+s17+$0x0], $0xffff  }
0x254: {  	v4 =	vmin.f32 v29, $1.000000000e+00;
	v29 =	vsub.f32 v51, v47;
	v5 =	vld.idx.msk [tilespmem:v5+s19+$0x0], $0xffff;
	v46 =	vmul.f32 v57, v34  }
0x255: {  	v19 =	vmul.f32 v19, v34;
	v11 =	vadd.f32 v11, v25;
	v51 =	vadd.f32 v20, v21;
	v59 =	vld.idx.msk [tilespmem:v36+s21+$0x0], $0xffff  }
0x256: {  	v20 =	vmul.f32 v61, v23;
	v36 =	vadd.f32 v46, v53;
	v53 =	vmul.f32 v29, v23;
	v23 =	vld [tilespmem:$0x1FF20]  }
0x257: {  	v3 =	vand.u32 $0x7, v3;
	v19 =	vadd.f32 v19, v44;
	v11 =	vsub.f32 v11, v7  }
0x258: {  	v33 =	vand.u32 $0x7, v33;
	v3 =	vor.u32 v3, v6  }
0x259: {  	v42 =	vmul.f32 v50, v35;
	v11 =	vmul.f32 v11, v26;
	v21 =	vsub.f32 v36, v19  }
0x25a: {  	v6 =	vld.idx.msk [tilespmem:v56+s19+$0x0], $0xffff;
	v25 =	vor.u32 v33, v1;
	v12 =	vsub.f32 v12, v30;
	v1 =	vsub.f32 v59, v5  }
0x25b: {  	v49 =	vld.idx.msk [tilespmem:v49+s21+$0x0], $0xffff;
	v7 =	vadd.f32 v11, v7;
	v11 =	vmul.f32 v21, v31;
	v29 =	vmul.f32 v23, v24  }
0x25c: {  	v23 =	vld [tilespmem:$0x1FF30];
	v12 =	vmul.f32 v12, v39;
	v1 =	vmul.f32 v1, v39  }
0x25d: {  	v52 =	vadd.f32 v42, v48;
	v7 =	vmax.f32 v7, $0.0e+00;
	v11 =	vadd.f32 v11, v19  }
0x25e: {  	v42 =	vmovc v41;
	v7 =	vmin.f32 v7, $1.000000000e+00;
	v12 =	vadd.f32 v12, v30;
	v1 =	vadd.f32 v1, v5  }
0x25f: {  	v9 =	vor.u32 v43, v9;
	v54 =	vmul.f32 v7, v42;
	v7 =	vmax.f32 v11, $0.0e+00  }
0x260: {  	v43 =	vmovc v35;
	v21 =	vsub.f32 v49, v6;
	v7 =	vmin.f32 v7, $1.000000000e+00;
	v1 =	vsub.f32 v1, v12  }
0x261: {  	v11 =	vadd.f32 v32, v15;
	v61 =	vmovc v23;
	v23 =	vld [tilespmem:$0x1FF40];
	v55 =	vmul.f32 v7, v17;
	v7 =	vadd.f32 v27, v16  }
0x262: {  	v19 =	vmul.f32 v21, v43;
	v1 =	vmul.f32 v1, v40  }
0x263: {  	v57 =	vsub.f32 v7, v11;
	v7 =	vld [tilespmem:$0x1FF50]  }
0x264: {  	v6 =	vadd.f32 v19, v6;
	v1 =	vadd.f32 v1, v12;
	v12 =	vld [tilespmem:$0x1FF60]  }
0x265: {  	v59 =	vld [tilespmem:$0x1FF70]  }
0x266: {  	v6 =	vsub.f32 v6, v52;
	v14 =	vadd.f32 v23, v14  }
0x267: {  	[tilespmem:s31+$0xBC00] =	vst v29;
	v29 =	vadd.f32 v20, v45  }
0x268: {  	v15 =	vadd.f32 v53, v47;
	v56 =	vmul.f32 v6, v13;
	v6 =	vsub.f32 v14, v51  }
0x269: {  	[tilespmem:s3+$0xB810] =	vst v55;
	v7 =	vmul.f32 v12, v7  }
0x26a: {  	v5 =	vmul.f32 v6, v59;
	v6 =	vsub.f32 v15, v29;
	v15 =	vld.idx.msk [tilespmem:v9+s15+$0x0], $0xffff  }
0x26b: {  	[tilespmem:s31+$0xBC10] =	vst v7;
	v7 =	vld [tilespmem:$0x1FF80]  }
0x26c: {  	[tilespmem:s3+$0xB800] =	vst v54  }
0x26d: {  	v21 =	vld.idx.msk [tilespmem:v3+s15+$0x0], $0xffff  }
0x26e: {  	v27 =	vld.idx.msk [tilespmem:v2+s17+$0x0], $0xffff  }
0x26f: {  	s9 =	sadd.s32 $0x4, s9;
	v60 =	vld [tilespmem:$0x1FFF0]  }
0x270: {  	p0 =	slt.u32 s9, $0x3C;
	v58 =	vadd.f32 v56, v52;
	v4 =	vmul.f32 v4, v7;
	v7 =	vld [tilespmem:$0x1FF90]  }
.Ltmp1:
0x271: {  	v24 =	vld.idx.msk [tilespmem:v2+s21+$0x0], $0xffff;
	v1 =	vmax.f32 v1, $0.0e+00;
	(pc) =	sbr.rel @p0 .LBB2_5-.Ltmp1, $4  }
0x272: {  	v2 =	vmax.f32 v58, $0.0e+00;
	v1 =	vmin.f32 v1, $1.000000000e+00;
	v14 =	vld.idx.msk [tilespmem:v3+s19+$0x0], $0xffff;
	v3 =	vmul.f32 v57, v28  }
0x273: {  	v63 =	vmovc v8;
	v2 =	vmin.f32 v2, $1.000000000e+00;
	v19 =	vmul.f32 v1, v38;
	v28 =	vsub.f32 v27, v21;
	v32 =	vld.idx.msk [tilespmem:v0+s17+$0x0], $0xffff  }
0x274: {  	v30 =	vmovc v26;
	v12 =	vmov v31;
	v31 =	vmul.f32 v2, v18;
	v26 =	vadd.f32 v3, v11;
	v16 =	vld.idx.msk [tilespmem:v9+s19+$0x0], $0xffff  }
0x275: {  	s25 =	sadd.s32 $0x100, s25;
	v8 =	vmov v34;
	v23 =	vadd.f32 v5, v51;
	v27 =	vld.idx.msk [tilespmem:v0+s21+$0x0], $0xffff;
	[tilespmem:s31+$0xBC20] =	vst v4;
	s31 =	smov.u32 s0;
	s0 =	smov.u32 s3;
	v20 =	vmul.f32 v6, v7  }
0x276: {  	_ =	sdelay $0x2  }
0x277: {  	[tilespmem:s0+$0xB820] =	vst v31  }
0x278: {  	v0 =	vld.idx.msk [tilespmem:v22+s15+$0x0], $0xffff  }
0x279: {  	v1 =	vld.idx.msk [tilespmem:v25+s17+$0x0], $0xffff  }
0x27a: {  	v2 =	vld.idx.msk [tilespmem:v22+s19+$0x0], $0xffff  }
0x27b: {  	v3 =	vld.idx.msk [tilespmem:v25+s21+$0x0], $0xffff;
	_ =	sdelay $0x2  }
0x27c: {  	v4 =	vsub.f32 v24, v14;
	v5 =	vsub.f32 v32, v15  }
0x27d: {  	v6 =	vmul.f32 v28, v10;
	v7 =	vsub.f32 v27, v16;
	v1 =	vsub.f32 v1, v0  }
0x27e: {  	v4 =	vmul.f32 v4, v10;
	v5 =	vmul.f32 v5, v8;
	v3 =	vsub.f32 v3, v2  }
0x27f: {  	v6 =	vadd.f32 v6, v21;
	v7 =	vmul.f32 v7, v8;
	v1 =	vmul.f32 v1, v43  }
0x280: {  	v4 =	vadd.f32 v4, v14;
	v5 =	vadd.f32 v5, v15;
	v3 =	vmul.f32 v3, v43  }
0x281: {  	v7 =	vadd.f32 v7, v16;
	v0 =	vadd.f32 v1, v0  }
0x282: {  	v1 =	vadd.f32 v3, v2;
	v2 =	vsub.f32 v4, v6  }
0x283: {  	v60 =	vmax.f32 v26, $0.0e+00;
	v59 =	vadd.f32 v20, v29;
	v7 =	vsub.f32 v7, v5  }
0x284: {  	v8 =	vmin.f32 v60, $1.000000000e+00;
	v2 =	vmul.f32 v2, v30;
	v1 =	vsub.f32 v1, v0  }
0x285: {  	v62 =	vmul.f32 v8, v62;
	v3 =	vmax.f32 v23, $0.0e+00;
	v7 =	vmul.f32 v7, v12  }
0x286: {  	v3 =	vmin.f32 v3, $1.000000000e+00;
	v1 =	vmul.f32 v1, v13;
	v2 =	vadd.f32 v2, v6  }
0x287: {  	v4 =	vmax.f32 v59, $0.0e+00;
	v3 =	vmul.f32 v3, v61;
	v5 =	vadd.f32 v7, v5  }
0x288: {  	[tilespmem:s0+$0xBC30] =	vst v19;
	v4 =	vmin.f32 v4, $1.000000000e+00;
	v2 =	vmax.f32 v2, $0.0e+00;
	v0 =	vadd.f32 v1, v0  }
0x289: {  	[tilespmem:s31+$0xBC00] =	vst v3;
	v1 =	vmul.f32 v4, v63;
	v3 =	vmax.f32 v5, $0.0e+00;
	v2 =	vmin.f32 v2, $1.000000000e+00  }
0x28a: {  	[tilespmem:s31+$0xBC10] =	vst v62;
	v3 =	vmin.f32 v3, $1.000000000e+00;
	v0 =	vmax.f32 v0, $0.0e+00;
	v2 =	vmul.f32 v2, v42  }
0x28b: {  	[tilespmem:s31+$0xBC20] =	vst v1;
	v1 =	vmul.f32 v3, v17;
	v0 =	vmin.f32 v0, $1.000000000e+00  }
0x28c: {  	[tilespmem:s0+$0xBC00] =	vst v2;
	v0 =	vmul.f32 v0, v18  }
0x28d: {  	[tilespmem:s0+$0xBC10] =	vst v1  }
0x28e: {  	s28 =	sadd.s32 s4, s28;
	[tilespmem:s0+$0xBC20] =	vst v0  }
0x28f: {  	[hbm4b:s28+s5] =	stream.linear.scatter [tilespmem:s22], [sflag:$0x1], $0x400, $0x38;
	[tilespmem:$0xC000] =	vst v63  }
0x290: {  	s29 =	sadd.s32 s4, s29  }
0x291: {  	[hbm4b:s29+s5] =	stream.linear.scatter [tilespmem:s23], [sflag:$0x1], $0x400, $0x38;
	[tilespmem:$0xC000] =	vst v63  }
0x292: {  	s31 =	sadd.s32 s4, s30  }
0x293: {  	[hbm4b:s31+s5] =	stream.linear.scatter [tilespmem:s24], [sflag:$0x1], $0x400, $0x38;
	[tilespmem:$0xC000] =	vst v63  }
0x294: {  	_ =	swait.ge [sflag:s13], $0x400  }
0x295: {  	[sflag:s13] =	ssyncset.done $0x0  }
0x296: {  	s26 =	sadd.s32 $0x1, s26;
	[sflag:s13] =	ssyncadd.s32 $0xFFFFFC00  }
0x297: {  	p0 =	sne.s32 s26, s7;
	_ =	swait.ge [sflag:s13], $0x400  }
.Ltmp2:
0x298: {  	[sflag:s13] =	ssyncset.done $0x0;
	(pc) =	sbr.rel @p0 .LBB2_2-.Ltmp2, $4  }
0x299: {  	[sflag:s13] =	ssyncadd.s32 $0xFFFFFC00  }
0x29a: {  	_ =	swait.ge [sflag:s13], $0x400  }
0x29b: {  	[sflag:s13] =	ssyncset.done $0x0  }
0x29c: {  	v1 =	vimm.s32 $0x3;
	v2 =	vimm.s32 $0x5;
	v0 =	vimm.s32 $0x0;
	[sflag:s13] =	ssyncadd.s32 $0xFFFFFC00  }
0x29d: {  	s2 =	rddreg [dreg:$0x6]  }
0x29e: {  	s0 =	rddreg [dreg:$0x5];
	s2 =	sadd.s32 $0x1, s2  }
0x29f: {  	p0 =	sne.s32 s2, s0  }
.Ltmp3:
0x2a0: {  	_ = 	snop;
	(pc) =	sbr.rel @p0 .LBB2_1-.Ltmp3, $1  }
0x2a1: {  	_ =	sdelay $0x3  }
0x2a2: {  	_ =	sfence.sel $0x180000  }
0x2a3: {  	[bflag:$0x0] =	sbarrier.arrive $0xFFFF  }
0x2a4: {  	_ =	strace $0x9000004A  }
0x2a5: {  	s0 =	stileid.u32;
	[bflag:$0x2] =	sbarrier.arrive $0xFFFF  }
0x2a6: {  	p0 =	sne.s32 s0, $0x0;
	s0 =	rddreg [dreg:$0x4]  }
0x2a7: {  	s0 =	sadd.s32 @!p0 $0x100000, s0  }
0x2a8: {  	[sflag:s0] =	ssyncadd.tile.s32 @!p0 $0x1;
	_ =	shalt  }
.Lfunc_end2:
_tile_overlayer_lowered:
.L_overlay_start_2:
0x2a9: {  	(tag) =	ssettag $0x2  }
0x2aa: {  	s0 =	rddreg [dreg:$0x0];
	s2 =	stileid.u32  }
0x2ab: {  	s1 =	rddreg [dreg:$0x1];
	p0 =	sne.s32 s2, $0x0  }
0x2ac: {  	s3 =	rddreg [dreg:$0x2];
	[bflag:$0x3] =	sbarrier.arrive $0xFFFF;
	s2 =	simm.s32 @!p0 $0x1C02  }
0x2ad: {  	[timem:s3], [sflag:s2] =	dma.local @!p0 [hbm:s0], s1  }
0x2ae: {  	s0 =	simm.s32 @!p0 $0x2  }
0x2af: {  	_ =	swait.ge @!p0 [sflag:s0], s1  }
0x2b0: {  	s1 =	ssub.s32 @!p0 $0x0, s1;
	[sflag:s0] =	ssyncset.done @!p0 $0x0  }
0x2b1: {  	[sflag:s0] =	ssyncadd.s32 @!p0 s1  }
0x2b2: {  	[bflag:$0x3] =	sbarrier.arrive $0xFFFF  }
0x2b3: {  	_ =	shalt  }

</sc_bundles>
